<compile_context>
chip_gen: v7x
topology: tpu7x:2x2x1
jax: 0.10.2.dev20260603
libtpu: 0.0.44.dev20260713+nightly
codegen_flags: <defaults>
</compile_context>

<pallas_src>
import functools

import jax
import jax.numpy as jnp
from jax import lax
from jax.experimental import pallas as pl
from jax.experimental.pallas import tpu as pltpu
from jax.experimental.pallas import tpu_sc as plsc

N = 20000
C = 81
NTILE = 32
CHUNK = 128
GPC = CHUNK // 16
NBIG = 28
TAIL0 = 19968
L = 16

_mesh = plsc.VectorSubcoreMesh(core_axis_name="c", subcore_axis_name="s")


def _argmax_merge(m_a, l_a, m_b, l_b):
    upd = (m_b > m_a) | ((m_b == m_a) & (l_b < l_a))
    return jnp.where(upd, m_b, m_a), jnp.where(upd, l_b, l_a)


@functools.partial(
    pl.kernel,
    mesh=_mesh,
    compiler_params=pltpu.CompilerParams(needs_layout_passes=False),
    out_type=jax.ShapeDtypeStruct((6, NTILE, 8, 128), jnp.float32),
    scratch_types=[
        pltpu.VMEM((C, CHUNK), jnp.float32),
        pltpu.VMEM((4 * C, CHUNK), jnp.float32),
        pltpu.VMEM((4 * C, CHUNK), jnp.float32),
        pltpu.VMEM((32, 4 * C + C + 4), jnp.float32),
        pltpu.VMEM((4, 5 * CHUNK), jnp.float32),
        pltpu.VMEM((4, CHUNK), jnp.float32),
        pltpu.VMEM((8, 128), jnp.float32),
        pltpu.VMEM((8, 128), jnp.float32),
        pltpu.VMEM((8, 128), jnp.float32),
        pltpu.VMEM((8, 128), jnp.float32),
        pltpu.VMEM((8, 128), jnp.float32),
        pltpu.VMEM((8, 128), jnp.float32),
        pltpu.SemaphoreType.DMA,
        pltpu.SemaphoreType.DMA((2,)),
        pltpu.SemaphoreType.DMA,
    ],
)
def _bbox_head_sc(cls_hbm, props_hbm, reg_hbm, tail_hbm,
                  out_hbm,
                  cls_v, reg_b0, reg_b1, tail_v, props_v, dstash,
                  px1_st, py1_st, px2_st, py2_st, score_st, label_st,
                  csem, rsem, msem):
    wid = lax.axis_index("s") * 2 + lax.axis_index("c")
    extra = jnp.maximum(wid - NBIG, 0)
    base_col = 640 * wid - 128 * extra
    nch = jnp.where(wid < NBIG, 5, 4)
    is_tail_owner = (wid >= NBIG) & (wid < NBIG + 2)
    tb = wid - NBIG
    reg_bufs = (reg_b0, reg_b1)

    def chunk_col(c):
        return pl.multiple_of(base_col + CHUNK * c, 128)

    def fire_cls(c):
        pltpu.async_copy(cls_hbm.at[:, pl.ds(chunk_col(c), CHUNK)],
                         cls_v, csem)

    def fire_reg(c, buf):
        pltpu.async_copy(reg_hbm.at[:, pl.ds(chunk_col(c), CHUNK)],
                         reg_bufs[buf], rsem.at[buf])

    fire_cls(0)
    fire_reg(0, 0)
    fire_reg(1, 1)

    @pl.when(wid < NBIG)
    def _():
        pltpu.async_copy(
            props_hbm.at[:, pl.ds(pl.multiple_of(base_col, 128), 5 * CHUNK)],
            props_v, msem)

    @pl.when(wid >= NBIG)
    def _():
        pltpu.async_copy(
            props_hbm.at[:, pl.ds(pl.multiple_of(base_col, 128), 4 * CHUNK)],
            props_v.at[pl.ds(0, 4), pl.ds(0, 4 * CHUNK)], msem)

    lane = lax.iota(jnp.int32, L)

    def score_chunk_group(gr):
        def ld(c):
            return cls_v[c, pl.ds(gr * L, L)]

        def col(c):
            return jnp.full((L,), c, jnp.int32)

        def blk1(cb, carry):
            acc = [carry[0:2], carry[2:4], carry[4:6]]
            for k in range(9):
                c = cb * 9 + k
                m, lbl = acc[k % 3]
                v = ld(c)
                upd = v > m
                acc[k % 3] = (jnp.where(upd, v, m),
                              jnp.where(upd, jnp.broadcast_to(c, (L,)), lbl))
            return (*acc[0], *acc[1], *acc[2])

        neg = jnp.full((L,), -jnp.inf, jnp.float32)
        zi = jnp.zeros((L,), jnp.int32)
        carry = lax.fori_loop(0, 9, blk1, (neg, zi, neg, zi, neg, zi))
        m, lbl = _argmax_merge(*carry[0:2], *carry[2:4])
        m, lbl = _argmax_merge(m, lbl, *carry[4:6])

        def blk2(cb, parts):
            parts = list(parts)
            for k in range(9):
                parts[k % 3] = parts[k % 3] + jnp.exp(ld(cb * 9 + k) - m)
            return tuple(parts)

        z = jnp.zeros((L,), jnp.float32)
        parts = lax.fori_loop(0, 9, blk2, (z, z, z))
        s = (parts[0] + parts[1]) + parts[2]
        return lbl, 1.0 / s

    def decode(d, p):
        dx, dy = d[0] * 0.1, d[1] * 0.1
        dw, dh = d[2] * 0.2, d[3] * 0.2
        pw = p[2] - p[0]
        ph = p[3] - p[1]
        px = p[0] + 0.5 * pw
        py = p[1] + 0.5 * ph
        gx = px + pw * dx
        gy = py + ph * dy
        gw = pw * jnp.exp(dw)
        gh = ph * jnp.exp(dh)
        return gx - 0.5 * gw, gy - 0.5 * gh, gx + 0.5 * gw, gy + 0.5 * gh

    def process_chunk(c, buf):
        reg_v = reg_bufs[buf]
        pltpu.make_async_copy(cls_hbm.at[:, pl.ds(0, CHUNK)],
                              cls_v, csem).wait()
        pltpu.make_async_copy(reg_hbm.at[:, pl.ds(0, CHUNK)],
                              reg_v, rsem.at[buf]).wait()

        def score_body(gr, _):
            lbl, sc = score_chunk_group(gr)
            score_st[c, pl.ds(gr * L, L)] = sc
            label_st[c, pl.ds(gr * L, L)] = lbl.astype(jnp.float32)
            cols = gr * L + lane
            for j in range(4):
                dstash[j, pl.ds(gr * L, L)] = plsc.load_gather(
                    reg_v, [lbl + j * C, cols])
            return 0

        lax.fori_loop(0, GPC, score_body, 0)

        @pl.when(c + 1 < nch)
        def _():
            fire_cls(c + 1)

        @pl.when(c + 2 < nch)
        def _():
            fire_reg(c + 2, buf)

        def decode_body(gr, _):
            d = [dstash[j, pl.ds(gr * L, L)] for j in range(4)]
            p = [props_v[j, pl.ds(c * CHUNK + gr * L, L)] for j in range(4)]
            x1, y1, x2, y2 = decode(d, p)
            px1_st[c, pl.ds(gr * L, L)] = x1
            py1_st[c, pl.ds(gr * L, L)] = y1
            px2_st[c, pl.ds(gr * L, L)] = x2
            py2_st[c, pl.ds(gr * L, L)] = y2
            return 0

        lax.fori_loop(0, GPC, decode_body, 0)

    def chunk_pair(cpair, _):
        @pl.when(2 * cpair < nch)
        def _():
            process_chunk(2 * cpair, 0)

        @pl.when(2 * cpair + 1 < nch)
        def _():
            process_chunk(2 * cpair + 1, 1)
        return 0

    lax.fori_loop(0, 3, chunk_pair, 0)

    @pl.when(is_tail_owner)
    def _():
        pltpu.async_copy(tail_hbm, tail_v, msem)
        pltpu.make_async_copy(tail_hbm, tail_v, msem).wait()

        rsel = tb * L + lane

        def col(cc):
            return jnp.full((L,), cc, jnp.int32)

        def tld(cc):
            return plsc.load_gather(tail_v, [rsel, jnp.broadcast_to(cc, (L,))])

        def blk1(cb, carry):
            acc = [carry[0:2], carry[2:4], carry[4:6]]
            for k in range(9):
                cc = cb * 9 + k
                m, lbl = acc[k % 3]
                v = tld(cc)
                upd = v > m
                acc[k % 3] = (jnp.where(upd, v, m),
                              jnp.where(upd, jnp.broadcast_to(cc, (L,)), lbl))
            return (*acc[0], *acc[1], *acc[2])

        neg = jnp.full((L,), -jnp.inf, jnp.float32)
        zi = jnp.zeros((L,), jnp.int32)
        carry = lax.fori_loop(0, 9, blk1, (neg, zi, neg, zi, neg, zi))
        m, lbl = _argmax_merge(*carry[0:2], *carry[2:4])
        m, lbl = _argmax_merge(m, lbl, *carry[4:6])

        def blk2(cb, parts):
            parts = list(parts)
            for k in range(9):
                parts[k % 3] = parts[k % 3] + jnp.exp(tld(cb * 9 + k) - m)
            return tuple(parts)

        z = jnp.zeros((L,), jnp.float32)
        parts = lax.fori_loop(0, 9, blk2, (z, z, z))
        s = (parts[0] + parts[1]) + parts[2]

        d = [plsc.load_gather(tail_v, [rsel, C + lbl + j * C])
             for j in range(4)]
        p = [plsc.load_gather(tail_v, [rsel, col(5 * C + j)])
             for j in range(4)]
        x1, y1, x2, y2 = decode(d, p)

        px1_st[4, pl.ds(tb * L, L)] = x1
        py1_st[4, pl.ds(tb * L, L)] = y1
        px2_st[4, pl.ds(tb * L, L)] = x2
        py2_st[4, pl.ds(tb * L, L)] = y2
        score_st[4, pl.ds(tb * L, L)] = 1.0 / s
        label_st[4, pl.ds(tb * L, L)] = lbl.astype(jnp.float32)

    stagings = (px1_st, py1_st, px2_st, py2_st, score_st, label_st)
    out_copies = [pltpu.async_copy(st, out_hbm.at[j, wid], msem)
                  for j, st in enumerate(stagings)]
    for cp in out_copies:
        cp.wait()


def _unblock(b):
    b = b.reshape(NTILE, 1024)
    return jnp.concatenate(
        [b[:NBIG, :640].reshape(-1), b[NBIG:, :512].reshape(-1),
         b[NBIG, 512:528], b[NBIG + 1, 528:544]])


def kernel(props, cls_out, reg_out):
    tail = jnp.concatenate(
        [cls_out[TAIL0:], reg_out[TAIL0:], props[:, TAIL0:].T], axis=1)
    out = _bbox_head_sc(cls_out.T, props, reg_out.T, tail)
    preds = jnp.stack([_unblock(out[j]) for j in range(4)])
    score = _unblock(out[4])
    label = _unblock(out[5]).astype(jnp.int32)
    return preds, score, label

# --- scband reference (transcript-rebuilt; emitter-appended) ---
"""Pipeline reference for scband-bbox-head-v2-44263932952967 (READ-ONLY COPY).

The authoritative reference and input builder live on the scoring server;
editing this copy changes nothing except your own understanding.
"""

import jax, jax.numpy as jnp
import numpy as np

NUM_CLASSES = 81
TARGET_MEANS = jnp.array([0.0, 0.0, 0.0, 0.0], dtype=jnp.float32)
TARGET_STDS = jnp.array([0.1, 0.1, 0.2, 0.2], dtype=jnp.float32)


def param2bbox(props, deltas):
    # props: [4, N] as (x1, y1, x2, y2); deltas: [4, N] as (dx, dy, dw, dh)
    x1, y1, x2, y2 = props[0], props[1], props[2], props[3]
    pw = x2 - x1
    ph = y2 - y1
    px = x1 + 0.5 * pw
    py = y1 + 0.5 * ph
    dx, dy, dw, dh = deltas[0], deltas[1], deltas[2], deltas[3]
    gx = px + pw * dx
    gy = py + ph * dy
    gw = pw * jnp.exp(dw)
    gh = ph * jnp.exp(dh)
    return jnp.stack([gx - 0.5 * gw, gy - 0.5 * gh, gx + 0.5 * gw, gy + 0.5 * gh], axis=0)


def setup_inputs(seed: int = 0) -> dict:
    key = jax.random.key(seed)
    k1, k2, k3 = jax.random.split(key, 3)
    props = jax.random.uniform(k1, (4, 20000), dtype=jnp.float32)
    cls_out = jax.random.normal(k2, (20000, NUM_CLASSES), dtype=jnp.float32)
    reg_out = jax.random.normal(k3, (20000, 4 * NUM_CLASSES), dtype=jnp.float32)
    return {"props": props, "cls_out": cls_out, "reg_out": reg_out}


def reference(props, cls_out, reg_out):
    # Faithful translation of BBoxHead_v2.predict_bboxes_single_image with
    # use_sigmoid=False, reg_class_agnostic=False, img_size=None, cfg=None.
    n_props = cls_out.shape[0]
    soft = jax.nn.softmax(cls_out, axis=1)
    score = jnp.max(soft, axis=1)
    label = jnp.argmax(soft, axis=1)
    # reg_out.view(-1, 4, num_classes); gather per-proposal class-specific deltas
    reg = reg_out.reshape(-1, 4, NUM_CLASSES)
    reg = jnp.take_along_axis(reg, label[:, None, None].astype(jnp.int32), axis=2)[:, :, 0]  # [N, 4]
    reg = reg * TARGET_STDS[None, :] + TARGET_MEANS[None, :]
    preds = param2bbox(props, reg.T)  # [4, N]
    return preds, score, label

if __name__ == "__main__":
    import jax
    _d = setup_inputs()
    print(jax.jit(kernel)(*tuple(_d.values())))

</pallas_src>

<mosaic_0001>
#map = affine_map<(d0, d1) -> (0, 0)>
#map1 = affine_map<(d0, d1) -> (0, 0, 0, 0)>
module attributes {stable_mosaic.version = 14 : i64} {
  func.func @_bbox_head_sc(%arg0: i32, %arg1: i32, %arg2: memref<81x20000xf32, #tpu.memory_space<hbm>>, %arg3: memref<4x20000xf32, #tpu.memory_space<hbm>>, %arg4: memref<324x20000xf32, #tpu.memory_space<hbm>>, %arg5: memref<32x409xf32, #tpu.memory_space<hbm>>, %arg6: memref<6x32x8x128xf32, #tpu.memory_space<hbm>>, %arg7: memref<81x128xf32, #tpu.memory_space<vmem>>, %arg8: memref<324x128xf32, #tpu.memory_space<vmem>>, %arg9: memref<324x128xf32, #tpu.memory_space<vmem>>, %arg10: memref<32x409xf32, #tpu.memory_space<vmem>>, %arg11: memref<4x640xf32, #tpu.memory_space<vmem>>, %arg12: memref<4x128xf32, #tpu.memory_space<vmem>>, %arg13: memref<8x128xf32, #tpu.memory_space<vmem>>, %arg14: memref<8x128xf32, #tpu.memory_space<vmem>>, %arg15: memref<8x128xf32, #tpu.memory_space<vmem>>, %arg16: memref<8x128xf32, #tpu.memory_space<vmem>>, %arg17: memref<8x128xf32, #tpu.memory_space<vmem>>, %arg18: memref<8x128xf32, #tpu.memory_space<vmem>>, %arg19: memref<!tpu.dma_semaphore, #tpu.memory_space<semaphore_mem>>, %arg20: memref<2x!tpu.dma_semaphore, #tpu.memory_space<semaphore_mem>>, %arg21: memref<!tpu.dma_semaphore, #tpu.memory_space<semaphore_mem>>) attributes {dimension_semantics = [#tpu.dimension_semantics<core_parallel>, #tpu.dimension_semantics<subcore_parallel>], iteration_bounds = array<i64: 2, 16>, scalar_prefetch = 0 : i64, scratch_operands = 15 : i64, tpu.core_type = #tpu.core_type<sc_vector_subcore>, window_params = [{transform_indices = #map}, {transform_indices = #map}, {transform_indices = #map}, {transform_indices = #map}, {transform_indices = #map1}]} {
    %mul3A = arith.constant 2 : i32
    %mul3A_0 = arith.muli %arg1, %mul3A : i32
    %add3A = arith.addi %mul3A_0, %arg0 : i32
    %sub3A = arith.constant 28 : i32
    %sub3A_1 = arith.subi %add3A, %sub3A : i32
    %max3A = arith.constant 0 : i32
    %max3A_2 = arith.maxsi %sub3A_1, %max3A : i32
    %mul3A_3 = arith.constant 640 : i32
    %mul3A_4 = arith.muli %mul3A_3, %add3A : i32
    %mul3A_5 = arith.constant 128 : i32
    %mul3A_6 = arith.muli %mul3A_5, %max3A_2 : i32
    %sub3A_7 = arith.subi %mul3A_4, %mul3A_6 : i32
    %lt3A = arith.constant 28 : i32
    %lt3A_8 = arith.cmpi slt, %add3A, %lt3A : i32
    %jit3A = arith.constant 5 : i32
    %jit3A_9 = arith.constant 4 : i32
    %select_n3A = arith.select %lt3A_8, %jit3A, %jit3A_9 : i32
    %ge3A = arith.constant 28 : i32
    %ge3A_10 = arith.cmpi sge, %add3A, %ge3A : i32
    %lt3A_11 = arith.constant 30 : i32
    %lt3A_12 = arith.cmpi slt, %add3A, %lt3A_11 : i32
    %and3A = arith.andi %ge3A_10, %lt3A_12 : i1
    %sub3A_13 = arith.constant 28 : i32
    %sub3A_14 = arith.subi %add3A, %sub3A_13 : i32
    %add3A_15 = arith.constant 0 : i32
    %add3A_16 = arith.addi %sub3A_7, %add3A_15 : i32
    %multiple_of3A = tpu.assume_multiple %add3A_16, 128 : i32
    %dma_start3A = arith.constant 0 : i32
    %dma_start3A_17 = tpu.memref_slice %arg2[%dma_start3A, %multiple_of3A] : memref<81x20000xf32, #tpu.memory_space<hbm>> -> memref<81x128xf32, #tpu.memory_space<hbm>>
    %dma_start3A_18 = arith.constant 0 : i32
    %dma_start3A_19 = tpu.memref_slice %arg2[%dma_start3A_18, %multiple_of3A] : memref<81x20000xf32, #tpu.memory_space<hbm>> -> memref<81x128xf32, #tpu.memory_space<hbm>>
    tpu.enqueue_dma source(%dma_start3A_19 : memref<81x128xf32, #tpu.memory_space<hbm>>) target(%arg7 : memref<81x128xf32, #tpu.memory_space<vmem>>) target_semaphore(%arg19 : memref<!tpu.dma_semaphore, #tpu.memory_space<semaphore_mem>>)
    %add3A_20 = arith.constant 0 : i32
    %add3A_21 = arith.addi %sub3A_7, %add3A_20 : i32
    %multiple_of3A_22 = tpu.assume_multiple %add3A_21, 128 : i32
    %dma_start3A_23 = arith.constant 0 : i32
    %dma_start3A_24 = arith.constant 0 : i32
    %dma_start3A_25 = tpu.memref_slice %arg4[%dma_start3A_24, %multiple_of3A_22] : memref<324x20000xf32, #tpu.memory_space<hbm>> -> memref<324x128xf32, #tpu.memory_space<hbm>>
    %dma_start3A_26 = tpu.memref_slice %arg20[%dma_start3A_23] : memref<2x!tpu.dma_semaphore, #tpu.memory_space<semaphore_mem>> -> memref<1x!tpu.dma_semaphore, #tpu.memory_space<semaphore_mem>>
    %dma_start3A_27 = tpu.memref_squeeze %dma_start3A_26 : memref<1x!tpu.dma_semaphore, #tpu.memory_space<semaphore_mem>> -> memref<!tpu.dma_semaphore, #tpu.memory_space<semaphore_mem>>
    %dma_start3A_28 = arith.constant 0 : i32
    %dma_start3A_29 = tpu.memref_slice %arg4[%dma_start3A_28, %multiple_of3A_22] : memref<324x20000xf32, #tpu.memory_space<hbm>> -> memref<324x128xf32, #tpu.memory_space<hbm>>
    tpu.enqueue_dma source(%dma_start3A_29 : memref<324x128xf32, #tpu.memory_space<hbm>>) target(%arg8 : memref<324x128xf32, #tpu.memory_space<vmem>>) target_semaphore(%dma_start3A_27 : memref<!tpu.dma_semaphore, #tpu.memory_space<semaphore_mem>>)
    %add3A_30 = arith.constant 128 : i32
    %add3A_31 = arith.addi %sub3A_7, %add3A_30 : i32
    %multiple_of3A_32 = tpu.assume_multiple %add3A_31, 128 : i32
    %dma_start3A_33 = arith.constant 1 : i32
    %dma_start3A_34 = arith.constant 0 : i32
    %dma_start3A_35 = tpu.memref_slice %arg4[%dma_start3A_34, %multiple_of3A_32] : memref<324x20000xf32, #tpu.memory_space<hbm>> -> memref<324x128xf32, #tpu.memory_space<hbm>>
    %dma_start3A_36 = tpu.memref_slice %arg20[%dma_start3A_33] : memref<2x!tpu.dma_semaphore, #tpu.memory_space<semaphore_mem>> -> memref<1x!tpu.dma_semaphore, #tpu.memory_space<semaphore_mem>>
    %dma_start3A_37 = tpu.memref_squeeze %dma_start3A_36 : memref<1x!tpu.dma_semaphore, #tpu.memory_space<semaphore_mem>> -> memref<!tpu.dma_semaphore, #tpu.memory_space<semaphore_mem>>
    %dma_start3A_38 = arith.constant 0 : i32
    %dma_start3A_39 = tpu.memref_slice %arg4[%dma_start3A_38, %multiple_of3A_32] : memref<324x20000xf32, #tpu.memory_space<hbm>> -> memref<324x128xf32, #tpu.memory_space<hbm>>
    tpu.enqueue_dma source(%dma_start3A_39 : memref<324x128xf32, #tpu.memory_space<hbm>>) target(%arg9 : memref<324x128xf32, #tpu.memory_space<vmem>>) target_semaphore(%dma_start3A_37 : memref<!tpu.dma_semaphore, #tpu.memory_space<semaphore_mem>>)
    %lt3A_40 = arith.constant 28 : i32
    %lt3A_41 = arith.cmpi slt, %add3A, %lt3A_40 : i32
    %convert_element_type3A = arith.extui %lt3A_41 : i1 to i32
    %cond3A = arith.constant 0 : i32
    %cond3A_42 = arith.cmpi ne, %convert_element_type3A, %cond3A : i32
    scf.if %cond3A_42 {
      %multiple_of3A_164 = tpu.assume_multiple %sub3A_7, 128 : i32
      %dma_start3A_165 = arith.constant 0 : i32
      %dma_start3A_166 = tpu.memref_slice %arg3[%dma_start3A_165, %multiple_of3A_164] : memref<4x20000xf32, #tpu.memory_space<hbm>> -> memref<4x640xf32, #tpu.memory_space<hbm>>
      %dma_start3A_167 = arith.constant 0 : i32
      %dma_start3A_168 = tpu.memref_slice %arg3[%dma_start3A_167, %multiple_of3A_164] : memref<4x20000xf32, #tpu.memory_space<hbm>> -> memref<4x640xf32, #tpu.memory_space<hbm>>
      tpu.enqueue_dma source(%dma_start3A_168 : memref<4x640xf32, #tpu.memory_space<hbm>>) target(%arg11 : memref<4x640xf32, #tpu.memory_space<vmem>>) target_semaphore(%arg21 : memref<!tpu.dma_semaphore, #tpu.memory_space<semaphore_mem>>)
    } else {
    }
    %ge3A_43 = arith.constant 28 : i32
    %ge3A_44 = arith.cmpi sge, %add3A, %ge3A_43 : i32
    %convert_element_type3A_45 = arith.extui %ge3A_44 : i1 to i32
    %cond3A_46 = arith.constant 0 : i32
    %cond3A_47 = arith.cmpi ne, %convert_element_type3A_45, %cond3A_46 : i32
    scf.if %cond3A_47 {
      %multiple_of3A_164 = tpu.assume_multiple %sub3A_7, 128 : i32
      %dma_start3A_165 = arith.constant 0 : i32
      %dma_start3A_166 = arith.constant 0 : i32
      %dma_start3A_167 = tpu.memref_slice %arg11[%dma_start3A_165, %dma_start3A_166] : memref<4x640xf32, #tpu.memory_space<vmem>> -> memref<4x512xf32, #tpu.memory_space<vmem>>
      %dma_start3A_168 = arith.constant 0 : i32
      %dma_start3A_169 = tpu.memref_slice %arg3[%dma_start3A_168, %multiple_of3A_164] : memref<4x20000xf32, #tpu.memory_space<hbm>> -> memref<4x512xf32, #tpu.memory_space<hbm>>
      %dma_start3A_170 = arith.constant 0 : i32
      %dma_start3A_171 = arith.constant 0 : i32
      %dma_start3A_172 = tpu.memref_slice %arg11[%dma_start3A_170, %dma_start3A_171] : memref<4x640xf32, #tpu.memory_space<vmem>> -> memref<4x512xf32, #tpu.memory_space<vmem>>
      %dma_start3A_173 = arith.constant 0 : i32
      %dma_start3A_174 = tpu.memref_slice %arg3[%dma_start3A_173, %multiple_of3A_164] : memref<4x20000xf32, #tpu.memory_space<hbm>> -> memref<4x512xf32, #tpu.memory_space<hbm>>
      tpu.enqueue_dma source(%dma_start3A_174 : memref<4x512xf32, #tpu.memory_space<hbm>>) target(%dma_start3A_172 : memref<4x512xf32, #tpu.memory_space<vmem>>) target_semaphore(%arg21 : memref<!tpu.dma_semaphore, #tpu.memory_space<semaphore_mem>>)
    } else {
    }
    %iota3A = tpu.iota {dimensions = array<i32: 0>} : vector<16xi32>
    %scan3A = arith.constant 0 : i32
    %scan3A_48 = arith.constant 0 : i32
    %scan3A_49 = arith.constant 3 : i32
    %scan3A_50 = arith.addi %scan3A_48, %scan3A_49 : i32
    %scan3A_51 = arith.constant 1 : i32
    %scan3A_52 = scf.for %scan3A_164 = %scan3A_48 to %scan3A_50 step %scan3A_51 iter_args(%scan3A_165 = %scan3A) -> (i32)  : i32 {
      %mul3A_166 = arith.constant 2 : i32
      %mul3A_167 = arith.muli %mul3A_166, %scan3A_164 : i32
      %lt3A_168 = arith.cmpi slt, %mul3A_167, %select_n3A : i32
      %convert_element_type3A_169 = arith.extui %lt3A_168 : i1 to i32
      %cond3A_170 = arith.constant 0 : i32
      %cond3A_171 = arith.cmpi ne, %convert_element_type3A_169, %cond3A_170 : i32
      scf.if %cond3A_171 {
        %mul3A_181 = arith.constant 2 : i32
        %mul3A_182 = arith.muli %mul3A_181, %scan3A_164 : i32
        %dma_wait3A_183 = arith.constant 0 : i32
        %dma_wait3A_184 = arith.constant 0 : i32
        %dma_wait3A_185 = tpu.memref_slice %arg2[%dma_wait3A_183, %dma_wait3A_184] : memref<81x20000xf32, #tpu.memory_space<hbm>> -> memref<81x128xf32, #tpu.memory_space<hbm>>
        %dma_wait3A_186 = arith.constant 0 : i32
        %dma_wait3A_187 = arith.constant 0 : i32
        %dma_wait3A_188 = tpu.memref_slice %arg2[%dma_wait3A_186, %dma_wait3A_187] : memref<81x20000xf32, #tpu.memory_space<hbm>> -> memref<81x128xf32, #tpu.memory_space<hbm>>
        tpu.wait_dma2 semaphore(%arg19 : memref<!tpu.dma_semaphore, #tpu.memory_space<semaphore_mem>>) src(%dma_wait3A_188 : memref<81x128xf32, #tpu.memory_space<hbm>>) dst(%arg7 : memref<81x128xf32, #tpu.memory_space<vmem>>)
        %dma_wait3A_189 = arith.constant 0 : i32
        %dma_wait3A_190 = arith.constant 0 : i32
        %dma_wait3A_191 = arith.constant 0 : i32
        %dma_wait3A_192 = tpu.memref_slice %arg4[%dma_wait3A_190, %dma_wait3A_191] : memref<324x20000xf32, #tpu.memory_space<hbm>> -> memref<324x128xf32, #tpu.memory_space<hbm>>
        %dma_wait3A_193 = tpu.memref_slice %arg20[%dma_wait3A_189] : memref<2x!tpu.dma_semaphore, #tpu.memory_space<semaphore_mem>> -> memref<1x!tpu.dma_semaphore, #tpu.memory_space<semaphore_mem>>
        %dma_wait3A_194 = tpu.memref_squeeze %dma_wait3A_193 : memref<1x!tpu.dma_semaphore, #tpu.memory_space<semaphore_mem>> -> memref<!tpu.dma_semaphore, #tpu.memory_space<semaphore_mem>>
        %dma_wait3A_195 = arith.constant 0 : i32
        %dma_wait3A_196 = arith.constant 0 : i32
        %dma_wait3A_197 = tpu.memref_slice %arg4[%dma_wait3A_195, %dma_wait3A_196] : memref<324x20000xf32, #tpu.memory_space<hbm>> -> memref<324x128xf32, #tpu.memory_space<hbm>>
        tpu.wait_dma2 semaphore(%dma_wait3A_194 : memref<!tpu.dma_semaphore, #tpu.memory_space<semaphore_mem>>) src(%dma_wait3A_197 : memref<324x128xf32, #tpu.memory_space<hbm>>) dst(%arg8 : memref<324x128xf32, #tpu.memory_space<vmem>>)
        %scan3A_198 = arith.constant 0 : i32
        %scan3A_199 = arith.constant 0 : i32
        %scan3A_200 = arith.constant 8 : i32
        %scan3A_201 = arith.addi %scan3A_199, %scan3A_200 : i32
        %scan3A_202 = arith.constant 1 : i32
        %scan3A_203 = scf.for %scan3A_224 = %scan3A_199 to %scan3A_201 step %scan3A_202 iter_args(%scan3A_225 = %scan3A_198) -> (i32)  : i32 {
          %broadcast_in_dim3A = arith.constant 0xFF800000 : f32
          %broadcast_in_dim3A_226 = vector.broadcast %broadcast_in_dim3A : f32 to vector<16xf32>
          %broadcast_in_dim3A_227 = arith.constant 0 : i32
          %broadcast_in_dim3A_228 = vector.broadcast %broadcast_in_dim3A_227 : i32 to vector<16xi32>
          %scan3A_229 = arith.constant 0 : i32
          %scan3A_230 = arith.constant 9 : i32
          %scan3A_231 = arith.addi %scan3A_229, %scan3A_230 : i32
          %scan3A_232 = arith.constant 1 : i32
          %scan3A_233:6 = scf.for %scan3A_312 = %scan3A_229 to %scan3A_231 step %scan3A_232 iter_args(%scan3A_313 = %broadcast_in_dim3A_226, %scan3A_314 = %broadcast_in_dim3A_228, %scan3A_315 = %broadcast_in_dim3A_226, %scan3A_316 = %broadcast_in_dim3A_228, %scan3A_317 = %broadcast_in_dim3A_226, %scan3A_318 = %broadcast_in_dim3A_228) -> (vector<16xf32>, vector<16xi32>, vector<16xf32>, vector<16xi32>, vector<16xf32>, vector<16xi32>)  : i32 {
            %mul3A_319 = arith.constant 9 : i32
            %mul3A_320 = arith.muli %scan3A_312, %mul3A_319 : i32
            %add3A_321 = arith.constant 0 : i32
            %add3A_322 = arith.addi %mul3A_320, %add3A_321 : i32
            %mul3A_323 = arith.constant 16 : i32
            %mul3A_324 = arith.muli %scan3A_224, %mul3A_323 : i32
            %get3A = arith.index_cast %add3A_322 : i32 to index
            %get3A_325 = arith.index_cast %mul3A_324 : i32 to index
            %get3A_326 = tpu.vector_load %arg7[%get3A, %get3A_325] {strides = array<i32>} : memref<81x128xf32, #tpu.memory_space<vmem>>, vector<16xf32>,
            %gt3A_327 = arith.cmpf ogt, %get3A_326, %scan3A_313 : vector<16xf32>
            %select_n3A_328 = arith.select %gt3A_327, %get3A_326, %scan3A_313 : vector<16xi1>, vector<16xf32>
            %broadcast_in_dim3A_329 = vector.broadcast %add3A_322 : i32 to vector<16xi32>
            %select_n3A_330 = arith.select %gt3A_327, %broadcast_in_dim3A_329, %scan3A_314 : vector<16xi1>, vector<16xi32>
            %mul3A_331 = arith.constant 9 : i32
            %mul3A_332 = arith.muli %scan3A_312, %mul3A_331 : i32
            %add3A_333 = arith.constant 1 : i32
            %add3A_334 = arith.addi %mul3A_332, %add3A_333 : i32
            %mul3A_335 = arith.constant 16 : i32
            %mul3A_336 = arith.muli %scan3A_224, %mul3A_335 : i32
            %get3A_337 = arith.index_cast %add3A_334 : i32 to index
            %get3A_338 = arith.index_cast %mul3A_336 : i32 to index
            %get3A_339 = tpu.vector_load %arg7[%get3A_337, %get3A_338] {strides = array<i32>} : memref<81x128xf32, #tpu.memory_space<vmem>>, vector<16xf32>,
            %gt3A_340 = arith.cmpf ogt, %get3A_339, %scan3A_315 : vector<16xf32>
            %select_n3A_341 = arith.select %gt3A_340, %get3A_339, %scan3A_315 : vector<16xi1>, vector<16xf32>
            %broadcast_in_dim3A_342 = vector.broadcast %add3A_334 : i32 to vector<16xi32>
            %select_n3A_343 = arith.select %gt3A_340, %broadcast_in_dim3A_342, %scan3A_316 : vector<16xi1>, vector<16xi32>
            %mul3A_344 = arith.constant 9 : i32
            %mul3A_345 = arith.muli %scan3A_312, %mul3A_344 : i32
            %add3A_346 = arith.constant 2 : i32
            %add3A_347 = arith.addi %mul3A_345, %add3A_346 : i32
            %mul3A_348 = arith.constant 16 : i32
            %mul3A_349 = arith.muli %scan3A_224, %mul3A_348 : i32
            %get3A_350 = arith.index_cast %add3A_347 : i32 to index
            %get3A_351 = arith.index_cast %mul3A_349 : i32 to index
            %get3A_352 = tpu.vector_load %arg7[%get3A_350, %get3A_351] {strides = array<i32>} : memref<81x128xf32, #tpu.memory_space<vmem>>, vector<16xf32>,
            %gt3A_353 = arith.cmpf ogt, %get3A_352, %scan3A_317 : vector<16xf32>
            %select_n3A_354 = arith.select %gt3A_353, %get3A_352, %scan3A_317 : vector<16xi1>, vector<16xf32>
            %broadcast_in_dim3A_355 = vector.broadcast %add3A_347 : i32 to vector<16xi32>
            %select_n3A_356 = arith.select %gt3A_353, %broadcast_in_dim3A_355, %scan3A_318 : vector<16xi1>, vector<16xi32>
            %mul3A_357 = arith.constant 9 : i32
            %mul3A_358 = arith.muli %scan3A_312, %mul3A_357 : i32
            %add3A_359 = arith.constant 3 : i32
            %add3A_360 = arith.addi %mul3A_358, %add3A_359 : i32
            %mul3A_361 = arith.constant 16 : i32
            %mul3A_362 = arith.muli %scan3A_224, %mul3A_361 : i32
            %get3A_363 = arith.index_cast %add3A_360 : i32 to index
            %get3A_364 = arith.index_cast %mul3A_362 : i32 to index
            %get3A_365 = tpu.vector_load %arg7[%get3A_363, %get3A_364] {strides = array<i32>} : memref<81x128xf32, #tpu.memory_space<vmem>>, vector<16xf32>,
            %gt3A_366 = arith.cmpf ogt, %get3A_365, %select_n3A_328 : vector<16xf32>
            %select_n3A_367 = arith.select %gt3A_366, %get3A_365, %select_n3A_328 : vector<16xi1>, vector<16xf32>
            %broadcast_in_dim3A_368 = vector.broadcast %add3A_360 : i32 to vector<16xi32>
            %select_n3A_369 = arith.select %gt3A_366, %broadcast_in_dim3A_368, %select_n3A_330 : vector<16xi1>, vector<16xi32>
            %mul3A_370 = arith.constant 9 : i32
            %mul3A_371 = arith.muli %scan3A_312, %mul3A_370 : i32
            %add3A_372 = arith.constant 4 : i32
            %add3A_373 = arith.addi %mul3A_371, %add3A_372 : i32
            %mul3A_374 = arith.constant 16 : i32
            %mul3A_375 = arith.muli %scan3A_224, %mul3A_374 : i32
            %get3A_376 = arith.index_cast %add3A_373 : i32 to index
            %get3A_377 = arith.index_cast %mul3A_375 : i32 to index
            %get3A_378 = tpu.vector_load %arg7[%get3A_376, %get3A_377] {strides = array<i32>} : memref<81x128xf32, #tpu.memory_space<vmem>>, vector<16xf32>,
            %gt3A_379 = arith.cmpf ogt, %get3A_378, %select_n3A_341 : vector<16xf32>
            %select_n3A_380 = arith.select %gt3A_379, %get3A_378, %select_n3A_341 : vector<16xi1>, vector<16xf32>
            %broadcast_in_dim3A_381 = vector.broadcast %add3A_373 : i32 to vector<16xi32>
            %select_n3A_382 = arith.select %gt3A_379, %broadcast_in_dim3A_381, %select_n3A_343 : vector<16xi1>, vector<16xi32>
            %mul3A_383 = arith.constant 9 : i32
            %mul3A_384 = arith.muli %scan3A_312, %mul3A_383 : i32
            %add3A_385 = arith.constant 5 : i32
            %add3A_386 = arith.addi %mul3A_384, %add3A_385 : i32
            %mul3A_387 = arith.constant 16 : i32
            %mul3A_388 = arith.muli %scan3A_224, %mul3A_387 : i32
            %get3A_389 = arith.index_cast %add3A_386 : i32 to index
            %get3A_390 = arith.index_cast %mul3A_388 : i32 to index
            %get3A_391 = tpu.vector_load %arg7[%get3A_389, %get3A_390] {strides = array<i32>} : memref<81x128xf32, #tpu.memory_space<vmem>>, vector<16xf32>,
            %gt3A_392 = arith.cmpf ogt, %get3A_391, %select_n3A_354 : vector<16xf32>
            %select_n3A_393 = arith.select %gt3A_392, %get3A_391, %select_n3A_354 : vector<16xi1>, vector<16xf32>
            %broadcast_in_dim3A_394 = vector.broadcast %add3A_386 : i32 to vector<16xi32>
            %select_n3A_395 = arith.select %gt3A_392, %broadcast_in_dim3A_394, %select_n3A_356 : vector<16xi1>, vector<16xi32>
            %mul3A_396 = arith.constant 9 : i32
            %mul3A_397 = arith.muli %scan3A_312, %mul3A_396 : i32
            %add3A_398 = arith.constant 6 : i32
            %add3A_399 = arith.addi %mul3A_397, %add3A_398 : i32
            %mul3A_400 = arith.constant 16 : i32
            %mul3A_401 = arith.muli %scan3A_224, %mul3A_400 : i32
            %get3A_402 = arith.index_cast %add3A_399 : i32 to index
            %get3A_403 = arith.index_cast %mul3A_401 : i32 to index
            %get3A_404 = tpu.vector_load %arg7[%get3A_402, %get3A_403] {strides = array<i32>} : memref<81x128xf32, #tpu.memory_space<vmem>>, vector<16xf32>,
            %gt3A_405 = arith.cmpf ogt, %get3A_404, %select_n3A_367 : vector<16xf32>
            %select_n3A_406 = arith.select %gt3A_405, %get3A_404, %select_n3A_367 : vector<16xi1>, vector<16xf32>
            %broadcast_in_dim3A_407 = vector.broadcast %add3A_399 : i32 to vector<16xi32>
            %select_n3A_408 = arith.select %gt3A_405, %broadcast_in_dim3A_407, %select_n3A_369 : vector<16xi1>, vector<16xi32>
            %mul3A_409 = arith.constant 9 : i32
            %mul3A_410 = arith.muli %scan3A_312, %mul3A_409 : i32
            %add3A_411 = arith.constant 7 : i32
            %add3A_412 = arith.addi %mul3A_410, %add3A_411 : i32
            %mul3A_413 = arith.constant 16 : i32
            %mul3A_414 = arith.muli %scan3A_224, %mul3A_413 : i32
            %get3A_415 = arith.index_cast %add3A_412 : i32 to index
            %get3A_416 = arith.index_cast %mul3A_414 : i32 to index
            %get3A_417 = tpu.vector_load %arg7[%get3A_415, %get3A_416] {strides = array<i32>} : memref<81x128xf32, #tpu.memory_space<vmem>>, vector<16xf32>,
            %gt3A_418 = arith.cmpf ogt, %get3A_417, %select_n3A_380 : vector<16xf32>
            %select_n3A_419 = arith.select %gt3A_418, %get3A_417, %select_n3A_380 : vector<16xi1>, vector<16xf32>
            %broadcast_in_dim3A_420 = vector.broadcast %add3A_412 : i32 to vector<16xi32>
            %select_n3A_421 = arith.select %gt3A_418, %broadcast_in_dim3A_420, %select_n3A_382 : vector<16xi1>, vector<16xi32>
            %mul3A_422 = arith.constant 9 : i32
            %mul3A_423 = arith.muli %scan3A_312, %mul3A_422 : i32
            %add3A_424 = arith.constant 8 : i32
            %add3A_425 = arith.addi %mul3A_423, %add3A_424 : i32
            %mul3A_426 = arith.constant 16 : i32
            %mul3A_427 = arith.muli %scan3A_224, %mul3A_426 : i32
            %get3A_428 = arith.index_cast %add3A_425 : i32 to index
            %get3A_429 = arith.index_cast %mul3A_427 : i32 to index
            %get3A_430 = tpu.vector_load %arg7[%get3A_428, %get3A_429] {strides = array<i32>} : memref<81x128xf32, #tpu.memory_space<vmem>>, vector<16xf32>,
            %gt3A_431 = arith.cmpf ogt, %get3A_430, %select_n3A_393 : vector<16xf32>
            %select_n3A_432 = arith.select %gt3A_431, %get3A_430, %select_n3A_393 : vector<16xi1>, vector<16xf32>
            %broadcast_in_dim3A_433 = vector.broadcast %add3A_425 : i32 to vector<16xi32>
            %select_n3A_434 = arith.select %gt3A_431, %broadcast_in_dim3A_433, %select_n3A_395 : vector<16xi1>, vector<16xi32>
            scf.yield %select_n3A_406, %select_n3A_408, %select_n3A_419, %select_n3A_421, %select_n3A_432, %select_n3A_434 : vector<16xf32>, vector<16xi32>, vector<16xf32>, vector<16xi32>, vector<16xf32>, vector<16xi32>
          }
          %scan3A_234 = arith.constant 9 : i32
          %gt3A = arith.cmpf ogt, %scan3A_233#2, %scan3A_233#0 : vector<16xf32>
          %eq3A = arith.cmpf oeq, %scan3A_233#2, %scan3A_233#0 : vector<16xf32>
          %lt3A_235 = arith.cmpi slt, %scan3A_233#3, %scan3A_233#1 : vector<16xi32>
          %and3A_236 = arith.andi %eq3A, %lt3A_235 : vector<16xi1>
          %or3A = arith.ori %gt3A, %and3A_236 : vector<16xi1>
          %select_n3A_237 = arith.select %or3A, %scan3A_233#2, %scan3A_233#0 : vector<16xi1>, vector<16xf32>
          %select_n3A_238 = arith.select %or3A, %scan3A_233#3, %scan3A_233#1 : vector<16xi1>, vector<16xi32>
          %gt3A_239 = arith.cmpf ogt, %scan3A_233#4, %select_n3A_237 : vector<16xf32>
          %eq3A_240 = arith.cmpf oeq, %scan3A_233#4, %select_n3A_237 : vector<16xf32>
          %lt3A_241 = arith.cmpi slt, %scan3A_233#5, %select_n3A_238 : vector<16xi32>
          %and3A_242 = arith.andi %eq3A_240, %lt3A_241 : vector<16xi1>
          %or3A_243 = arith.ori %gt3A_239, %and3A_242 : vector<16xi1>
          %select_n3A_244 = arith.select %or3A_243, %scan3A_233#4, %select_n3A_237 : vector<16xi1>, vector<16xf32>
          %select_n3A_245 = arith.select %or3A_243, %scan3A_233#5, %select_n3A_238 : vector<16xi1>, vector<16xi32>
          %broadcast_in_dim3A_246 = arith.constant 0.000000e+00 : f32
          %broadcast_in_dim3A_247 = vector.broadcast %broadcast_in_dim3A_246 : f32 to vector<16xf32>
          %scan3A_248 = arith.constant 0 : i32
          %scan3A_249 = arith.constant 9 : i32
          %scan3A_250 = arith.addi %scan3A_248, %scan3A_249 : i32
          %scan3A_251 = arith.constant 1 : i32
          %scan3A_252:3 = scf.for %scan3A_312 = %scan3A_248 to %scan3A_250 step %scan3A_251 iter_args(%scan3A_313 = %broadcast_in_dim3A_247, %scan3A_314 = %broadcast_in_dim3A_247, %scan3A_315 = %broadcast_in_dim3A_247) -> (vector<16xf32>, vector<16xf32>, vector<16xf32>)  : i32 {
            %mul3A_316 = arith.constant 9 : i32
            %mul3A_317 = arith.muli %scan3A_312, %mul3A_316 : i32
            %add3A_318 = arith.constant 0 : i32
            %add3A_319 = arith.addi %mul3A_317, %add3A_318 : i32
            %mul3A_320 = arith.constant 16 : i32
            %mul3A_321 = arith.muli %scan3A_224, %mul3A_320 : i32
            %get3A = arith.index_cast %add3A_319 : i32 to index
            %get3A_322 = arith.index_cast %mul3A_321 : i32 to index
            %get3A_323 = tpu.vector_load %arg7[%get3A, %get3A_322] {strides = array<i32>} : memref<81x128xf32, #tpu.memory_space<vmem>>, vector<16xf32>,
            %sub3A_324 = arith.subf %get3A_323, %select_n3A_244 : vector<16xf32>
            %exp3A = math.exp %sub3A_324 : vector<16xf32>
            %add3A_325 = arith.addf %scan3A_313, %exp3A : vector<16xf32>
            %mul3A_326 = arith.constant 9 : i32
            %mul3A_327 = arith.muli %scan3A_312, %mul3A_326 : i32
            %add3A_328 = arith.constant 1 : i32
            %add3A_329 = arith.addi %mul3A_327, %add3A_328 : i32
            %mul3A_330 = arith.constant 16 : i32
            %mul3A_331 = arith.muli %scan3A_224, %mul3A_330 : i32
            %get3A_332 = arith.index_cast %add3A_329 : i32 to index
            %get3A_333 = arith.index_cast %mul3A_331 : i32 to index
            %get3A_334 = tpu.vector_load %arg7[%get3A_332, %get3A_333] {strides = array<i32>} : memref<81x128xf32, #tpu.memory_space<vmem>>, vector<16xf32>,
            %sub3A_335 = arith.subf %get3A_334, %select_n3A_244 : vector<16xf32>
            %exp3A_336 = math.exp %sub3A_335 : vector<16xf32>
            %add3A_337 = arith.addf %scan3A_314, %exp3A_336 : vector<16xf32>
            %mul3A_338 = arith.constant 9 : i32
            %mul3A_339 = arith.muli %scan3A_312, %mul3A_338 : i32
            %add3A_340 = arith.constant 2 : i32
            %add3A_341 = arith.addi %mul3A_339, %add3A_340 : i32
            %mul3A_342 = arith.constant 16 : i32
            %mul3A_343 = arith.muli %scan3A_224, %mul3A_342 : i32
            %get3A_344 = arith.index_cast %add3A_341 : i32 to index
            %get3A_345 = arith.index_cast %mul3A_343 : i32 to index
            %get3A_346 = tpu.vector_load %arg7[%get3A_344, %get3A_345] {strides = array<i32>} : memref<81x128xf32, #tpu.memory_space<vmem>>, vector<16xf32>,
            %sub3A_347 = arith.subf %get3A_346, %select_n3A_244 : vector<16xf32>
            %exp3A_348 = math.exp %sub3A_347 : vector<16xf32>
            %add3A_349 = arith.addf %scan3A_315, %exp3A_348 : vector<16xf32>
            %mul3A_350 = arith.constant 9 : i32
            %mul3A_351 = arith.muli %scan3A_312, %mul3A_350 : i32
            %add3A_352 = arith.constant 3 : i32
            %add3A_353 = arith.addi %mul3A_351, %add3A_352 : i32
            %mul3A_354 = arith.constant 16 : i32
            %mul3A_355 = arith.muli %scan3A_224, %mul3A_354 : i32
            %get3A_356 = arith.index_cast %add3A_353 : i32 to index
            %get3A_357 = arith.index_cast %mul3A_355 : i32 to index
            %get3A_358 = tpu.vector_load %arg7[%get3A_356, %get3A_357] {strides = array<i32>} : memref<81x128xf32, #tpu.memory_space<vmem>>, vector<16xf32>,
            %sub3A_359 = arith.subf %get3A_358, %select_n3A_244 : vector<16xf32>
            %exp3A_360 = math.exp %sub3A_359 : vector<16xf32>
            %add3A_361 = arith.addf %add3A_325, %exp3A_360 : vector<16xf32>
            %mul3A_362 = arith.constant 9 : i32
            %mul3A_363 = arith.muli %scan3A_312, %mul3A_362 : i32
            %add3A_364 = arith.constant 4 : i32
            %add3A_365 = arith.addi %mul3A_363, %add3A_364 : i32
            %mul3A_366 = arith.constant 16 : i32
            %mul3A_367 = arith.muli %scan3A_224, %mul3A_366 : i32
            %get3A_368 = arith.index_cast %add3A_365 : i32 to index
            %get3A_369 = arith.index_cast %mul3A_367 : i32 to index
            %get3A_370 = tpu.vector_load %arg7[%get3A_368, %get3A_369] {strides = array<i32>} : memref<81x128xf32, #tpu.memory_space<vmem>>, vector<16xf32>,
            %sub3A_371 = arith.subf %get3A_370, %select_n3A_244 : vector<16xf32>
            %exp3A_372 = math.exp %sub3A_371 : vector<16xf32>
            %add3A_373 = arith.addf %add3A_337, %exp3A_372 : vector<16xf32>
            %mul3A_374 = arith.constant 9 : i32
            %mul3A_375 = arith.muli %scan3A_312, %mul3A_374 : i32
            %add3A_376 = arith.constant 5 : i32
            %add3A_377 = arith.addi %mul3A_375, %add3A_376 : i32
            %mul3A_378 = arith.constant 16 : i32
            %mul3A_379 = arith.muli %scan3A_224, %mul3A_378 : i32
            %get3A_380 = arith.index_cast %add3A_377 : i32 to index
            %get3A_381 = arith.index_cast %mul3A_379 : i32 to index
            %get3A_382 = tpu.vector_load %arg7[%get3A_380, %get3A_381] {strides = array<i32>} : memref<81x128xf32, #tpu.memory_space<vmem>>, vector<16xf32>,
            %sub3A_383 = arith.subf %get3A_382, %select_n3A_244 : vector<16xf32>
            %exp3A_384 = math.exp %sub3A_383 : vector<16xf32>
            %add3A_385 = arith.addf %add3A_349, %exp3A_384 : vector<16xf32>
            %mul3A_386 = arith.constant 9 : i32
            %mul3A_387 = arith.muli %scan3A_312, %mul3A_386 : i32
            %add3A_388 = arith.constant 6 : i32
            %add3A_389 = arith.addi %mul3A_387, %add3A_388 : i32
            %mul3A_390 = arith.constant 16 : i32
            %mul3A_391 = arith.muli %scan3A_224, %mul3A_390 : i32
            %get3A_392 = arith.index_cast %add3A_389 : i32 to index
            %get3A_393 = arith.index_cast %mul3A_391 : i32 to index
            %get3A_394 = tpu.vector_load %arg7[%get3A_392, %get3A_393] {strides = array<i32>} : memref<81x128xf32, #tpu.memory_space<vmem>>, vector<16xf32>,
            %sub3A_395 = arith.subf %get3A_394, %select_n3A_244 : vector<16xf32>
            %exp3A_396 = math.exp %sub3A_395 : vector<16xf32>
            %add3A_397 = arith.addf %add3A_361, %exp3A_396 : vector<16xf32>
            %mul3A_398 = arith.constant 9 : i32
            %mul3A_399 = arith.muli %scan3A_312, %mul3A_398 : i32
            %add3A_400 = arith.constant 7 : i32
            %add3A_401 = arith.addi %mul3A_399, %add3A_400 : i32
            %mul3A_402 = arith.constant 16 : i32
            %mul3A_403 = arith.muli %scan3A_224, %mul3A_402 : i32
            %get3A_404 = arith.index_cast %add3A_401 : i32 to index
            %get3A_405 = arith.index_cast %mul3A_403 : i32 to index
            %get3A_406 = tpu.vector_load %arg7[%get3A_404, %get3A_405] {strides = array<i32>} : memref<81x128xf32, #tpu.memory_space<vmem>>, vector<16xf32>,
            %sub3A_407 = arith.subf %get3A_406, %select_n3A_244 : vector<16xf32>
            %exp3A_408 = math.exp %sub3A_407 : vector<16xf32>
            %add3A_409 = arith.addf %add3A_373, %exp3A_408 : vector<16xf32>
            %mul3A_410 = arith.constant 9 : i32
            %mul3A_411 = arith.muli %scan3A_312, %mul3A_410 : i32
            %add3A_412 = arith.constant 8 : i32
            %add3A_413 = arith.addi %mul3A_411, %add3A_412 : i32
            %mul3A_414 = arith.constant 16 : i32
            %mul3A_415 = arith.muli %scan3A_224, %mul3A_414 : i32
            %get3A_416 = arith.index_cast %add3A_413 : i32 to index
            %get3A_417 = arith.index_cast %mul3A_415 : i32 to index
            %get3A_418 = tpu.vector_load %arg7[%get3A_416, %get3A_417] {strides = array<i32>} : memref<81x128xf32, #tpu.memory_space<vmem>>, vector<16xf32>,
            %sub3A_419 = arith.subf %get3A_418, %select_n3A_244 : vector<16xf32>
            %exp3A_420 = math.exp %sub3A_419 : vector<16xf32>
            %add3A_421 = arith.addf %add3A_385, %exp3A_420 : vector<16xf32>
            scf.yield %add3A_397, %add3A_409, %add3A_421 : vector<16xf32>, vector<16xf32>, vector<16xf32>
          }
          %scan3A_253 = arith.constant 9 : i32
          %add3A_254 = arith.addf %scan3A_252#0, %scan3A_252#1 : vector<16xf32>
          %add3A_255 = arith.addf %add3A_254, %scan3A_252#2 : vector<16xf32>
          %div3A = arith.constant 1.000000e+00 : f32
          %div3A_256 = vector.broadcast %div3A : f32 to vector<16xf32>
          %div3A_257 = arith.divf %div3A_256, %add3A_255 : vector<16xf32>
          %mul3A_258 = arith.constant 16 : i32
          %mul3A_259 = arith.muli %scan3A_224, %mul3A_258 : i32
          %swap3A = arith.index_cast %mul3A_182 : i32 to index
          %swap3A_260 = arith.index_cast %mul3A_259 : i32 to index
          %swap3A_261 = tpu.vector_load %arg17[%swap3A, %swap3A_260] {strides = array<i32>} : memref<8x128xf32, #tpu.memory_space<vmem>>, vector<16xf32>,
          tpu.vector_store %arg17[%swap3A, %swap3A_260], %div3A_257 {strides = array<i32>} : memref<8x128xf32, #tpu.memory_space<vmem>>, vector<16xf32>,
          %convert_element_type3A_262 = arith.sitofp %select_n3A_245 : vector<16xi32> to vector<16xf32>
          %mul3A_263 = arith.constant 16 : i32
          %mul3A_264 = arith.muli %scan3A_224, %mul3A_263 : i32
          %swap3A_265 = arith.index_cast %mul3A_182 : i32 to index
          %swap3A_266 = arith.index_cast %mul3A_264 : i32 to index
          %swap3A_267 = tpu.vector_load %arg18[%swap3A_265, %swap3A_266] {strides = array<i32>} : memref<8x128xf32, #tpu.memory_space<vmem>>, vector<16xf32>,
          tpu.vector_store %arg18[%swap3A_265, %swap3A_266], %convert_element_type3A_262 {strides = array<i32>} : memref<8x128xf32, #tpu.memory_space<vmem>>, vector<16xf32>,
          %mul3A_268 = arith.constant 16 : i32
          %mul3A_269 = arith.muli %scan3A_224, %mul3A_268 : i32
          %add3A_270 = vector.broadcast %mul3A_269 : i32 to vector<16xi32>
          %add3A_271 = arith.addi %add3A_270, %iota3A : vector<16xi32>
          %add3A_272 = arith.constant 0 : i32
          %add3A_273 = vector.broadcast %add3A_272 : i32 to vector<16xi32>
          %add3A_274 = arith.addi %select_n3A_245, %add3A_273 : vector<16xi32>
          %gather3A = tpu.vector_load_idx %arg8[%add3A_274, %add3A_271] : memref<324x128xf32, #tpu.memory_space<vmem>>[vector<16xi32>, vector<16xi32>], vector<16xf32>,
          %mul3A_275 = arith.constant 16 : i32
          %mul3A_276 = arith.muli %scan3A_224, %mul3A_275 : i32
          %swap3A_277 = arith.constant 0 : i32
          %swap3A_278 = arith.index_cast %swap3A_277 : i32 to index
          %swap3A_279 = arith.index_cast %mul3A_276 : i32 to index
          %swap3A_280 = tpu.vector_load %arg12[%swap3A_278, %swap3A_279] {strides = array<i32>} : memref<4x128xf32, #tpu.memory_space<vmem>>, vector<16xf32>,
          tpu.vector_store %arg12[%swap3A_278, %swap3A_279], %gather3A {strides = array<i32>} : memref<4x128xf32, #tpu.memory_space<vmem>>, vector<16xf32>,
          %add3A_281 = arith.constant 81 : i32
          %add3A_282 = vector.broadcast %add3A_281 : i32 to vector<16xi32>
          %add3A_283 = arith.addi %select_n3A_245, %add3A_282 : vector<16xi32>
          %gather3A_284 = tpu.vector_load_idx %arg8[%add3A_283, %add3A_271] : memref<324x128xf32, #tpu.memory_space<vmem>>[vector<16xi32>, vector<16xi32>], vector<16xf32>,
          %mul3A_285 = arith.constant 16 : i32
          %mul3A_286 = arith.muli %scan3A_224, %mul3A_285 : i32
          %swap3A_287 = arith.constant 1 : i32
          %swap3A_288 = arith.index_cast %swap3A_287 : i32 to index
          %swap3A_289 = arith.index_cast %mul3A_286 : i32 to index
          %swap3A_290 = tpu.vector_load %arg12[%swap3A_288, %swap3A_289] {strides = array<i32>} : memref<4x128xf32, #tpu.memory_space<vmem>>, vector<16xf32>,
          tpu.vector_store %arg12[%swap3A_288, %swap3A_289], %gather3A_284 {strides = array<i32>} : memref<4x128xf32, #tpu.memory_space<vmem>>, vector<16xf32>,
          %add3A_291 = arith.constant 162 : i32
          %add3A_292 = vector.broadcast %add3A_291 : i32 to vector<16xi32>
          %add3A_293 = arith.addi %select_n3A_245, %add3A_292 : vector<16xi32>
          %gather3A_294 = tpu.vector_load_idx %arg8[%add3A_293, %add3A_271] : memref<324x128xf32, #tpu.memory_space<vmem>>[vector<16xi32>, vector<16xi32>], vector<16xf32>,
          %mul3A_295 = arith.constant 16 : i32
          %mul3A_296 = arith.muli %scan3A_224, %mul3A_295 : i32
          %swap3A_297 = arith.constant 2 : i32
          %swap3A_298 = arith.index_cast %swap3A_297 : i32 to index
          %swap3A_299 = arith.index_cast %mul3A_296 : i32 to index
          %swap3A_300 = tpu.vector_load %arg12[%swap3A_298, %swap3A_299] {strides = array<i32>} : memref<4x128xf32, #tpu.memory_space<vmem>>, vector<16xf32>,
          tpu.vector_store %arg12[%swap3A_298, %swap3A_299], %gather3A_294 {strides = array<i32>} : memref<4x128xf32, #tpu.memory_space<vmem>>, vector<16xf32>,
          %add3A_301 = arith.constant 243 : i32
          %add3A_302 = vector.broadcast %add3A_301 : i32 to vector<16xi32>
          %add3A_303 = arith.addi %select_n3A_245, %add3A_302 : vector<16xi32>
          %gather3A_304 = tpu.vector_load_idx %arg8[%add3A_303, %add3A_271] : memref<324x128xf32, #tpu.memory_space<vmem>>[vector<16xi32>, vector<16xi32>], vector<16xf32>,
          %mul3A_305 = arith.constant 16 : i32
          %mul3A_306 = arith.muli %scan3A_224, %mul3A_305 : i32
          %swap3A_307 = arith.constant 3 : i32
          %swap3A_308 = arith.index_cast %swap3A_307 : i32 to index
          %swap3A_309 = arith.index_cast %mul3A_306 : i32 to index
          %swap3A_310 = tpu.vector_load %arg12[%swap3A_308, %swap3A_309] {strides = array<i32>} : memref<4x128xf32, #tpu.memory_space<vmem>>, vector<16xf32>,
          tpu.vector_store %arg12[%swap3A_308, %swap3A_309], %gather3A_304 {strides = array<i32>} : memref<4x128xf32, #tpu.memory_space<vmem>>, vector<16xf32>,
          %scan3A_311 = arith.constant 0 : i32
          scf.yield %scan3A_311 : i32
        }
        %scan3A_204 = arith.constant 8 : i32
        %add3A_205 = arith.constant 1 : i32
        %add3A_206 = arith.addi %mul3A_182, %add3A_205 : i32
        %lt3A_207 = arith.cmpi slt, %add3A_206, %select_n3A : i32
        %convert_element_type3A_208 = arith.extui %lt3A_207 : i1 to i32
        %cond3A_209 = arith.constant 0 : i32
        %cond3A_210 = arith.cmpi ne, %convert_element_type3A_208, %cond3A_209 : i32
        scf.if %cond3A_210 {
          %add3A_224 = arith.constant 1 : i32
          %add3A_225 = arith.addi %mul3A_182, %add3A_224 : i32
          %mul3A_226 = arith.constant 128 : i32
          %mul3A_227 = arith.muli %mul3A_226, %add3A_225 : i32
          %add3A_228 = arith.addi %sub3A_7, %mul3A_227 : i32
          %multiple_of3A_229 = tpu.assume_multiple %add3A_228, 128 : i32
          %dma_start3A_230 = arith.constant 0 : i32
          %dma_start3A_231 = tpu.memref_slice %arg2[%dma_start3A_230, %multiple_of3A_229] : memref<81x20000xf32, #tpu.memory_space<hbm>> -> memref<81x128xf32, #tpu.memory_space<hbm>>
          %dma_start3A_232 = arith.constant 0 : i32
          %dma_start3A_233 = tpu.memref_slice %arg2[%dma_start3A_232, %multiple_of3A_229] : memref<81x20000xf32, #tpu.memory_space<hbm>> -> memref<81x128xf32, #tpu.memory_space<hbm>>
          tpu.enqueue_dma source(%dma_start3A_233 : memref<81x128xf32, #tpu.memory_space<hbm>>) target(%arg7 : memref<81x128xf32, #tpu.memory_space<vmem>>) target_semaphore(%arg19 : memref<!tpu.dma_semaphore, #tpu.memory_space<semaphore_mem>>)
        } else {
        }
        %add3A_211 = arith.constant 2 : i32
        %add3A_212 = arith.addi %mul3A_182, %add3A_211 : i32
        %lt3A_213 = arith.cmpi slt, %add3A_212, %select_n3A : i32
        %convert_element_type3A_214 = arith.extui %lt3A_213 : i1 to i32
        %cond3A_215 = arith.constant 0 : i32
        %cond3A_216 = arith.cmpi ne, %convert_element_type3A_214, %cond3A_215 : i32
        scf.if %cond3A_216 {
          %add3A_224 = arith.constant 2 : i32
          %add3A_225 = arith.addi %mul3A_182, %add3A_224 : i32
          %mul3A_226 = arith.constant 128 : i32
          %mul3A_227 = arith.muli %mul3A_226, %add3A_225 : i32
          %add3A_228 = arith.addi %sub3A_7, %mul3A_227 : i32
          %multiple_of3A_229 = tpu.assume_multiple %add3A_228, 128 : i32
          %dma_start3A_230 = arith.constant 0 : i32
          %dma_start3A_231 = arith.constant 0 : i32
          %dma_start3A_232 = tpu.memref_slice %arg4[%dma_start3A_231, %multiple_of3A_229] : memref<324x20000xf32, #tpu.memory_space<hbm>> -> memref<324x128xf32, #tpu.memory_space<hbm>>
          %dma_start3A_233 = tpu.memref_slice %arg20[%dma_start3A_230] : memref<2x!tpu.dma_semaphore, #tpu.memory_space<semaphore_mem>> -> memref<1x!tpu.dma_semaphore, #tpu.memory_space<semaphore_mem>>
          %dma_start3A_234 = tpu.memref_squeeze %dma_start3A_233 : memref<1x!tpu.dma_semaphore, #tpu.memory_space<semaphore_mem>> -> memref<!tpu.dma_semaphore, #tpu.memory_space<semaphore_mem>>
          %dma_start3A_235 = arith.constant 0 : i32
          %dma_start3A_236 = tpu.memref_slice %arg4[%dma_start3A_235, %multiple_of3A_229] : memref<324x20000xf32, #tpu.memory_space<hbm>> -> memref<324x128xf32, #tpu.memory_space<hbm>>
          tpu.enqueue_dma source(%dma_start3A_236 : memref<324x128xf32, #tpu.memory_space<hbm>>) target(%arg8 : memref<324x128xf32, #tpu.memory_space<vmem>>) target_semaphore(%dma_start3A_234 : memref<!tpu.dma_semaphore, #tpu.memory_space<semaphore_mem>>)
        } else {
        }
        %scan3A_217 = arith.constant 0 : i32
        %scan3A_218 = arith.constant 0 : i32
        %scan3A_219 = arith.constant 8 : i32
        %scan3A_220 = arith.addi %scan3A_218, %scan3A_219 : i32
        %scan3A_221 = arith.constant 1 : i32
        %scan3A_222 = scf.for %scan3A_224 = %scan3A_218 to %scan3A_220 step %scan3A_221 iter_args(%scan3A_225 = %scan3A_217) -> (i32)  : i32 {
          %mul3A_226 = arith.constant 16 : i32
          %mul3A_227 = arith.muli %scan3A_224, %mul3A_226 : i32
          %get3A = arith.constant 0 : i32
          %get3A_228 = arith.index_cast %get3A : i32 to index
          %get3A_229 = arith.index_cast %mul3A_227 : i32 to index
          %get3A_230 = tpu.vector_load %arg12[%get3A_228, %get3A_229] {strides = array<i32>} : memref<4x128xf32, #tpu.memory_space<vmem>>, vector<16xf32>,
          %mul3A_231 = arith.constant 16 : i32
          %mul3A_232 = arith.muli %scan3A_224, %mul3A_231 : i32
          %get3A_233 = arith.constant 1 : i32
          %get3A_234 = arith.index_cast %get3A_233 : i32 to index
          %get3A_235 = arith.index_cast %mul3A_232 : i32 to index
          %get3A_236 = tpu.vector_load %arg12[%get3A_234, %get3A_235] {strides = array<i32>} : memref<4x128xf32, #tpu.memory_space<vmem>>, vector<16xf32>,
          %mul3A_237 = arith.constant 16 : i32
          %mul3A_238 = arith.muli %scan3A_224, %mul3A_237 : i32
          %get3A_239 = arith.constant 2 : i32
          %get3A_240 = arith.index_cast %get3A_239 : i32 to index
          %get3A_241 = arith.index_cast %mul3A_238 : i32 to index
          %get3A_242 = tpu.vector_load %arg12[%get3A_240, %get3A_241] {strides = array<i32>} : memref<4x128xf32, #tpu.memory_space<vmem>>, vector<16xf32>,
          %mul3A_243 = arith.constant 16 : i32
          %mul3A_244 = arith.muli %scan3A_224, %mul3A_243 : i32
          %get3A_245 = arith.constant 3 : i32
          %get3A_246 = arith.index_cast %get3A_245 : i32 to index
          %get3A_247 = arith.index_cast %mul3A_244 : i32 to index
          %get3A_248 = tpu.vector_load %arg12[%get3A_246, %get3A_247] {strides = array<i32>} : memref<4x128xf32, #tpu.memory_space<vmem>>, vector<16xf32>,
          %mul3A_249 = arith.constant 128 : i32
          %mul3A_250 = arith.muli %mul3A_182, %mul3A_249 : i32
          %mul3A_251 = arith.constant 16 : i32
          %mul3A_252 = arith.muli %scan3A_224, %mul3A_251 : i32
          %add3A_253 = arith.addi %mul3A_250, %mul3A_252 : i32
          %get3A_254 = arith.constant 0 : i32
          %get3A_255 = arith.index_cast %get3A_254 : i32 to index
          %get3A_256 = arith.index_cast %add3A_253 : i32 to index
          %get3A_257 = tpu.vector_load %arg11[%get3A_255, %get3A_256] {strides = array<i32>} : memref<4x640xf32, #tpu.memory_space<vmem>>, vector<16xf32>,
          %mul3A_258 = arith.constant 128 : i32
          %mul3A_259 = arith.muli %mul3A_182, %mul3A_258 : i32
          %mul3A_260 = arith.constant 16 : i32
          %mul3A_261 = arith.muli %scan3A_224, %mul3A_260 : i32
          %add3A_262 = arith.addi %mul3A_259, %mul3A_261 : i32
          %get3A_263 = arith.constant 1 : i32
          %get3A_264 = arith.index_cast %get3A_263 : i32 to index
          %get3A_265 = arith.index_cast %add3A_262 : i32 to index
          %get3A_266 = tpu.vector_load %arg11[%get3A_264, %get3A_265] {strides = array<i32>} : memref<4x640xf32, #tpu.memory_space<vmem>>, vector<16xf32>,
          %mul3A_267 = arith.constant 128 : i32
          %mul3A_268 = arith.muli %mul3A_182, %mul3A_267 : i32
          %mul3A_269 = arith.constant 16 : i32
          %mul3A_270 = arith.muli %scan3A_224, %mul3A_269 : i32
          %add3A_271 = arith.addi %mul3A_268, %mul3A_270 : i32
          %get3A_272 = arith.constant 2 : i32
          %get3A_273 = arith.index_cast %get3A_272 : i32 to index
          %get3A_274 = arith.index_cast %add3A_271 : i32 to index
          %get3A_275 = tpu.vector_load %arg11[%get3A_273, %get3A_274] {strides = array<i32>} : memref<4x640xf32, #tpu.memory_space<vmem>>, vector<16xf32>,
          %mul3A_276 = arith.constant 128 : i32
          %mul3A_277 = arith.muli %mul3A_182, %mul3A_276 : i32
          %mul3A_278 = arith.constant 16 : i32
          %mul3A_279 = arith.muli %scan3A_224, %mul3A_278 : i32
          %add3A_280 = arith.addi %mul3A_277, %mul3A_279 : i32
          %get3A_281 = arith.constant 3 : i32
          %get3A_282 = arith.index_cast %get3A_281 : i32 to index
          %get3A_283 = arith.index_cast %add3A_280 : i32 to index
          %get3A_284 = tpu.vector_load %arg11[%get3A_282, %get3A_283] {strides = array<i32>} : memref<4x640xf32, #tpu.memory_space<vmem>>, vector<16xf32>,
          %mul3A_285 = arith.constant 1.000000e-01 : f32
          %mul3A_286 = vector.broadcast %mul3A_285 : f32 to vector<16xf32>
          %mul3A_287 = arith.mulf %get3A_230, %mul3A_286 : vector<16xf32>
          %mul3A_288 = arith.constant 1.000000e-01 : f32
          %mul3A_289 = vector.broadcast %mul3A_288 : f32 to vector<16xf32>
          %mul3A_290 = arith.mulf %get3A_236, %mul3A_289 : vector<16xf32>
          %mul3A_291 = arith.constant 2.000000e-01 : f32
          %mul3A_292 = vector.broadcast %mul3A_291 : f32 to vector<16xf32>
          %mul3A_293 = arith.mulf %get3A_242, %mul3A_292 : vector<16xf32>
          %mul3A_294 = arith.constant 2.000000e-01 : f32
          %mul3A_295 = vector.broadcast %mul3A_294 : f32 to vector<16xf32>
          %mul3A_296 = arith.mulf %get3A_248, %mul3A_295 : vector<16xf32>
          %sub3A_297 = arith.subf %get3A_275, %get3A_257 : vector<16xf32>
          %sub3A_298 = arith.subf %get3A_284, %get3A_266 : vector<16xf32>
          %mul3A_299 = arith.constant 5.000000e-01 : f32
          %mul3A_300 = vector.broadcast %mul3A_299 : f32 to vector<16xf32>
          %mul3A_301 = arith.mulf %mul3A_300, %sub3A_297 : vector<16xf32>
          %add3A_302 = arith.addf %get3A_257, %mul3A_301 : vector<16xf32>
          %mul3A_303 = arith.constant 5.000000e-01 : f32
          %mul3A_304 = vector.broadcast %mul3A_303 : f32 to vector<16xf32>
          %mul3A_305 = arith.mulf %mul3A_304, %sub3A_298 : vector<16xf32>
          %add3A_306 = arith.addf %get3A_266, %mul3A_305 : vector<16xf32>
          %mul3A_307 = arith.mulf %sub3A_297, %mul3A_287 : vector<16xf32>
          %add3A_308 = arith.addf %add3A_302, %mul3A_307 : vector<16xf32>
          %mul3A_309 = arith.mulf %sub3A_298, %mul3A_290 : vector<16xf32>
          %add3A_310 = arith.addf %add3A_306, %mul3A_309 : vector<16xf32>
          %exp3A = math.exp %mul3A_293 : vector<16xf32>
          %mul3A_311 = arith.mulf %sub3A_297, %exp3A : vector<16xf32>
          %exp3A_312 = math.exp %mul3A_296 : vector<16xf32>
          %mul3A_313 = arith.mulf %sub3A_298, %exp3A_312 : vector<16xf32>
          %mul3A_314 = arith.constant 5.000000e-01 : f32
          %mul3A_315 = vector.broadcast %mul3A_314 : f32 to vector<16xf32>
          %mul3A_316 = arith.mulf %mul3A_315, %mul3A_311 : vector<16xf32>
          %sub3A_317 = arith.subf %add3A_308, %mul3A_316 : vector<16xf32>
          %mul3A_318 = arith.constant 5.000000e-01 : f32
          %mul3A_319 = vector.broadcast %mul3A_318 : f32 to vector<16xf32>
          %mul3A_320 = arith.mulf %mul3A_319, %mul3A_313 : vector<16xf32>
          %sub3A_321 = arith.subf %add3A_310, %mul3A_320 : vector<16xf32>
          %mul3A_322 = arith.constant 5.000000e-01 : f32
          %mul3A_323 = vector.broadcast %mul3A_322 : f32 to vector<16xf32>
          %mul3A_324 = arith.mulf %mul3A_323, %mul3A_311 : vector<16xf32>
          %add3A_325 = arith.addf %add3A_308, %mul3A_324 : vector<16xf32>
          %mul3A_326 = arith.constant 5.000000e-01 : f32
          %mul3A_327 = vector.broadcast %mul3A_326 : f32 to vector<16xf32>
          %mul3A_328 = arith.mulf %mul3A_327, %mul3A_313 : vector<16xf32>
          %add3A_329 = arith.addf %add3A_310, %mul3A_328 : vector<16xf32>
          %mul3A_330 = arith.constant 16 : i32
          %mul3A_331 = arith.muli %scan3A_224, %mul3A_330 : i32
          %swap3A = arith.index_cast %mul3A_182 : i32 to index
          %swap3A_332 = arith.index_cast %mul3A_331 : i32 to index
          %swap3A_333 = tpu.vector_load %arg13[%swap3A, %swap3A_332] {strides = array<i32>} : memref<8x128xf32, #tpu.memory_space<vmem>>, vector<16xf32>,
          tpu.vector_store %arg13[%swap3A, %swap3A_332], %sub3A_317 {strides = array<i32>} : memref<8x128xf32, #tpu.memory_space<vmem>>, vector<16xf32>,
          %mul3A_334 = arith.constant 16 : i32
          %mul3A_335 = arith.muli %scan3A_224, %mul3A_334 : i32
          %swap3A_336 = arith.index_cast %mul3A_182 : i32 to index
          %swap3A_337 = arith.index_cast %mul3A_335 : i32 to index
          %swap3A_338 = tpu.vector_load %arg14[%swap3A_336, %swap3A_337] {strides = array<i32>} : memref<8x128xf32, #tpu.memory_space<vmem>>, vector<16xf32>,
          tpu.vector_store %arg14[%swap3A_336, %swap3A_337], %sub3A_321 {strides = array<i32>} : memref<8x128xf32, #tpu.memory_space<vmem>>, vector<16xf32>,
          %mul3A_339 = arith.constant 16 : i32
          %mul3A_340 = arith.muli %scan3A_224, %mul3A_339 : i32
          %swap3A_341 = arith.index_cast %mul3A_182 : i32 to index
          %swap3A_342 = arith.index_cast %mul3A_340 : i32 to index
          %swap3A_343 = tpu.vector_load %arg15[%swap3A_341, %swap3A_342] {strides = array<i32>} : memref<8x128xf32, #tpu.memory_space<vmem>>, vector<16xf32>,
          tpu.vector_store %arg15[%swap3A_341, %swap3A_342], %add3A_325 {strides = array<i32>} : memref<8x128xf32, #tpu.memory_space<vmem>>, vector<16xf32>,
          %mul3A_344 = arith.constant 16 : i32
          %mul3A_345 = arith.muli %scan3A_224, %mul3A_344 : i32
          %swap3A_346 = arith.index_cast %mul3A_182 : i32 to index
          %swap3A_347 = arith.index_cast %mul3A_345 : i32 to index
          %swap3A_348 = tpu.vector_load %arg16[%swap3A_346, %swap3A_347] {strides = array<i32>} : memref<8x128xf32, #tpu.memory_space<vmem>>, vector<16xf32>,
          tpu.vector_store %arg16[%swap3A_346, %swap3A_347], %add3A_329 {strides = array<i32>} : memref<8x128xf32, #tpu.memory_space<vmem>>, vector<16xf32>,
          %scan3A_349 = arith.constant 0 : i32
          scf.yield %scan3A_349 : i32
        }
        %scan3A_223 = arith.constant 8 : i32
      } else {
      }
      %mul3A_172 = arith.constant 2 : i32
      %mul3A_173 = arith.muli %mul3A_172, %scan3A_164 : i32
      %add3A_174 = arith.constant 1 : i32
      %add3A_175 = arith.addi %mul3A_173, %add3A_174 : i32
      %lt3A_176 = arith.cmpi slt, %add3A_175, %select_n3A : i32
      %convert_element_type3A_177 = arith.extui %lt3A_176 : i1 to i32
      %cond3A_178 = arith.constant 0 : i32
      %cond3A_179 = arith.cmpi ne, %convert_element_type3A_177, %cond3A_178 : i32
      scf.if %cond3A_179 {
        %mul3A_181 = arith.constant 2 : i32
        %mul3A_182 = arith.muli %mul3A_181, %scan3A_164 : i32
        %add3A_183 = arith.constant 1 : i32
        %add3A_184 = arith.addi %mul3A_182, %add3A_183 : i32
        %dma_wait3A_185 = arith.constant 0 : i32
        %dma_wait3A_186 = arith.constant 0 : i32
        %dma_wait3A_187 = tpu.memref_slice %arg2[%dma_wait3A_185, %dma_wait3A_186] : memref<81x20000xf32, #tpu.memory_space<hbm>> -> memref<81x128xf32, #tpu.memory_space<hbm>>
        %dma_wait3A_188 = arith.constant 0 : i32
        %dma_wait3A_189 = arith.constant 0 : i32
        %dma_wait3A_190 = tpu.memref_slice %arg2[%dma_wait3A_188, %dma_wait3A_189] : memref<81x20000xf32, #tpu.memory_space<hbm>> -> memref<81x128xf32, #tpu.memory_space<hbm>>
        tpu.wait_dma2 semaphore(%arg19 : memref<!tpu.dma_semaphore, #tpu.memory_space<semaphore_mem>>) src(%dma_wait3A_190 : memref<81x128xf32, #tpu.memory_space<hbm>>) dst(%arg7 : memref<81x128xf32, #tpu.memory_space<vmem>>)
        %dma_wait3A_191 = arith.constant 1 : i32
        %dma_wait3A_192 = arith.constant 0 : i32
        %dma_wait3A_193 = arith.constant 0 : i32
        %dma_wait3A_194 = tpu.memref_slice %arg4[%dma_wait3A_192, %dma_wait3A_193] : memref<324x20000xf32, #tpu.memory_space<hbm>> -> memref<324x128xf32, #tpu.memory_space<hbm>>
        %dma_wait3A_195 = tpu.memref_slice %arg20[%dma_wait3A_191] : memref<2x!tpu.dma_semaphore, #tpu.memory_space<semaphore_mem>> -> memref<1x!tpu.dma_semaphore, #tpu.memory_space<semaphore_mem>>
        %dma_wait3A_196 = tpu.memref_squeeze %dma_wait3A_195 : memref<1x!tpu.dma_semaphore, #tpu.memory_space<semaphore_mem>> -> memref<!tpu.dma_semaphore, #tpu.memory_space<semaphore_mem>>
        %dma_wait3A_197 = arith.constant 0 : i32
        %dma_wait3A_198 = arith.constant 0 : i32
        %dma_wait3A_199 = tpu.memref_slice %arg4[%dma_wait3A_197, %dma_wait3A_198] : memref<324x20000xf32, #tpu.memory_space<hbm>> -> memref<324x128xf32, #tpu.memory_space<hbm>>
        tpu.wait_dma2 semaphore(%dma_wait3A_196 : memref<!tpu.dma_semaphore, #tpu.memory_space<semaphore_mem>>) src(%dma_wait3A_199 : memref<324x128xf32, #tpu.memory_space<hbm>>) dst(%arg9 : memref<324x128xf32, #tpu.memory_space<vmem>>)
        %scan3A_200 = arith.constant 0 : i32
        %scan3A_201 = arith.constant 0 : i32
        %scan3A_202 = arith.constant 8 : i32
        %scan3A_203 = arith.addi %scan3A_201, %scan3A_202 : i32
        %scan3A_204 = arith.constant 1 : i32
        %scan3A_205 = scf.for %scan3A_226 = %scan3A_201 to %scan3A_203 step %scan3A_204 iter_args(%scan3A_227 = %scan3A_200) -> (i32)  : i32 {
          %broadcast_in_dim3A = arith.constant 0xFF800000 : f32
          %broadcast_in_dim3A_228 = vector.broadcast %broadcast_in_dim3A : f32 to vector<16xf32>
          %broadcast_in_dim3A_229 = arith.constant 0 : i32
          %broadcast_in_dim3A_230 = vector.broadcast %broadcast_in_dim3A_229 : i32 to vector<16xi32>
          %scan3A_231 = arith.constant 0 : i32
          %scan3A_232 = arith.constant 9 : i32
          %scan3A_233 = arith.addi %scan3A_231, %scan3A_232 : i32
          %scan3A_234 = arith.constant 1 : i32
          %scan3A_235:6 = scf.for %scan3A_314 = %scan3A_231 to %scan3A_233 step %scan3A_234 iter_args(%scan3A_315 = %broadcast_in_dim3A_228, %scan3A_316 = %broadcast_in_dim3A_230, %scan3A_317 = %broadcast_in_dim3A_228, %scan3A_318 = %broadcast_in_dim3A_230, %scan3A_319 = %broadcast_in_dim3A_228, %scan3A_320 = %broadcast_in_dim3A_230) -> (vector<16xf32>, vector<16xi32>, vector<16xf32>, vector<16xi32>, vector<16xf32>, vector<16xi32>)  : i32 {
            %mul3A_321 = arith.constant 9 : i32
            %mul3A_322 = arith.muli %scan3A_314, %mul3A_321 : i32
            %add3A_323 = arith.constant 0 : i32
            %add3A_324 = arith.addi %mul3A_322, %add3A_323 : i32
            %mul3A_325 = arith.constant 16 : i32
            %mul3A_326 = arith.muli %scan3A_226, %mul3A_325 : i32
            %get3A = arith.index_cast %add3A_324 : i32 to index
            %get3A_327 = arith.index_cast %mul3A_326 : i32 to index
            %get3A_328 = tpu.vector_load %arg7[%get3A, %get3A_327] {strides = array<i32>} : memref<81x128xf32, #tpu.memory_space<vmem>>, vector<16xf32>,
            %gt3A_329 = arith.cmpf ogt, %get3A_328, %scan3A_315 : vector<16xf32>
            %select_n3A_330 = arith.select %gt3A_329, %get3A_328, %scan3A_315 : vector<16xi1>, vector<16xf32>
            %broadcast_in_dim3A_331 = vector.broadcast %add3A_324 : i32 to vector<16xi32>
            %select_n3A_332 = arith.select %gt3A_329, %broadcast_in_dim3A_331, %scan3A_316 : vector<16xi1>, vector<16xi32>
            %mul3A_333 = arith.constant 9 : i32
            %mul3A_334 = arith.muli %scan3A_314, %mul3A_333 : i32
            %add3A_335 = arith.constant 1 : i32
            %add3A_336 = arith.addi %mul3A_334, %add3A_335 : i32
            %mul3A_337 = arith.constant 16 : i32
            %mul3A_338 = arith.muli %scan3A_226, %mul3A_337 : i32
            %get3A_339 = arith.index_cast %add3A_336 : i32 to index
            %get3A_340 = arith.index_cast %mul3A_338 : i32 to index
            %get3A_341 = tpu.vector_load %arg7[%get3A_339, %get3A_340] {strides = array<i32>} : memref<81x128xf32, #tpu.memory_space<vmem>>, vector<16xf32>,
            %gt3A_342 = arith.cmpf ogt, %get3A_341, %scan3A_317 : vector<16xf32>
            %select_n3A_343 = arith.select %gt3A_342, %get3A_341, %scan3A_317 : vector<16xi1>, vector<16xf32>
            %broadcast_in_dim3A_344 = vector.broadcast %add3A_336 : i32 to vector<16xi32>
            %select_n3A_345 = arith.select %gt3A_342, %broadcast_in_dim3A_344, %scan3A_318 : vector<16xi1>, vector<16xi32>
            %mul3A_346 = arith.constant 9 : i32
            %mul3A_347 = arith.muli %scan3A_314, %mul3A_346 : i32
            %add3A_348 = arith.constant 2 : i32
            %add3A_349 = arith.addi %mul3A_347, %add3A_348 : i32
            %mul3A_350 = arith.constant 16 : i32
            %mul3A_351 = arith.muli %scan3A_226, %mul3A_350 : i32
            %get3A_352 = arith.index_cast %add3A_349 : i32 to index
            %get3A_353 = arith.index_cast %mul3A_351 : i32 to index
            %get3A_354 = tpu.vector_load %arg7[%get3A_352, %get3A_353] {strides = array<i32>} : memref<81x128xf32, #tpu.memory_space<vmem>>, vector<16xf32>,
            %gt3A_355 = arith.cmpf ogt, %get3A_354, %scan3A_319 : vector<16xf32>
            %select_n3A_356 = arith.select %gt3A_355, %get3A_354, %scan3A_319 : vector<16xi1>, vector<16xf32>
            %broadcast_in_dim3A_357 = vector.broadcast %add3A_349 : i32 to vector<16xi32>
            %select_n3A_358 = arith.select %gt3A_355, %broadcast_in_dim3A_357, %scan3A_320 : vector<16xi1>, vector<16xi32>
            %mul3A_359 = arith.constant 9 : i32
            %mul3A_360 = arith.muli %scan3A_314, %mul3A_359 : i32
            %add3A_361 = arith.constant 3 : i32
            %add3A_362 = arith.addi %mul3A_360, %add3A_361 : i32
            %mul3A_363 = arith.constant 16 : i32
            %mul3A_364 = arith.muli %scan3A_226, %mul3A_363 : i32
            %get3A_365 = arith.index_cast %add3A_362 : i32 to index
            %get3A_366 = arith.index_cast %mul3A_364 : i32 to index
            %get3A_367 = tpu.vector_load %arg7[%get3A_365, %get3A_366] {strides = array<i32>} : memref<81x128xf32, #tpu.memory_space<vmem>>, vector<16xf32>,
            %gt3A_368 = arith.cmpf ogt, %get3A_367, %select_n3A_330 : vector<16xf32>
            %select_n3A_369 = arith.select %gt3A_368, %get3A_367, %select_n3A_330 : vector<16xi1>, vector<16xf32>
            %broadcast_in_dim3A_370 = vector.broadcast %add3A_362 : i32 to vector<16xi32>
            %select_n3A_371 = arith.select %gt3A_368, %broadcast_in_dim3A_370, %select_n3A_332 : vector<16xi1>, vector<16xi32>
            %mul3A_372 = arith.constant 9 : i32
            %mul3A_373 = arith.muli %scan3A_314, %mul3A_372 : i32
            %add3A_374 = arith.constant 4 : i32
            %add3A_375 = arith.addi %mul3A_373, %add3A_374 : i32
            %mul3A_376 = arith.constant 16 : i32
            %mul3A_377 = arith.muli %scan3A_226, %mul3A_376 : i32
            %get3A_378 = arith.index_cast %add3A_375 : i32 to index
            %get3A_379 = arith.index_cast %mul3A_377 : i32 to index
            %get3A_380 = tpu.vector_load %arg7[%get3A_378, %get3A_379] {strides = array<i32>} : memref<81x128xf32, #tpu.memory_space<vmem>>, vector<16xf32>,
            %gt3A_381 = arith.cmpf ogt, %get3A_380, %select_n3A_343 : vector<16xf32>
            %select_n3A_382 = arith.select %gt3A_381, %get3A_380, %select_n3A_343 : vector<16xi1>, vector<16xf32>
            %broadcast_in_dim3A_383 = vector.broadcast %add3A_375 : i32 to vector<16xi32>
            %select_n3A_384 = arith.select %gt3A_381, %broadcast_in_dim3A_383, %select_n3A_345 : vector<16xi1>, vector<16xi32>
            %mul3A_385 = arith.constant 9 : i32
            %mul3A_386 = arith.muli %scan3A_314, %mul3A_385 : i32
            %add3A_387 = arith.constant 5 : i32
            %add3A_388 = arith.addi %mul3A_386, %add3A_387 : i32
            %mul3A_389 = arith.constant 16 : i32
            %mul3A_390 = arith.muli %scan3A_226, %mul3A_389 : i32
            %get3A_391 = arith.index_cast %add3A_388 : i32 to index
            %get3A_392 = arith.index_cast %mul3A_390 : i32 to index
            %get3A_393 = tpu.vector_load %arg7[%get3A_391, %get3A_392] {strides = array<i32>} : memref<81x128xf32, #tpu.memory_space<vmem>>, vector<16xf32>,
            %gt3A_394 = arith.cmpf ogt, %get3A_393, %select_n3A_356 : vector<16xf32>
            %select_n3A_395 = arith.select %gt3A_394, %get3A_393, %select_n3A_356 : vector<16xi1>, vector<16xf32>
            %broadcast_in_dim3A_396 = vector.broadcast %add3A_388 : i32 to vector<16xi32>
            %select_n3A_397 = arith.select %gt3A_394, %broadcast_in_dim3A_396, %select_n3A_358 : vector<16xi1>, vector<16xi32>
            %mul3A_398 = arith.constant 9 : i32
            %mul3A_399 = arith.muli %scan3A_314, %mul3A_398 : i32
            %add3A_400 = arith.constant 6 : i32
            %add3A_401 = arith.addi %mul3A_399, %add3A_400 : i32
            %mul3A_402 = arith.constant 16 : i32
            %mul3A_403 = arith.muli %scan3A_226, %mul3A_402 : i32
            %get3A_404 = arith.index_cast %add3A_401 : i32 to index
            %get3A_405 = arith.index_cast %mul3A_403 : i32 to index
            %get3A_406 = tpu.vector_load %arg7[%get3A_404, %get3A_405] {strides = array<i32>} : memref<81x128xf32, #tpu.memory_space<vmem>>, vector<16xf32>,
            %gt3A_407 = arith.cmpf ogt, %get3A_406, %select_n3A_369 : vector<16xf32>
            %select_n3A_408 = arith.select %gt3A_407, %get3A_406, %select_n3A_369 : vector<16xi1>, vector<16xf32>
            %broadcast_in_dim3A_409 = vector.broadcast %add3A_401 : i32 to vector<16xi32>
            %select_n3A_410 = arith.select %gt3A_407, %broadcast_in_dim3A_409, %select_n3A_371 : vector<16xi1>, vector<16xi32>
            %mul3A_411 = arith.constant 9 : i32
            %mul3A_412 = arith.muli %scan3A_314, %mul3A_411 : i32
            %add3A_413 = arith.constant 7 : i32
            %add3A_414 = arith.addi %mul3A_412, %add3A_413 : i32
            %mul3A_415 = arith.constant 16 : i32
            %mul3A_416 = arith.muli %scan3A_226, %mul3A_415 : i32
            %get3A_417 = arith.index_cast %add3A_414 : i32 to index
            %get3A_418 = arith.index_cast %mul3A_416 : i32 to index
            %get3A_419 = tpu.vector_load %arg7[%get3A_417, %get3A_418] {strides = array<i32>} : memref<81x128xf32, #tpu.memory_space<vmem>>, vector<16xf32>,
            %gt3A_420 = arith.cmpf ogt, %get3A_419, %select_n3A_382 : vector<16xf32>
            %select_n3A_421 = arith.select %gt3A_420, %get3A_419, %select_n3A_382 : vector<16xi1>, vector<16xf32>
            %broadcast_in_dim3A_422 = vector.broadcast %add3A_414 : i32 to vector<16xi32>
            %select_n3A_423 = arith.select %gt3A_420, %broadcast_in_dim3A_422, %select_n3A_384 : vector<16xi1>, vector<16xi32>
            %mul3A_424 = arith.constant 9 : i32
            %mul3A_425 = arith.muli %scan3A_314, %mul3A_424 : i32
            %add3A_426 = arith.constant 8 : i32
            %add3A_427 = arith.addi %mul3A_425, %add3A_426 : i32
            %mul3A_428 = arith.constant 16 : i32
            %mul3A_429 = arith.muli %scan3A_226, %mul3A_428 : i32
            %get3A_430 = arith.index_cast %add3A_427 : i32 to index
            %get3A_431 = arith.index_cast %mul3A_429 : i32 to index
            %get3A_432 = tpu.vector_load %arg7[%get3A_430, %get3A_431] {strides = array<i32>} : memref<81x128xf32, #tpu.memory_space<vmem>>, vector<16xf32>,
            %gt3A_433 = arith.cmpf ogt, %get3A_432, %select_n3A_395 : vector<16xf32>
            %select_n3A_434 = arith.select %gt3A_433, %get3A_432, %select_n3A_395 : vector<16xi1>, vector<16xf32>
            %broadcast_in_dim3A_435 = vector.broadcast %add3A_427 : i32 to vector<16xi32>
            %select_n3A_436 = arith.select %gt3A_433, %broadcast_in_dim3A_435, %select_n3A_397 : vector<16xi1>, vector<16xi32>
            scf.yield %select_n3A_408, %select_n3A_410, %select_n3A_421, %select_n3A_423, %select_n3A_434, %select_n3A_436 : vector<16xf32>, vector<16xi32>, vector<16xf32>, vector<16xi32>, vector<16xf32>, vector<16xi32>
          }
          %scan3A_236 = arith.constant 9 : i32
          %gt3A = arith.cmpf ogt, %scan3A_235#2, %scan3A_235#0 : vector<16xf32>
          %eq3A = arith.cmpf oeq, %scan3A_235#2, %scan3A_235#0 : vector<16xf32>
          %lt3A_237 = arith.cmpi slt, %scan3A_235#3, %scan3A_235#1 : vector<16xi32>
          %and3A_238 = arith.andi %eq3A, %lt3A_237 : vector<16xi1>
          %or3A = arith.ori %gt3A, %and3A_238 : vector<16xi1>
          %select_n3A_239 = arith.select %or3A, %scan3A_235#2, %scan3A_235#0 : vector<16xi1>, vector<16xf32>
          %select_n3A_240 = arith.select %or3A, %scan3A_235#3, %scan3A_235#1 : vector<16xi1>, vector<16xi32>
          %gt3A_241 = arith.cmpf ogt, %scan3A_235#4, %select_n3A_239 : vector<16xf32>
          %eq3A_242 = arith.cmpf oeq, %scan3A_235#4, %select_n3A_239 : vector<16xf32>
          %lt3A_243 = arith.cmpi slt, %scan3A_235#5, %select_n3A_240 : vector<16xi32>
          %and3A_244 = arith.andi %eq3A_242, %lt3A_243 : vector<16xi1>
          %or3A_245 = arith.ori %gt3A_241, %and3A_244 : vector<16xi1>
          %select_n3A_246 = arith.select %or3A_245, %scan3A_235#4, %select_n3A_239 : vector<16xi1>, vector<16xf32>
          %select_n3A_247 = arith.select %or3A_245, %scan3A_235#5, %select_n3A_240 : vector<16xi1>, vector<16xi32>
          %broadcast_in_dim3A_248 = arith.constant 0.000000e+00 : f32
          %broadcast_in_dim3A_249 = vector.broadcast %broadcast_in_dim3A_248 : f32 to vector<16xf32>
          %scan3A_250 = arith.constant 0 : i32
          %scan3A_251 = arith.constant 9 : i32
          %scan3A_252 = arith.addi %scan3A_250, %scan3A_251 : i32
          %scan3A_253 = arith.constant 1 : i32
          %scan3A_254:3 = scf.for %scan3A_314 = %scan3A_250 to %scan3A_252 step %scan3A_253 iter_args(%scan3A_315 = %broadcast_in_dim3A_249, %scan3A_316 = %broadcast_in_dim3A_249, %scan3A_317 = %broadcast_in_dim3A_249) -> (vector<16xf32>, vector<16xf32>, vector<16xf32>)  : i32 {
            %mul3A_318 = arith.constant 9 : i32
            %mul3A_319 = arith.muli %scan3A_314, %mul3A_318 : i32
            %add3A_320 = arith.constant 0 : i32
            %add3A_321 = arith.addi %mul3A_319, %add3A_320 : i32
            %mul3A_322 = arith.constant 16 : i32
            %mul3A_323 = arith.muli %scan3A_226, %mul3A_322 : i32
            %get3A = arith.index_cast %add3A_321 : i32 to index
            %get3A_324 = arith.index_cast %mul3A_323 : i32 to index
            %get3A_325 = tpu.vector_load %arg7[%get3A, %get3A_324] {strides = array<i32>} : memref<81x128xf32, #tpu.memory_space<vmem>>, vector<16xf32>,
            %sub3A_326 = arith.subf %get3A_325, %select_n3A_246 : vector<16xf32>
            %exp3A = math.exp %sub3A_326 : vector<16xf32>
            %add3A_327 = arith.addf %scan3A_315, %exp3A : vector<16xf32>
            %mul3A_328 = arith.constant 9 : i32
            %mul3A_329 = arith.muli %scan3A_314, %mul3A_328 : i32
            %add3A_330 = arith.constant 1 : i32
            %add3A_331 = arith.addi %mul3A_329, %add3A_330 : i32
            %mul3A_332 = arith.constant 16 : i32
            %mul3A_333 = arith.muli %scan3A_226, %mul3A_332 : i32
            %get3A_334 = arith.index_cast %add3A_331 : i32 to index
            %get3A_335 = arith.index_cast %mul3A_333 : i32 to index
            %get3A_336 = tpu.vector_load %arg7[%get3A_334, %get3A_335] {strides = array<i32>} : memref<81x128xf32, #tpu.memory_space<vmem>>, vector<16xf32>,
            %sub3A_337 = arith.subf %get3A_336, %select_n3A_246 : vector<16xf32>
            %exp3A_338 = math.exp %sub3A_337 : vector<16xf32>
            %add3A_339 = arith.addf %scan3A_316, %exp3A_338 : vector<16xf32>
            %mul3A_340 = arith.constant 9 : i32
            %mul3A_341 = arith.muli %scan3A_314, %mul3A_340 : i32
            %add3A_342 = arith.constant 2 : i32
            %add3A_343 = arith.addi %mul3A_341, %add3A_342 : i32
            %mul3A_344 = arith.constant 16 : i32
            %mul3A_345 = arith.muli %scan3A_226, %mul3A_344 : i32
            %get3A_346 = arith.index_cast %add3A_343 : i32 to index
            %get3A_347 = arith.index_cast %mul3A_345 : i32 to index
            %get3A_348 = tpu.vector_load %arg7[%get3A_346, %get3A_347] {strides = array<i32>} : memref<81x128xf32, #tpu.memory_space<vmem>>, vector<16xf32>,
            %sub3A_349 = arith.subf %get3A_348, %select_n3A_246 : vector<16xf32>
            %exp3A_350 = math.exp %sub3A_349 : vector<16xf32>
            %add3A_351 = arith.addf %scan3A_317, %exp3A_350 : vector<16xf32>
            %mul3A_352 = arith.constant 9 : i32
            %mul3A_353 = arith.muli %scan3A_314, %mul3A_352 : i32
            %add3A_354 = arith.constant 3 : i32
            %add3A_355 = arith.addi %mul3A_353, %add3A_354 : i32
            %mul3A_356 = arith.constant 16 : i32
            %mul3A_357 = arith.muli %scan3A_226, %mul3A_356 : i32
            %get3A_358 = arith.index_cast %add3A_355 : i32 to index
            %get3A_359 = arith.index_cast %mul3A_357 : i32 to index
            %get3A_360 = tpu.vector_load %arg7[%get3A_358, %get3A_359] {strides = array<i32>} : memref<81x128xf32, #tpu.memory_space<vmem>>, vector<16xf32>,
            %sub3A_361 = arith.subf %get3A_360, %select_n3A_246 : vector<16xf32>
            %exp3A_362 = math.exp %sub3A_361 : vector<16xf32>
            %add3A_363 = arith.addf %add3A_327, %exp3A_362 : vector<16xf32>
            %mul3A_364 = arith.constant 9 : i32
            %mul3A_365 = arith.muli %scan3A_314, %mul3A_364 : i32
            %add3A_366 = arith.constant 4 : i32
            %add3A_367 = arith.addi %mul3A_365, %add3A_366 : i32
            %mul3A_368 = arith.constant 16 : i32
            %mul3A_369 = arith.muli %scan3A_226, %mul3A_368 : i32
            %get3A_370 = arith.index_cast %add3A_367 : i32 to index
            %get3A_371 = arith.index_cast %mul3A_369 : i32 to index
            %get3A_372 = tpu.vector_load %arg7[%get3A_370, %get3A_371] {strides = array<i32>} : memref<81x128xf32, #tpu.memory_space<vmem>>, vector<16xf32>,
            %sub3A_373 = arith.subf %get3A_372, %select_n3A_246 : vector<16xf32>
            %exp3A_374 = math.exp %sub3A_373 : vector<16xf32>
            %add3A_375 = arith.addf %add3A_339, %exp3A_374 : vector<16xf32>
            %mul3A_376 = arith.constant 9 : i32
            %mul3A_377 = arith.muli %scan3A_314, %mul3A_376 : i32
            %add3A_378 = arith.constant 5 : i32
            %add3A_379 = arith.addi %mul3A_377, %add3A_378 : i32
            %mul3A_380 = arith.constant 16 : i32
            %mul3A_381 = arith.muli %scan3A_226, %mul3A_380 : i32
            %get3A_382 = arith.index_cast %add3A_379 : i32 to index
            %get3A_383 = arith.index_cast %mul3A_381 : i32 to index
            %get3A_384 = tpu.vector_load %arg7[%get3A_382, %get3A_383] {strides = array<i32>} : memref<81x128xf32, #tpu.memory_space<vmem>>, vector<16xf32>,
            %sub3A_385 = arith.subf %get3A_384, %select_n3A_246 : vector<16xf32>
            %exp3A_386 = math.exp %sub3A_385 : vector<16xf32>
            %add3A_387 = arith.addf %add3A_351, %exp3A_386 : vector<16xf32>
            %mul3A_388 = arith.constant 9 : i32
            %mul3A_389 = arith.muli %scan3A_314, %mul3A_388 : i32
            %add3A_390 = arith.constant 6 : i32
            %add3A_391 = arith.addi %mul3A_389, %add3A_390 : i32
            %mul3A_392 = arith.constant 16 : i32
            %mul3A_393 = arith.muli %scan3A_226, %mul3A_392 : i32
            %get3A_394 = arith.index_cast %add3A_391 : i32 to index
            %get3A_395 = arith.index_cast %mul3A_393 : i32 to index
            %get3A_396 = tpu.vector_load %arg7[%get3A_394, %get3A_395] {strides = array<i32>} : memref<81x128xf32, #tpu.memory_space<vmem>>, vector<16xf32>,
            %sub3A_397 = arith.subf %get3A_396, %select_n3A_246 : vector<16xf32>
            %exp3A_398 = math.exp %sub3A_397 : vector<16xf32>
            %add3A_399 = arith.addf %add3A_363, %exp3A_398 : vector<16xf32>
            %mul3A_400 = arith.constant 9 : i32
            %mul3A_401 = arith.muli %scan3A_314, %mul3A_400 : i32
            %add3A_402 = arith.constant 7 : i32
            %add3A_403 = arith.addi %mul3A_401, %add3A_402 : i32
            %mul3A_404 = arith.constant 16 : i32
            %mul3A_405 = arith.muli %scan3A_226, %mul3A_404 : i32
            %get3A_406 = arith.index_cast %add3A_403 : i32 to index
            %get3A_407 = arith.index_cast %mul3A_405 : i32 to index
            %get3A_408 = tpu.vector_load %arg7[%get3A_406, %get3A_407] {strides = array<i32>} : memref<81x128xf32, #tpu.memory_space<vmem>>, vector<16xf32>,
            %sub3A_409 = arith.subf %get3A_408, %select_n3A_246 : vector<16xf32>
            %exp3A_410 = math.exp %sub3A_409 : vector<16xf32>
            %add3A_411 = arith.addf %add3A_375, %exp3A_410 : vector<16xf32>
            %mul3A_412 = arith.constant 9 : i32
            %mul3A_413 = arith.muli %scan3A_314, %mul3A_412 : i32
            %add3A_414 = arith.constant 8 : i32
            %add3A_415 = arith.addi %mul3A_413, %add3A_414 : i32
            %mul3A_416 = arith.constant 16 : i32
            %mul3A_417 = arith.muli %scan3A_226, %mul3A_416 : i32
            %get3A_418 = arith.index_cast %add3A_415 : i32 to index
            %get3A_419 = arith.index_cast %mul3A_417 : i32 to index
            %get3A_420 = tpu.vector_load %arg7[%get3A_418, %get3A_419] {strides = array<i32>} : memref<81x128xf32, #tpu.memory_space<vmem>>, vector<16xf32>,
            %sub3A_421 = arith.subf %get3A_420, %select_n3A_246 : vector<16xf32>
            %exp3A_422 = math.exp %sub3A_421 : vector<16xf32>
            %add3A_423 = arith.addf %add3A_387, %exp3A_422 : vector<16xf32>
            scf.yield %add3A_399, %add3A_411, %add3A_423 : vector<16xf32>, vector<16xf32>, vector<16xf32>
          }
          %scan3A_255 = arith.constant 9 : i32
          %add3A_256 = arith.addf %scan3A_254#0, %scan3A_254#1 : vector<16xf32>
          %add3A_257 = arith.addf %add3A_256, %scan3A_254#2 : vector<16xf32>
          %div3A = arith.constant 1.000000e+00 : f32
          %div3A_258 = vector.broadcast %div3A : f32 to vector<16xf32>
          %div3A_259 = arith.divf %div3A_258, %add3A_257 : vector<16xf32>
          %mul3A_260 = arith.constant 16 : i32
          %mul3A_261 = arith.muli %scan3A_226, %mul3A_260 : i32
          %swap3A = arith.index_cast %add3A_184 : i32 to index
          %swap3A_262 = arith.index_cast %mul3A_261 : i32 to index
          %swap3A_263 = tpu.vector_load %arg17[%swap3A, %swap3A_262] {strides = array<i32>} : memref<8x128xf32, #tpu.memory_space<vmem>>, vector<16xf32>,
          tpu.vector_store %arg17[%swap3A, %swap3A_262], %div3A_259 {strides = array<i32>} : memref<8x128xf32, #tpu.memory_space<vmem>>, vector<16xf32>,
          %convert_element_type3A_264 = arith.sitofp %select_n3A_247 : vector<16xi32> to vector<16xf32>
          %mul3A_265 = arith.constant 16 : i32
          %mul3A_266 = arith.muli %scan3A_226, %mul3A_265 : i32
          %swap3A_267 = arith.index_cast %add3A_184 : i32 to index
          %swap3A_268 = arith.index_cast %mul3A_266 : i32 to index
          %swap3A_269 = tpu.vector_load %arg18[%swap3A_267, %swap3A_268] {strides = array<i32>} : memref<8x128xf32, #tpu.memory_space<vmem>>, vector<16xf32>,
          tpu.vector_store %arg18[%swap3A_267, %swap3A_268], %convert_element_type3A_264 {strides = array<i32>} : memref<8x128xf32, #tpu.memory_space<vmem>>, vector<16xf32>,
          %mul3A_270 = arith.constant 16 : i32
          %mul3A_271 = arith.muli %scan3A_226, %mul3A_270 : i32
          %add3A_272 = vector.broadcast %mul3A_271 : i32 to vector<16xi32>
          %add3A_273 = arith.addi %add3A_272, %iota3A : vector<16xi32>
          %add3A_274 = arith.constant 0 : i32
          %add3A_275 = vector.broadcast %add3A_274 : i32 to vector<16xi32>
          %add3A_276 = arith.addi %select_n3A_247, %add3A_275 : vector<16xi32>
          %gather3A = tpu.vector_load_idx %arg9[%add3A_276, %add3A_273] : memref<324x128xf32, #tpu.memory_space<vmem>>[vector<16xi32>, vector<16xi32>], vector<16xf32>,
          %mul3A_277 = arith.constant 16 : i32
          %mul3A_278 = arith.muli %scan3A_226, %mul3A_277 : i32
          %swap3A_279 = arith.constant 0 : i32
          %swap3A_280 = arith.index_cast %swap3A_279 : i32 to index
          %swap3A_281 = arith.index_cast %mul3A_278 : i32 to index
          %swap3A_282 = tpu.vector_load %arg12[%swap3A_280, %swap3A_281] {strides = array<i32>} : memref<4x128xf32, #tpu.memory_space<vmem>>, vector<16xf32>,
          tpu.vector_store %arg12[%swap3A_280, %swap3A_281], %gather3A {strides = array<i32>} : memref<4x128xf32, #tpu.memory_space<vmem>>, vector<16xf32>,
          %add3A_283 = arith.constant 81 : i32
          %add3A_284 = vector.broadcast %add3A_283 : i32 to vector<16xi32>
          %add3A_285 = arith.addi %select_n3A_247, %add3A_284 : vector<16xi32>
          %gather3A_286 = tpu.vector_load_idx %arg9[%add3A_285, %add3A_273] : memref<324x128xf32, #tpu.memory_space<vmem>>[vector<16xi32>, vector<16xi32>], vector<16xf32>,
          %mul3A_287 = arith.constant 16 : i32
          %mul3A_288 = arith.muli %scan3A_226, %mul3A_287 : i32
          %swap3A_289 = arith.constant 1 : i32
          %swap3A_290 = arith.index_cast %swap3A_289 : i32 to index
          %swap3A_291 = arith.index_cast %mul3A_288 : i32 to index
          %swap3A_292 = tpu.vector_load %arg12[%swap3A_290, %swap3A_291] {strides = array<i32>} : memref<4x128xf32, #tpu.memory_space<vmem>>, vector<16xf32>,
          tpu.vector_store %arg12[%swap3A_290, %swap3A_291], %gather3A_286 {strides = array<i32>} : memref<4x128xf32, #tpu.memory_space<vmem>>, vector<16xf32>,
          %add3A_293 = arith.constant 162 : i32
          %add3A_294 = vector.broadcast %add3A_293 : i32 to vector<16xi32>
          %add3A_295 = arith.addi %select_n3A_247, %add3A_294 : vector<16xi32>
          %gather3A_296 = tpu.vector_load_idx %arg9[%add3A_295, %add3A_273] : memref<324x128xf32, #tpu.memory_space<vmem>>[vector<16xi32>, vector<16xi32>], vector<16xf32>,
          %mul3A_297 = arith.constant 16 : i32
          %mul3A_298 = arith.muli %scan3A_226, %mul3A_297 : i32
          %swap3A_299 = arith.constant 2 : i32
          %swap3A_300 = arith.index_cast %swap3A_299 : i32 to index
          %swap3A_301 = arith.index_cast %mul3A_298 : i32 to index
          %swap3A_302 = tpu.vector_load %arg12[%swap3A_300, %swap3A_301] {strides = array<i32>} : memref<4x128xf32, #tpu.memory_space<vmem>>, vector<16xf32>,
          tpu.vector_store %arg12[%swap3A_300, %swap3A_301], %gather3A_296 {strides = array<i32>} : memref<4x128xf32, #tpu.memory_space<vmem>>, vector<16xf32>,
          %add3A_303 = arith.constant 243 : i32
          %add3A_304 = vector.broadcast %add3A_303 : i32 to vector<16xi32>
          %add3A_305 = arith.addi %select_n3A_247, %add3A_304 : vector<16xi32>
          %gather3A_306 = tpu.vector_load_idx %arg9[%add3A_305, %add3A_273] : memref<324x128xf32, #tpu.memory_space<vmem>>[vector<16xi32>, vector<16xi32>], vector<16xf32>,
          %mul3A_307 = arith.constant 16 : i32
          %mul3A_308 = arith.muli %scan3A_226, %mul3A_307 : i32
          %swap3A_309 = arith.constant 3 : i32
          %swap3A_310 = arith.index_cast %swap3A_309 : i32 to index
          %swap3A_311 = arith.index_cast %mul3A_308 : i32 to index
          %swap3A_312 = tpu.vector_load %arg12[%swap3A_310, %swap3A_311] {strides = array<i32>} : memref<4x128xf32, #tpu.memory_space<vmem>>, vector<16xf32>,
          tpu.vector_store %arg12[%swap3A_310, %swap3A_311], %gather3A_306 {strides = array<i32>} : memref<4x128xf32, #tpu.memory_space<vmem>>, vector<16xf32>,
          %scan3A_313 = arith.constant 0 : i32
          scf.yield %scan3A_313 : i32
        }
        %scan3A_206 = arith.constant 8 : i32
        %add3A_207 = arith.constant 1 : i32
        %add3A_208 = arith.addi %add3A_184, %add3A_207 : i32
        %lt3A_209 = arith.cmpi slt, %add3A_208, %select_n3A : i32
        %convert_element_type3A_210 = arith.extui %lt3A_209 : i1 to i32
        %cond3A_211 = arith.constant 0 : i32
        %cond3A_212 = arith.cmpi ne, %convert_element_type3A_210, %cond3A_211 : i32
        scf.if %cond3A_212 {
          %add3A_226 = arith.constant 1 : i32
          %add3A_227 = arith.addi %add3A_184, %add3A_226 : i32
          %mul3A_228 = arith.constant 128 : i32
          %mul3A_229 = arith.muli %mul3A_228, %add3A_227 : i32
          %add3A_230 = arith.addi %sub3A_7, %mul3A_229 : i32
          %multiple_of3A_231 = tpu.assume_multiple %add3A_230, 128 : i32
          %dma_start3A_232 = arith.constant 0 : i32
          %dma_start3A_233 = tpu.memref_slice %arg2[%dma_start3A_232, %multiple_of3A_231] : memref<81x20000xf32, #tpu.memory_space<hbm>> -> memref<81x128xf32, #tpu.memory_space<hbm>>
          %dma_start3A_234 = arith.constant 0 : i32
          %dma_start3A_235 = tpu.memref_slice %arg2[%dma_start3A_234, %multiple_of3A_231] : memref<81x20000xf32, #tpu.memory_space<hbm>> -> memref<81x128xf32, #tpu.memory_space<hbm>>
          tpu.enqueue_dma source(%dma_start3A_235 : memref<81x128xf32, #tpu.memory_space<hbm>>) target(%arg7 : memref<81x128xf32, #tpu.memory_space<vmem>>) target_semaphore(%arg19 : memref<!tpu.dma_semaphore, #tpu.memory_space<semaphore_mem>>)
        } else {
        }
        %add3A_213 = arith.constant 2 : i32
        %add3A_214 = arith.addi %add3A_184, %add3A_213 : i32
        %lt3A_215 = arith.cmpi slt, %add3A_214, %select_n3A : i32
        %convert_element_type3A_216 = arith.extui %lt3A_215 : i1 to i32
        %cond3A_217 = arith.constant 0 : i32
        %cond3A_218 = arith.cmpi ne, %convert_element_type3A_216, %cond3A_217 : i32
        scf.if %cond3A_218 {
          %add3A_226 = arith.constant 2 : i32
          %add3A_227 = arith.addi %add3A_184, %add3A_226 : i32
          %mul3A_228 = arith.constant 128 : i32
          %mul3A_229 = arith.muli %mul3A_228, %add3A_227 : i32
          %add3A_230 = arith.addi %sub3A_7, %mul3A_229 : i32
          %multiple_of3A_231 = tpu.assume_multiple %add3A_230, 128 : i32
          %dma_start3A_232 = arith.constant 1 : i32
          %dma_start3A_233 = arith.constant 0 : i32
          %dma_start3A_234 = tpu.memref_slice %arg4[%dma_start3A_233, %multiple_of3A_231] : memref<324x20000xf32, #tpu.memory_space<hbm>> -> memref<324x128xf32, #tpu.memory_space<hbm>>
          %dma_start3A_235 = tpu.memref_slice %arg20[%dma_start3A_232] : memref<2x!tpu.dma_semaphore, #tpu.memory_space<semaphore_mem>> -> memref<1x!tpu.dma_semaphore, #tpu.memory_space<semaphore_mem>>
          %dma_start3A_236 = tpu.memref_squeeze %dma_start3A_235 : memref<1x!tpu.dma_semaphore, #tpu.memory_space<semaphore_mem>> -> memref<!tpu.dma_semaphore, #tpu.memory_space<semaphore_mem>>
          %dma_start3A_237 = arith.constant 0 : i32
          %dma_start3A_238 = tpu.memref_slice %arg4[%dma_start3A_237, %multiple_of3A_231] : memref<324x20000xf32, #tpu.memory_space<hbm>> -> memref<324x128xf32, #tpu.memory_space<hbm>>
          tpu.enqueue_dma source(%dma_start3A_238 : memref<324x128xf32, #tpu.memory_space<hbm>>) target(%arg9 : memref<324x128xf32, #tpu.memory_space<vmem>>) target_semaphore(%dma_start3A_236 : memref<!tpu.dma_semaphore, #tpu.memory_space<semaphore_mem>>)
        } else {
        }
        %scan3A_219 = arith.constant 0 : i32
        %scan3A_220 = arith.constant 0 : i32
        %scan3A_221 = arith.constant 8 : i32
        %scan3A_222 = arith.addi %scan3A_220, %scan3A_221 : i32
        %scan3A_223 = arith.constant 1 : i32
        %scan3A_224 = scf.for %scan3A_226 = %scan3A_220 to %scan3A_222 step %scan3A_223 iter_args(%scan3A_227 = %scan3A_219) -> (i32)  : i32 {
          %mul3A_228 = arith.constant 16 : i32
          %mul3A_229 = arith.muli %scan3A_226, %mul3A_228 : i32
          %get3A = arith.constant 0 : i32
          %get3A_230 = arith.index_cast %get3A : i32 to index
          %get3A_231 = arith.index_cast %mul3A_229 : i32 to index
          %get3A_232 = tpu.vector_load %arg12[%get3A_230, %get3A_231] {strides = array<i32>} : memref<4x128xf32, #tpu.memory_space<vmem>>, vector<16xf32>,
          %mul3A_233 = arith.constant 16 : i32
          %mul3A_234 = arith.muli %scan3A_226, %mul3A_233 : i32
          %get3A_235 = arith.constant 1 : i32
          %get3A_236 = arith.index_cast %get3A_235 : i32 to index
          %get3A_237 = arith.index_cast %mul3A_234 : i32 to index
          %get3A_238 = tpu.vector_load %arg12[%get3A_236, %get3A_237] {strides = array<i32>} : memref<4x128xf32, #tpu.memory_space<vmem>>, vector<16xf32>,
          %mul3A_239 = arith.constant 16 : i32
          %mul3A_240 = arith.muli %scan3A_226, %mul3A_239 : i32
          %get3A_241 = arith.constant 2 : i32
          %get3A_242 = arith.index_cast %get3A_241 : i32 to index
          %get3A_243 = arith.index_cast %mul3A_240 : i32 to index
          %get3A_244 = tpu.vector_load %arg12[%get3A_242, %get3A_243] {strides = array<i32>} : memref<4x128xf32, #tpu.memory_space<vmem>>, vector<16xf32>,
          %mul3A_245 = arith.constant 16 : i32
          %mul3A_246 = arith.muli %scan3A_226, %mul3A_245 : i32
          %get3A_247 = arith.constant 3 : i32
          %get3A_248 = arith.index_cast %get3A_247 : i32 to index
          %get3A_249 = arith.index_cast %mul3A_246 : i32 to index
          %get3A_250 = tpu.vector_load %arg12[%get3A_248, %get3A_249] {strides = array<i32>} : memref<4x128xf32, #tpu.memory_space<vmem>>, vector<16xf32>,
          %mul3A_251 = arith.constant 128 : i32
          %mul3A_252 = arith.muli %add3A_184, %mul3A_251 : i32
          %mul3A_253 = arith.constant 16 : i32
          %mul3A_254 = arith.muli %scan3A_226, %mul3A_253 : i32
          %add3A_255 = arith.addi %mul3A_252, %mul3A_254 : i32
          %get3A_256 = arith.constant 0 : i32
          %get3A_257 = arith.index_cast %get3A_256 : i32 to index
          %get3A_258 = arith.index_cast %add3A_255 : i32 to index
          %get3A_259 = tpu.vector_load %arg11[%get3A_257, %get3A_258] {strides = array<i32>} : memref<4x640xf32, #tpu.memory_space<vmem>>, vector<16xf32>,
          %mul3A_260 = arith.constant 128 : i32
          %mul3A_261 = arith.muli %add3A_184, %mul3A_260 : i32
          %mul3A_262 = arith.constant 16 : i32
          %mul3A_263 = arith.muli %scan3A_226, %mul3A_262 : i32
          %add3A_264 = arith.addi %mul3A_261, %mul3A_263 : i32
          %get3A_265 = arith.constant 1 : i32
          %get3A_266 = arith.index_cast %get3A_265 : i32 to index
          %get3A_267 = arith.index_cast %add3A_264 : i32 to index
          %get3A_268 = tpu.vector_load %arg11[%get3A_266, %get3A_267] {strides = array<i32>} : memref<4x640xf32, #tpu.memory_space<vmem>>, vector<16xf32>,
          %mul3A_269 = arith.constant 128 : i32
          %mul3A_270 = arith.muli %add3A_184, %mul3A_269 : i32
          %mul3A_271 = arith.constant 16 : i32
          %mul3A_272 = arith.muli %scan3A_226, %mul3A_271 : i32
          %add3A_273 = arith.addi %mul3A_270, %mul3A_272 : i32
          %get3A_274 = arith.constant 2 : i32
          %get3A_275 = arith.index_cast %get3A_274 : i32 to index
          %get3A_276 = arith.index_cast %add3A_273 : i32 to index
          %get3A_277 = tpu.vector_load %arg11[%get3A_275, %get3A_276] {strides = array<i32>} : memref<4x640xf32, #tpu.memory_space<vmem>>, vector<16xf32>,
          %mul3A_278 = arith.constant 128 : i32
          %mul3A_279 = arith.muli %add3A_184, %mul3A_278 : i32
          %mul3A_280 = arith.constant 16 : i32
          %mul3A_281 = arith.muli %scan3A_226, %mul3A_280 : i32
          %add3A_282 = arith.addi %mul3A_279, %mul3A_281 : i32
          %get3A_283 = arith.constant 3 : i32
          %get3A_284 = arith.index_cast %get3A_283 : i32 to index
          %get3A_285 = arith.index_cast %add3A_282 : i32 to index
          %get3A_286 = tpu.vector_load %arg11[%get3A_284, %get3A_285] {strides = array<i32>} : memref<4x640xf32, #tpu.memory_space<vmem>>, vector<16xf32>,
          %mul3A_287 = arith.constant 1.000000e-01 : f32
          %mul3A_288 = vector.broadcast %mul3A_287 : f32 to vector<16xf32>
          %mul3A_289 = arith.mulf %get3A_232, %mul3A_288 : vector<16xf32>
          %mul3A_290 = arith.constant 1.000000e-01 : f32
          %mul3A_291 = vector.broadcast %mul3A_290 : f32 to vector<16xf32>
          %mul3A_292 = arith.mulf %get3A_238, %mul3A_291 : vector<16xf32>
          %mul3A_293 = arith.constant 2.000000e-01 : f32
          %mul3A_294 = vector.broadcast %mul3A_293 : f32 to vector<16xf32>
          %mul3A_295 = arith.mulf %get3A_244, %mul3A_294 : vector<16xf32>
          %mul3A_296 = arith.constant 2.000000e-01 : f32
          %mul3A_297 = vector.broadcast %mul3A_296 : f32 to vector<16xf32>
          %mul3A_298 = arith.mulf %get3A_250, %mul3A_297 : vector<16xf32>
          %sub3A_299 = arith.subf %get3A_277, %get3A_259 : vector<16xf32>
          %sub3A_300 = arith.subf %get3A_286, %get3A_268 : vector<16xf32>
          %mul3A_301 = arith.constant 5.000000e-01 : f32
          %mul3A_302 = vector.broadcast %mul3A_301 : f32 to vector<16xf32>
          %mul3A_303 = arith.mulf %mul3A_302, %sub3A_299 : vector<16xf32>
          %add3A_304 = arith.addf %get3A_259, %mul3A_303 : vector<16xf32>
          %mul3A_305 = arith.constant 5.000000e-01 : f32
          %mul3A_306 = vector.broadcast %mul3A_305 : f32 to vector<16xf32>
          %mul3A_307 = arith.mulf %mul3A_306, %sub3A_300 : vector<16xf32>
          %add3A_308 = arith.addf %get3A_268, %mul3A_307 : vector<16xf32>
          %mul3A_309 = arith.mulf %sub3A_299, %mul3A_289 : vector<16xf32>
          %add3A_310 = arith.addf %add3A_304, %mul3A_309 : vector<16xf32>
          %mul3A_311 = arith.mulf %sub3A_300, %mul3A_292 : vector<16xf32>
          %add3A_312 = arith.addf %add3A_308, %mul3A_311 : vector<16xf32>
          %exp3A = math.exp %mul3A_295 : vector<16xf32>
          %mul3A_313 = arith.mulf %sub3A_299, %exp3A : vector<16xf32>
          %exp3A_314 = math.exp %mul3A_298 : vector<16xf32>
          %mul3A_315 = arith.mulf %sub3A_300, %exp3A_314 : vector<16xf32>
          %mul3A_316 = arith.constant 5.000000e-01 : f32
          %mul3A_317 = vector.broadcast %mul3A_316 : f32 to vector<16xf32>
          %mul3A_318 = arith.mulf %mul3A_317, %mul3A_313 : vector<16xf32>
          %sub3A_319 = arith.subf %add3A_310, %mul3A_318 : vector<16xf32>
          %mul3A_320 = arith.constant 5.000000e-01 : f32
          %mul3A_321 = vector.broadcast %mul3A_320 : f32 to vector<16xf32>
          %mul3A_322 = arith.mulf %mul3A_321, %mul3A_315 : vector<16xf32>
          %sub3A_323 = arith.subf %add3A_312, %mul3A_322 : vector<16xf32>
          %mul3A_324 = arith.constant 5.000000e-01 : f32
          %mul3A_325 = vector.broadcast %mul3A_324 : f32 to vector<16xf32>
          %mul3A_326 = arith.mulf %mul3A_325, %mul3A_313 : vector<16xf32>
          %add3A_327 = arith.addf %add3A_310, %mul3A_326 : vector<16xf32>
          %mul3A_328 = arith.constant 5.000000e-01 : f32
          %mul3A_329 = vector.broadcast %mul3A_328 : f32 to vector<16xf32>
          %mul3A_330 = arith.mulf %mul3A_329, %mul3A_315 : vector<16xf32>
          %add3A_331 = arith.addf %add3A_312, %mul3A_330 : vector<16xf32>
          %mul3A_332 = arith.constant 16 : i32
          %mul3A_333 = arith.muli %scan3A_226, %mul3A_332 : i32
          %swap3A = arith.index_cast %add3A_184 : i32 to index
          %swap3A_334 = arith.index_cast %mul3A_333 : i32 to index
          %swap3A_335 = tpu.vector_load %arg13[%swap3A, %swap3A_334] {strides = array<i32>} : memref<8x128xf32, #tpu.memory_space<vmem>>, vector<16xf32>,
          tpu.vector_store %arg13[%swap3A, %swap3A_334], %sub3A_319 {strides = array<i32>} : memref<8x128xf32, #tpu.memory_space<vmem>>, vector<16xf32>,
          %mul3A_336 = arith.constant 16 : i32
          %mul3A_337 = arith.muli %scan3A_226, %mul3A_336 : i32
          %swap3A_338 = arith.index_cast %add3A_184 : i32 to index
          %swap3A_339 = arith.index_cast %mul3A_337 : i32 to index
          %swap3A_340 = tpu.vector_load %arg14[%swap3A_338, %swap3A_339] {strides = array<i32>} : memref<8x128xf32, #tpu.memory_space<vmem>>, vector<16xf32>,
          tpu.vector_store %arg14[%swap3A_338, %swap3A_339], %sub3A_323 {strides = array<i32>} : memref<8x128xf32, #tpu.memory_space<vmem>>, vector<16xf32>,
          %mul3A_341 = arith.constant 16 : i32
          %mul3A_342 = arith.muli %scan3A_226, %mul3A_341 : i32
          %swap3A_343 = arith.index_cast %add3A_184 : i32 to index
          %swap3A_344 = arith.index_cast %mul3A_342 : i32 to index
          %swap3A_345 = tpu.vector_load %arg15[%swap3A_343, %swap3A_344] {strides = array<i32>} : memref<8x128xf32, #tpu.memory_space<vmem>>, vector<16xf32>,
          tpu.vector_store %arg15[%swap3A_343, %swap3A_344], %add3A_327 {strides = array<i32>} : memref<8x128xf32, #tpu.memory_space<vmem>>, vector<16xf32>,
          %mul3A_346 = arith.constant 16 : i32
          %mul3A_347 = arith.muli %scan3A_226, %mul3A_346 : i32
          %swap3A_348 = arith.index_cast %add3A_184 : i32 to index
          %swap3A_349 = arith.index_cast %mul3A_347 : i32 to index
          %swap3A_350 = tpu.vector_load %arg16[%swap3A_348, %swap3A_349] {strides = array<i32>} : memref<8x128xf32, #tpu.memory_space<vmem>>, vector<16xf32>,
          tpu.vector_store %arg16[%swap3A_348, %swap3A_349], %add3A_331 {strides = array<i32>} : memref<8x128xf32, #tpu.memory_space<vmem>>, vector<16xf32>,
          %scan3A_351 = arith.constant 0 : i32
          scf.yield %scan3A_351 : i32
        }
        %scan3A_225 = arith.constant 8 : i32
      } else {
      }
      %scan3A_180 = arith.constant 0 : i32
      scf.yield %scan3A_180 : i32
    }
    %scan3A_53 = arith.constant 3 : i32
    %convert_element_type3A_54 = arith.extui %and3A : i1 to i32
    %cond3A_55 = arith.constant 0 : i32
    %cond3A_56 = arith.cmpi ne, %convert_element_type3A_54, %cond3A_55 : i32
    scf.if %cond3A_56 {
      tpu.enqueue_dma source(%arg5 : memref<32x409xf32, #tpu.memory_space<hbm>>) target(%arg10 : memref<32x409xf32, #tpu.memory_space<vmem>>) target_semaphore(%arg21 : memref<!tpu.dma_semaphore, #tpu.memory_space<semaphore_mem>>)
      tpu.wait_dma2 semaphore(%arg21 : memref<!tpu.dma_semaphore, #tpu.memory_space<semaphore_mem>>) src(%arg5 : memref<32x409xf32, #tpu.memory_space<hbm>>) dst(%arg10 : memref<32x409xf32, #tpu.memory_space<vmem>>)
      %mul3A_164 = arith.constant 16 : i32
      %mul3A_165 = arith.muli %sub3A_14, %mul3A_164 : i32
      %add3A_166 = vector.broadcast %mul3A_165 : i32 to vector<16xi32>
      %add3A_167 = arith.addi %add3A_166, %iota3A : vector<16xi32>
      %broadcast_in_dim3A = arith.constant 0xFF800000 : f32
      %broadcast_in_dim3A_168 = vector.broadcast %broadcast_in_dim3A : f32 to vector<16xf32>
      %broadcast_in_dim3A_169 = arith.constant 0 : i32
      %broadcast_in_dim3A_170 = vector.broadcast %broadcast_in_dim3A_169 : i32 to vector<16xi32>
      %scan3A_171 = arith.constant 0 : i32
      %scan3A_172 = arith.constant 9 : i32
      %scan3A_173 = arith.addi %scan3A_171, %scan3A_172 : i32
      %scan3A_174 = arith.constant 1 : i32
      %scan3A_175:6 = scf.for %scan3A_320 = %scan3A_171 to %scan3A_173 step %scan3A_174 iter_args(%scan3A_321 = %broadcast_in_dim3A_168, %scan3A_322 = %broadcast_in_dim3A_170, %scan3A_323 = %broadcast_in_dim3A_168, %scan3A_324 = %broadcast_in_dim3A_170, %scan3A_325 = %broadcast_in_dim3A_168, %scan3A_326 = %broadcast_in_dim3A_170) -> (vector<16xf32>, vector<16xi32>, vector<16xf32>, vector<16xi32>, vector<16xf32>, vector<16xi32>)  : i32 {
        %mul3A_327 = arith.constant 9 : i32
        %mul3A_328 = arith.muli %scan3A_320, %mul3A_327 : i32
        %add3A_329 = arith.constant 0 : i32
        %add3A_330 = arith.addi %mul3A_328, %add3A_329 : i32
        %broadcast_in_dim3A_331 = vector.broadcast %add3A_330 : i32 to vector<16xi32>
        %gather3A_332 = tpu.vector_load_idx %arg10[%add3A_167, %broadcast_in_dim3A_331] : memref<32x409xf32, #tpu.memory_space<vmem>>[vector<16xi32>, vector<16xi32>], vector<16xf32>,
        %gt3A_333 = arith.cmpf ogt, %gather3A_332, %scan3A_321 : vector<16xf32>
        %select_n3A_334 = arith.select %gt3A_333, %gather3A_332, %scan3A_321 : vector<16xi1>, vector<16xf32>
        %broadcast_in_dim3A_335 = vector.broadcast %add3A_330 : i32 to vector<16xi32>
        %select_n3A_336 = arith.select %gt3A_333, %broadcast_in_dim3A_335, %scan3A_322 : vector<16xi1>, vector<16xi32>
        %mul3A_337 = arith.constant 9 : i32
        %mul3A_338 = arith.muli %scan3A_320, %mul3A_337 : i32
        %add3A_339 = arith.constant 1 : i32
        %add3A_340 = arith.addi %mul3A_338, %add3A_339 : i32
        %broadcast_in_dim3A_341 = vector.broadcast %add3A_340 : i32 to vector<16xi32>
        %gather3A_342 = tpu.vector_load_idx %arg10[%add3A_167, %broadcast_in_dim3A_341] : memref<32x409xf32, #tpu.memory_space<vmem>>[vector<16xi32>, vector<16xi32>], vector<16xf32>,
        %gt3A_343 = arith.cmpf ogt, %gather3A_342, %scan3A_323 : vector<16xf32>
        %select_n3A_344 = arith.select %gt3A_343, %gather3A_342, %scan3A_323 : vector<16xi1>, vector<16xf32>
        %broadcast_in_dim3A_345 = vector.broadcast %add3A_340 : i32 to vector<16xi32>
        %select_n3A_346 = arith.select %gt3A_343, %broadcast_in_dim3A_345, %scan3A_324 : vector<16xi1>, vector<16xi32>
        %mul3A_347 = arith.constant 9 : i32
        %mul3A_348 = arith.muli %scan3A_320, %mul3A_347 : i32
        %add3A_349 = arith.constant 2 : i32
        %add3A_350 = arith.addi %mul3A_348, %add3A_349 : i32
        %broadcast_in_dim3A_351 = vector.broadcast %add3A_350 : i32 to vector<16xi32>
        %gather3A_352 = tpu.vector_load_idx %arg10[%add3A_167, %broadcast_in_dim3A_351] : memref<32x409xf32, #tpu.memory_space<vmem>>[vector<16xi32>, vector<16xi32>], vector<16xf32>,
        %gt3A_353 = arith.cmpf ogt, %gather3A_352, %scan3A_325 : vector<16xf32>
        %select_n3A_354 = arith.select %gt3A_353, %gather3A_352, %scan3A_325 : vector<16xi1>, vector<16xf32>
        %broadcast_in_dim3A_355 = vector.broadcast %add3A_350 : i32 to vector<16xi32>
        %select_n3A_356 = arith.select %gt3A_353, %broadcast_in_dim3A_355, %scan3A_326 : vector<16xi1>, vector<16xi32>
        %mul3A_357 = arith.constant 9 : i32
        %mul3A_358 = arith.muli %scan3A_320, %mul3A_357 : i32
        %add3A_359 = arith.constant 3 : i32
        %add3A_360 = arith.addi %mul3A_358, %add3A_359 : i32
        %broadcast_in_dim3A_361 = vector.broadcast %add3A_360 : i32 to vector<16xi32>
        %gather3A_362 = tpu.vector_load_idx %arg10[%add3A_167, %broadcast_in_dim3A_361] : memref<32x409xf32, #tpu.memory_space<vmem>>[vector<16xi32>, vector<16xi32>], vector<16xf32>,
        %gt3A_363 = arith.cmpf ogt, %gather3A_362, %select_n3A_334 : vector<16xf32>
        %select_n3A_364 = arith.select %gt3A_363, %gather3A_362, %select_n3A_334 : vector<16xi1>, vector<16xf32>
        %broadcast_in_dim3A_365 = vector.broadcast %add3A_360 : i32 to vector<16xi32>
        %select_n3A_366 = arith.select %gt3A_363, %broadcast_in_dim3A_365, %select_n3A_336 : vector<16xi1>, vector<16xi32>
        %mul3A_367 = arith.constant 9 : i32
        %mul3A_368 = arith.muli %scan3A_320, %mul3A_367 : i32
        %add3A_369 = arith.constant 4 : i32
        %add3A_370 = arith.addi %mul3A_368, %add3A_369 : i32
        %broadcast_in_dim3A_371 = vector.broadcast %add3A_370 : i32 to vector<16xi32>
        %gather3A_372 = tpu.vector_load_idx %arg10[%add3A_167, %broadcast_in_dim3A_371] : memref<32x409xf32, #tpu.memory_space<vmem>>[vector<16xi32>, vector<16xi32>], vector<16xf32>,
        %gt3A_373 = arith.cmpf ogt, %gather3A_372, %select_n3A_344 : vector<16xf32>
        %select_n3A_374 = arith.select %gt3A_373, %gather3A_372, %select_n3A_344 : vector<16xi1>, vector<16xf32>
        %broadcast_in_dim3A_375 = vector.broadcast %add3A_370 : i32 to vector<16xi32>
        %select_n3A_376 = arith.select %gt3A_373, %broadcast_in_dim3A_375, %select_n3A_346 : vector<16xi1>, vector<16xi32>
        %mul3A_377 = arith.constant 9 : i32
        %mul3A_378 = arith.muli %scan3A_320, %mul3A_377 : i32
        %add3A_379 = arith.constant 5 : i32
        %add3A_380 = arith.addi %mul3A_378, %add3A_379 : i32
        %broadcast_in_dim3A_381 = vector.broadcast %add3A_380 : i32 to vector<16xi32>
        %gather3A_382 = tpu.vector_load_idx %arg10[%add3A_167, %broadcast_in_dim3A_381] : memref<32x409xf32, #tpu.memory_space<vmem>>[vector<16xi32>, vector<16xi32>], vector<16xf32>,
        %gt3A_383 = arith.cmpf ogt, %gather3A_382, %select_n3A_354 : vector<16xf32>
        %select_n3A_384 = arith.select %gt3A_383, %gather3A_382, %select_n3A_354 : vector<16xi1>, vector<16xf32>
        %broadcast_in_dim3A_385 = vector.broadcast %add3A_380 : i32 to vector<16xi32>
        %select_n3A_386 = arith.select %gt3A_383, %broadcast_in_dim3A_385, %select_n3A_356 : vector<16xi1>, vector<16xi32>
        %mul3A_387 = arith.constant 9 : i32
        %mul3A_388 = arith.muli %scan3A_320, %mul3A_387 : i32
        %add3A_389 = arith.constant 6 : i32
        %add3A_390 = arith.addi %mul3A_388, %add3A_389 : i32
        %broadcast_in_dim3A_391 = vector.broadcast %add3A_390 : i32 to vector<16xi32>
        %gather3A_392 = tpu.vector_load_idx %arg10[%add3A_167, %broadcast_in_dim3A_391] : memref<32x409xf32, #tpu.memory_space<vmem>>[vector<16xi32>, vector<16xi32>], vector<16xf32>,
        %gt3A_393 = arith.cmpf ogt, %gather3A_392, %select_n3A_364 : vector<16xf32>
        %select_n3A_394 = arith.select %gt3A_393, %gather3A_392, %select_n3A_364 : vector<16xi1>, vector<16xf32>
        %broadcast_in_dim3A_395 = vector.broadcast %add3A_390 : i32 to vector<16xi32>
        %select_n3A_396 = arith.select %gt3A_393, %broadcast_in_dim3A_395, %select_n3A_366 : vector<16xi1>, vector<16xi32>
        %mul3A_397 = arith.constant 9 : i32
        %mul3A_398 = arith.muli %scan3A_320, %mul3A_397 : i32
        %add3A_399 = arith.constant 7 : i32
        %add3A_400 = arith.addi %mul3A_398, %add3A_399 : i32
        %broadcast_in_dim3A_401 = vector.broadcast %add3A_400 : i32 to vector<16xi32>
        %gather3A_402 = tpu.vector_load_idx %arg10[%add3A_167, %broadcast_in_dim3A_401] : memref<32x409xf32, #tpu.memory_space<vmem>>[vector<16xi32>, vector<16xi32>], vector<16xf32>,
        %gt3A_403 = arith.cmpf ogt, %gather3A_402, %select_n3A_374 : vector<16xf32>
        %select_n3A_404 = arith.select %gt3A_403, %gather3A_402, %select_n3A_374 : vector<16xi1>, vector<16xf32>
        %broadcast_in_dim3A_405 = vector.broadcast %add3A_400 : i32 to vector<16xi32>
        %select_n3A_406 = arith.select %gt3A_403, %broadcast_in_dim3A_405, %select_n3A_376 : vector<16xi1>, vector<16xi32>
        %mul3A_407 = arith.constant 9 : i32
        %mul3A_408 = arith.muli %scan3A_320, %mul3A_407 : i32
        %add3A_409 = arith.constant 8 : i32
        %add3A_410 = arith.addi %mul3A_408, %add3A_409 : i32
        %broadcast_in_dim3A_411 = vector.broadcast %add3A_410 : i32 to vector<16xi32>
        %gather3A_412 = tpu.vector_load_idx %arg10[%add3A_167, %broadcast_in_dim3A_411] : memref<32x409xf32, #tpu.memory_space<vmem>>[vector<16xi32>, vector<16xi32>], vector<16xf32>,
        %gt3A_413 = arith.cmpf ogt, %gather3A_412, %select_n3A_384 : vector<16xf32>
        %select_n3A_414 = arith.select %gt3A_413, %gather3A_412, %select_n3A_384 : vector<16xi1>, vector<16xf32>
        %broadcast_in_dim3A_415 = vector.broadcast %add3A_410 : i32 to vector<16xi32>
        %select_n3A_416 = arith.select %gt3A_413, %broadcast_in_dim3A_415, %select_n3A_386 : vector<16xi1>, vector<16xi32>
        scf.yield %select_n3A_394, %select_n3A_396, %select_n3A_404, %select_n3A_406, %select_n3A_414, %select_n3A_416 : vector<16xf32>, vector<16xi32>, vector<16xf32>, vector<16xi32>, vector<16xf32>, vector<16xi32>
      }
      %scan3A_176 = arith.constant 9 : i32
      %gt3A = arith.cmpf ogt, %scan3A_175#2, %scan3A_175#0 : vector<16xf32>
      %eq3A = arith.cmpf oeq, %scan3A_175#2, %scan3A_175#0 : vector<16xf32>
      %lt3A_177 = arith.cmpi slt, %scan3A_175#3, %scan3A_175#1 : vector<16xi32>
      %and3A_178 = arith.andi %eq3A, %lt3A_177 : vector<16xi1>
      %or3A = arith.ori %gt3A, %and3A_178 : vector<16xi1>
      %select_n3A_179 = arith.select %or3A, %scan3A_175#2, %scan3A_175#0 : vector<16xi1>, vector<16xf32>
      %select_n3A_180 = arith.select %or3A, %scan3A_175#3, %scan3A_175#1 : vector<16xi1>, vector<16xi32>
      %gt3A_181 = arith.cmpf ogt, %scan3A_175#4, %select_n3A_179 : vector<16xf32>
      %eq3A_182 = arith.cmpf oeq, %scan3A_175#4, %select_n3A_179 : vector<16xf32>
      %lt3A_183 = arith.cmpi slt, %scan3A_175#5, %select_n3A_180 : vector<16xi32>
      %and3A_184 = arith.andi %eq3A_182, %lt3A_183 : vector<16xi1>
      %or3A_185 = arith.ori %gt3A_181, %and3A_184 : vector<16xi1>
      %select_n3A_186 = arith.select %or3A_185, %scan3A_175#4, %select_n3A_179 : vector<16xi1>, vector<16xf32>
      %select_n3A_187 = arith.select %or3A_185, %scan3A_175#5, %select_n3A_180 : vector<16xi1>, vector<16xi32>
      %broadcast_in_dim3A_188 = arith.constant 0.000000e+00 : f32
      %broadcast_in_dim3A_189 = vector.broadcast %broadcast_in_dim3A_188 : f32 to vector<16xf32>
      %scan3A_190 = arith.constant 0 : i32
      %scan3A_191 = arith.constant 9 : i32
      %scan3A_192 = arith.addi %scan3A_190, %scan3A_191 : i32
      %scan3A_193 = arith.constant 1 : i32
      %scan3A_194:3 = scf.for %scan3A_320 = %scan3A_190 to %scan3A_192 step %scan3A_193 iter_args(%scan3A_321 = %broadcast_in_dim3A_189, %scan3A_322 = %broadcast_in_dim3A_189, %scan3A_323 = %broadcast_in_dim3A_189) -> (vector<16xf32>, vector<16xf32>, vector<16xf32>)  : i32 {
        %mul3A_324 = arith.constant 9 : i32
        %mul3A_325 = arith.muli %scan3A_320, %mul3A_324 : i32
        %add3A_326 = arith.constant 0 : i32
        %add3A_327 = arith.addi %mul3A_325, %add3A_326 : i32
        %broadcast_in_dim3A_328 = vector.broadcast %add3A_327 : i32 to vector<16xi32>
        %gather3A_329 = tpu.vector_load_idx %arg10[%add3A_167, %broadcast_in_dim3A_328] : memref<32x409xf32, #tpu.memory_space<vmem>>[vector<16xi32>, vector<16xi32>], vector<16xf32>,
        %sub3A_330 = arith.subf %gather3A_329, %select_n3A_186 : vector<16xf32>
        %exp3A_331 = math.exp %sub3A_330 : vector<16xf32>
        %add3A_332 = arith.addf %scan3A_321, %exp3A_331 : vector<16xf32>
        %mul3A_333 = arith.constant 9 : i32
        %mul3A_334 = arith.muli %scan3A_320, %mul3A_333 : i32
        %add3A_335 = arith.constant 1 : i32
        %add3A_336 = arith.addi %mul3A_334, %add3A_335 : i32
        %broadcast_in_dim3A_337 = vector.broadcast %add3A_336 : i32 to vector<16xi32>
        %gather3A_338 = tpu.vector_load_idx %arg10[%add3A_167, %broadcast_in_dim3A_337] : memref<32x409xf32, #tpu.memory_space<vmem>>[vector<16xi32>, vector<16xi32>], vector<16xf32>,
        %sub3A_339 = arith.subf %gather3A_338, %select_n3A_186 : vector<16xf32>
        %exp3A_340 = math.exp %sub3A_339 : vector<16xf32>
        %add3A_341 = arith.addf %scan3A_322, %exp3A_340 : vector<16xf32>
        %mul3A_342 = arith.constant 9 : i32
        %mul3A_343 = arith.muli %scan3A_320, %mul3A_342 : i32
        %add3A_344 = arith.constant 2 : i32
        %add3A_345 = arith.addi %mul3A_343, %add3A_344 : i32
        %broadcast_in_dim3A_346 = vector.broadcast %add3A_345 : i32 to vector<16xi32>
        %gather3A_347 = tpu.vector_load_idx %arg10[%add3A_167, %broadcast_in_dim3A_346] : memref<32x409xf32, #tpu.memory_space<vmem>>[vector<16xi32>, vector<16xi32>], vector<16xf32>,
        %sub3A_348 = arith.subf %gather3A_347, %select_n3A_186 : vector<16xf32>
        %exp3A_349 = math.exp %sub3A_348 : vector<16xf32>
        %add3A_350 = arith.addf %scan3A_323, %exp3A_349 : vector<16xf32>
        %mul3A_351 = arith.constant 9 : i32
        %mul3A_352 = arith.muli %scan3A_320, %mul3A_351 : i32
        %add3A_353 = arith.constant 3 : i32
        %add3A_354 = arith.addi %mul3A_352, %add3A_353 : i32
        %broadcast_in_dim3A_355 = vector.broadcast %add3A_354 : i32 to vector<16xi32>
        %gather3A_356 = tpu.vector_load_idx %arg10[%add3A_167, %broadcast_in_dim3A_355] : memref<32x409xf32, #tpu.memory_space<vmem>>[vector<16xi32>, vector<16xi32>], vector<16xf32>,
        %sub3A_357 = arith.subf %gather3A_356, %select_n3A_186 : vector<16xf32>
        %exp3A_358 = math.exp %sub3A_357 : vector<16xf32>
        %add3A_359 = arith.addf %add3A_332, %exp3A_358 : vector<16xf32>
        %mul3A_360 = arith.constant 9 : i32
        %mul3A_361 = arith.muli %scan3A_320, %mul3A_360 : i32
        %add3A_362 = arith.constant 4 : i32
        %add3A_363 = arith.addi %mul3A_361, %add3A_362 : i32
        %broadcast_in_dim3A_364 = vector.broadcast %add3A_363 : i32 to vector<16xi32>
        %gather3A_365 = tpu.vector_load_idx %arg10[%add3A_167, %broadcast_in_dim3A_364] : memref<32x409xf32, #tpu.memory_space<vmem>>[vector<16xi32>, vector<16xi32>], vector<16xf32>,
        %sub3A_366 = arith.subf %gather3A_365, %select_n3A_186 : vector<16xf32>
        %exp3A_367 = math.exp %sub3A_366 : vector<16xf32>
        %add3A_368 = arith.addf %add3A_341, %exp3A_367 : vector<16xf32>
        %mul3A_369 = arith.constant 9 : i32
        %mul3A_370 = arith.muli %scan3A_320, %mul3A_369 : i32
        %add3A_371 = arith.constant 5 : i32
        %add3A_372 = arith.addi %mul3A_370, %add3A_371 : i32
        %broadcast_in_dim3A_373 = vector.broadcast %add3A_372 : i32 to vector<16xi32>
        %gather3A_374 = tpu.vector_load_idx %arg10[%add3A_167, %broadcast_in_dim3A_373] : memref<32x409xf32, #tpu.memory_space<vmem>>[vector<16xi32>, vector<16xi32>], vector<16xf32>,
        %sub3A_375 = arith.subf %gather3A_374, %select_n3A_186 : vector<16xf32>
        %exp3A_376 = math.exp %sub3A_375 : vector<16xf32>
        %add3A_377 = arith.addf %add3A_350, %exp3A_376 : vector<16xf32>
        %mul3A_378 = arith.constant 9 : i32
        %mul3A_379 = arith.muli %scan3A_320, %mul3A_378 : i32
        %add3A_380 = arith.constant 6 : i32
        %add3A_381 = arith.addi %mul3A_379, %add3A_380 : i32
        %broadcast_in_dim3A_382 = vector.broadcast %add3A_381 : i32 to vector<16xi32>
        %gather3A_383 = tpu.vector_load_idx %arg10[%add3A_167, %broadcast_in_dim3A_382] : memref<32x409xf32, #tpu.memory_space<vmem>>[vector<16xi32>, vector<16xi32>], vector<16xf32>,
        %sub3A_384 = arith.subf %gather3A_383, %select_n3A_186 : vector<16xf32>
        %exp3A_385 = math.exp %sub3A_384 : vector<16xf32>
        %add3A_386 = arith.addf %add3A_359, %exp3A_385 : vector<16xf32>
        %mul3A_387 = arith.constant 9 : i32
        %mul3A_388 = arith.muli %scan3A_320, %mul3A_387 : i32
        %add3A_389 = arith.constant 7 : i32
        %add3A_390 = arith.addi %mul3A_388, %add3A_389 : i32
        %broadcast_in_dim3A_391 = vector.broadcast %add3A_390 : i32 to vector<16xi32>
        %gather3A_392 = tpu.vector_load_idx %arg10[%add3A_167, %broadcast_in_dim3A_391] : memref<32x409xf32, #tpu.memory_space<vmem>>[vector<16xi32>, vector<16xi32>], vector<16xf32>,
        %sub3A_393 = arith.subf %gather3A_392, %select_n3A_186 : vector<16xf32>
        %exp3A_394 = math.exp %sub3A_393 : vector<16xf32>
        %add3A_395 = arith.addf %add3A_368, %exp3A_394 : vector<16xf32>
        %mul3A_396 = arith.constant 9 : i32
        %mul3A_397 = arith.muli %scan3A_320, %mul3A_396 : i32
        %add3A_398 = arith.constant 8 : i32
        %add3A_399 = arith.addi %mul3A_397, %add3A_398 : i32
        %broadcast_in_dim3A_400 = vector.broadcast %add3A_399 : i32 to vector<16xi32>
        %gather3A_401 = tpu.vector_load_idx %arg10[%add3A_167, %broadcast_in_dim3A_400] : memref<32x409xf32, #tpu.memory_space<vmem>>[vector<16xi32>, vector<16xi32>], vector<16xf32>,
        %sub3A_402 = arith.subf %gather3A_401, %select_n3A_186 : vector<16xf32>
        %exp3A_403 = math.exp %sub3A_402 : vector<16xf32>
        %add3A_404 = arith.addf %add3A_377, %exp3A_403 : vector<16xf32>
        scf.yield %add3A_386, %add3A_395, %add3A_404 : vector<16xf32>, vector<16xf32>, vector<16xf32>
      }
      %scan3A_195 = arith.constant 9 : i32
      %add3A_196 = arith.addf %scan3A_194#0, %scan3A_194#1 : vector<16xf32>
      %add3A_197 = arith.addf %add3A_196, %scan3A_194#2 : vector<16xf32>
      %add3A_198 = arith.constant 81 : i32
      %add3A_199 = vector.broadcast %add3A_198 : i32 to vector<16xi32>
      %add3A_200 = arith.addi %add3A_199, %select_n3A_187 : vector<16xi32>
      %add3A_201 = arith.constant 0 : i32
      %add3A_202 = vector.broadcast %add3A_201 : i32 to vector<16xi32>
      %add3A_203 = arith.addi %add3A_200, %add3A_202 : vector<16xi32>
      %gather3A = tpu.vector_load_idx %arg10[%add3A_167, %add3A_203] : memref<32x409xf32, #tpu.memory_space<vmem>>[vector<16xi32>, vector<16xi32>], vector<16xf32>,
      %add3A_204 = arith.constant 81 : i32
      %add3A_205 = vector.broadcast %add3A_204 : i32 to vector<16xi32>
      %add3A_206 = arith.addi %add3A_205, %select_n3A_187 : vector<16xi32>
      %add3A_207 = arith.constant 81 : i32
      %add3A_208 = vector.broadcast %add3A_207 : i32 to vector<16xi32>
      %add3A_209 = arith.addi %add3A_206, %add3A_208 : vector<16xi32>
      %gather3A_210 = tpu.vector_load_idx %arg10[%add3A_167, %add3A_209] : memref<32x409xf32, #tpu.memory_space<vmem>>[vector<16xi32>, vector<16xi32>], vector<16xf32>,
      %add3A_211 = arith.constant 81 : i32
      %add3A_212 = vector.broadcast %add3A_211 : i32 to vector<16xi32>
      %add3A_213 = arith.addi %add3A_212, %select_n3A_187 : vector<16xi32>
      %add3A_214 = arith.constant 162 : i32
      %add3A_215 = vector.broadcast %add3A_214 : i32 to vector<16xi32>
      %add3A_216 = arith.addi %add3A_213, %add3A_215 : vector<16xi32>
      %gather3A_217 = tpu.vector_load_idx %arg10[%add3A_167, %add3A_216] : memref<32x409xf32, #tpu.memory_space<vmem>>[vector<16xi32>, vector<16xi32>], vector<16xf32>,
      %add3A_218 = arith.constant 81 : i32
      %add3A_219 = vector.broadcast %add3A_218 : i32 to vector<16xi32>
      %add3A_220 = arith.addi %add3A_219, %select_n3A_187 : vector<16xi32>
      %add3A_221 = arith.constant 243 : i32
      %add3A_222 = vector.broadcast %add3A_221 : i32 to vector<16xi32>
      %add3A_223 = arith.addi %add3A_220, %add3A_222 : vector<16xi32>
      %gather3A_224 = tpu.vector_load_idx %arg10[%add3A_167, %add3A_223] : memref<32x409xf32, #tpu.memory_space<vmem>>[vector<16xi32>, vector<16xi32>], vector<16xf32>,
      %broadcast_in_dim3A_225 = arith.constant 405 : i32
      %broadcast_in_dim3A_226 = vector.broadcast %broadcast_in_dim3A_225 : i32 to vector<16xi32>
      %gather3A_227 = tpu.vector_load_idx %arg10[%add3A_167, %broadcast_in_dim3A_226] : memref<32x409xf32, #tpu.memory_space<vmem>>[vector<16xi32>, vector<16xi32>], vector<16xf32>,
      %broadcast_in_dim3A_228 = arith.constant 406 : i32
      %broadcast_in_dim3A_229 = vector.broadcast %broadcast_in_dim3A_228 : i32 to vector<16xi32>
      %gather3A_230 = tpu.vector_load_idx %arg10[%add3A_167, %broadcast_in_dim3A_229] : memref<32x409xf32, #tpu.memory_space<vmem>>[vector<16xi32>, vector<16xi32>], vector<16xf32>,
      %broadcast_in_dim3A_231 = arith.constant 407 : i32
      %broadcast_in_dim3A_232 = vector.broadcast %broadcast_in_dim3A_231 : i32 to vector<16xi32>
      %gather3A_233 = tpu.vector_load_idx %arg10[%add3A_167, %broadcast_in_dim3A_232] : memref<32x409xf32, #tpu.memory_space<vmem>>[vector<16xi32>, vector<16xi32>], vector<16xf32>,
      %broadcast_in_dim3A_234 = arith.constant 408 : i32
      %broadcast_in_dim3A_235 = vector.broadcast %broadcast_in_dim3A_234 : i32 to vector<16xi32>
      %gather3A_236 = tpu.vector_load_idx %arg10[%add3A_167, %broadcast_in_dim3A_235] : memref<32x409xf32, #tpu.memory_space<vmem>>[vector<16xi32>, vector<16xi32>], vector<16xf32>,
      %mul3A_237 = arith.constant 1.000000e-01 : f32
      %mul3A_238 = vector.broadcast %mul3A_237 : f32 to vector<16xf32>
      %mul3A_239 = arith.mulf %gather3A, %mul3A_238 : vector<16xf32>
      %mul3A_240 = arith.constant 1.000000e-01 : f32
      %mul3A_241 = vector.broadcast %mul3A_240 : f32 to vector<16xf32>
      %mul3A_242 = arith.mulf %gather3A_210, %mul3A_241 : vector<16xf32>
      %mul3A_243 = arith.constant 2.000000e-01 : f32
      %mul3A_244 = vector.broadcast %mul3A_243 : f32 to vector<16xf32>
      %mul3A_245 = arith.mulf %gather3A_217, %mul3A_244 : vector<16xf32>
      %mul3A_246 = arith.constant 2.000000e-01 : f32
      %mul3A_247 = vector.broadcast %mul3A_246 : f32 to vector<16xf32>
      %mul3A_248 = arith.mulf %gather3A_224, %mul3A_247 : vector<16xf32>
      %sub3A_249 = arith.subf %gather3A_233, %gather3A_227 : vector<16xf32>
      %sub3A_250 = arith.subf %gather3A_236, %gather3A_230 : vector<16xf32>
      %mul3A_251 = arith.constant 5.000000e-01 : f32
      %mul3A_252 = vector.broadcast %mul3A_251 : f32 to vector<16xf32>
      %mul3A_253 = arith.mulf %mul3A_252, %sub3A_249 : vector<16xf32>
      %add3A_254 = arith.addf %gather3A_227, %mul3A_253 : vector<16xf32>
      %mul3A_255 = arith.constant 5.000000e-01 : f32
      %mul3A_256 = vector.broadcast %mul3A_255 : f32 to vector<16xf32>
      %mul3A_257 = arith.mulf %mul3A_256, %sub3A_250 : vector<16xf32>
      %add3A_258 = arith.addf %gather3A_230, %mul3A_257 : vector<16xf32>
      %mul3A_259 = arith.mulf %sub3A_249, %mul3A_239 : vector<16xf32>
      %add3A_260 = arith.addf %add3A_254, %mul3A_259 : vector<16xf32>
      %mul3A_261 = arith.mulf %sub3A_250, %mul3A_242 : vector<16xf32>
      %add3A_262 = arith.addf %add3A_258, %mul3A_261 : vector<16xf32>
      %exp3A = math.exp %mul3A_245 : vector<16xf32>
      %mul3A_263 = arith.mulf %sub3A_249, %exp3A : vector<16xf32>
      %exp3A_264 = math.exp %mul3A_248 : vector<16xf32>
      %mul3A_265 = arith.mulf %sub3A_250, %exp3A_264 : vector<16xf32>
      %mul3A_266 = arith.constant 5.000000e-01 : f32
      %mul3A_267 = vector.broadcast %mul3A_266 : f32 to vector<16xf32>
      %mul3A_268 = arith.mulf %mul3A_267, %mul3A_263 : vector<16xf32>
      %sub3A_269 = arith.subf %add3A_260, %mul3A_268 : vector<16xf32>
      %mul3A_270 = arith.constant 5.000000e-01 : f32
      %mul3A_271 = vector.broadcast %mul3A_270 : f32 to vector<16xf32>
      %mul3A_272 = arith.mulf %mul3A_271, %mul3A_265 : vector<16xf32>
      %sub3A_273 = arith.subf %add3A_262, %mul3A_272 : vector<16xf32>
      %mul3A_274 = arith.constant 5.000000e-01 : f32
      %mul3A_275 = vector.broadcast %mul3A_274 : f32 to vector<16xf32>
      %mul3A_276 = arith.mulf %mul3A_275, %mul3A_263 : vector<16xf32>
      %add3A_277 = arith.addf %add3A_260, %mul3A_276 : vector<16xf32>
      %mul3A_278 = arith.constant 5.000000e-01 : f32
      %mul3A_279 = vector.broadcast %mul3A_278 : f32 to vector<16xf32>
      %mul3A_280 = arith.mulf %mul3A_279, %mul3A_265 : vector<16xf32>
      %add3A_281 = arith.addf %add3A_262, %mul3A_280 : vector<16xf32>
      %mul3A_282 = arith.constant 16 : i32
      %mul3A_283 = arith.muli %sub3A_14, %mul3A_282 : i32
      %swap3A = arith.constant 4 : i32
      %swap3A_284 = arith.index_cast %swap3A : i32 to index
      %swap3A_285 = arith.index_cast %mul3A_283 : i32 to index
      %swap3A_286 = tpu.vector_load %arg13[%swap3A_284, %swap3A_285] {strides = array<i32>} : memref<8x128xf32, #tpu.memory_space<vmem>>, vector<16xf32>,
      tpu.vector_store %arg13[%swap3A_284, %swap3A_285], %sub3A_269 {strides = array<i32>} : memref<8x128xf32, #tpu.memory_space<vmem>>, vector<16xf32>,
      %mul3A_287 = arith.constant 16 : i32
      %mul3A_288 = arith.muli %sub3A_14, %mul3A_287 : i32
      %swap3A_289 = arith.constant 4 : i32
      %swap3A_290 = arith.index_cast %swap3A_289 : i32 to index
      %swap3A_291 = arith.index_cast %mul3A_288 : i32 to index
      %swap3A_292 = tpu.vector_load %arg14[%swap3A_290, %swap3A_291] {strides = array<i32>} : memref<8x128xf32, #tpu.memory_space<vmem>>, vector<16xf32>,
      tpu.vector_store %arg14[%swap3A_290, %swap3A_291], %sub3A_273 {strides = array<i32>} : memref<8x128xf32, #tpu.memory_space<vmem>>, vector<16xf32>,
      %mul3A_293 = arith.constant 16 : i32
      %mul3A_294 = arith.muli %sub3A_14, %mul3A_293 : i32
      %swap3A_295 = arith.constant 4 : i32
      %swap3A_296 = arith.index_cast %swap3A_295 : i32 to index
      %swap3A_297 = arith.index_cast %mul3A_294 : i32 to index
      %swap3A_298 = tpu.vector_load %arg15[%swap3A_296, %swap3A_297] {strides = array<i32>} : memref<8x128xf32, #tpu.memory_space<vmem>>, vector<16xf32>,
      tpu.vector_store %arg15[%swap3A_296, %swap3A_297], %add3A_277 {strides = array<i32>} : memref<8x128xf32, #tpu.memory_space<vmem>>, vector<16xf32>,
      %mul3A_299 = arith.constant 16 : i32
      %mul3A_300 = arith.muli %sub3A_14, %mul3A_299 : i32
      %swap3A_301 = arith.constant 4 : i32
      %swap3A_302 = arith.index_cast %swap3A_301 : i32 to index
      %swap3A_303 = arith.index_cast %mul3A_300 : i32 to index
      %swap3A_304 = tpu.vector_load %arg16[%swap3A_302, %swap3A_303] {strides = array<i32>} : memref<8x128xf32, #tpu.memory_space<vmem>>, vector<16xf32>,
      tpu.vector_store %arg16[%swap3A_302, %swap3A_303], %add3A_281 {strides = array<i32>} : memref<8x128xf32, #tpu.memory_space<vmem>>, vector<16xf32>,
      %div3A = arith.constant 1.000000e+00 : f32
      %div3A_305 = vector.broadcast %div3A : f32 to vector<16xf32>
      %div3A_306 = arith.divf %div3A_305, %add3A_197 : vector<16xf32>
      %mul3A_307 = arith.constant 16 : i32
      %mul3A_308 = arith.muli %sub3A_14, %mul3A_307 : i32
      %swap3A_309 = arith.constant 4 : i32
      %swap3A_310 = arith.index_cast %swap3A_309 : i32 to index
      %swap3A_311 = arith.index_cast %mul3A_308 : i32 to index
      %swap3A_312 = tpu.vector_load %arg17[%swap3A_310, %swap3A_311] {strides = array<i32>} : memref<8x128xf32, #tpu.memory_space<vmem>>, vector<16xf32>,
      tpu.vector_store %arg17[%swap3A_310, %swap3A_311], %div3A_306 {strides = array<i32>} : memref<8x128xf32, #tpu.memory_space<vmem>>, vector<16xf32>,
      %convert_element_type3A_313 = arith.sitofp %select_n3A_187 : vector<16xi32> to vector<16xf32>
      %mul3A_314 = arith.constant 16 : i32
      %mul3A_315 = arith.muli %sub3A_14, %mul3A_314 : i32
      %swap3A_316 = arith.constant 4 : i32
      %swap3A_317 = arith.index_cast %swap3A_316 : i32 to index
      %swap3A_318 = arith.index_cast %mul3A_315 : i32 to index
      %swap3A_319 = tpu.vector_load %arg18[%swap3A_317, %swap3A_318] {strides = array<i32>} : memref<8x128xf32, #tpu.memory_space<vmem>>, vector<16xf32>,
      tpu.vector_store %arg18[%swap3A_317, %swap3A_318], %convert_element_type3A_313 {strides = array<i32>} : memref<8x128xf32, #tpu.memory_space<vmem>>, vector<16xf32>,
    } else {
    }
    %dma_start3A_57 = arith.constant 0 : i32
    %dma_start3A_58 = arith.constant 0 : i32
    %dma_start3A_59 = arith.constant 0 : i32
    %dma_start3A_60 = tpu.memref_slice %arg6[%dma_start3A_57, %add3A, %dma_start3A_58, %dma_start3A_59] : memref<6x32x8x128xf32, #tpu.memory_space<hbm>> -> memref<1x1x8x128xf32, #tpu.memory_space<hbm>>
    %dma_start3A_61 = tpu.memref_squeeze %dma_start3A_60 : memref<1x1x8x128xf32, #tpu.memory_space<hbm>> -> memref<8x128xf32, #tpu.memory_space<hbm>>
    %dma_start3A_62 = arith.constant 0 : i32
    %dma_start3A_63 = arith.constant 0 : i32
    %dma_start3A_64 = tpu.memref_slice %arg6[%dma_start3A_57, %add3A, %dma_start3A_62, %dma_start3A_63] : memref<6x32x8x128xf32, #tpu.memory_space<hbm>> -> memref<1x1x8x128xf32, #tpu.memory_space<hbm>>
    %dma_start3A_65 = tpu.memref_squeeze %dma_start3A_64 : memref<1x1x8x128xf32, #tpu.memory_space<hbm>> -> memref<8x128xf32, #tpu.memory_space<hbm>>
    tpu.enqueue_dma source(%arg13 : memref<8x128xf32, #tpu.memory_space<vmem>>) target(%dma_start3A_65 : memref<8x128xf32, #tpu.memory_space<hbm>>) target_semaphore(%arg21 : memref<!tpu.dma_semaphore, #tpu.memory_space<semaphore_mem>>)
    %dma_start3A_66 = arith.constant 1 : i32
    %dma_start3A_67 = arith.constant 0 : i32
    %dma_start3A_68 = arith.constant 0 : i32
    %dma_start3A_69 = tpu.memref_slice %arg6[%dma_start3A_66, %add3A, %dma_start3A_67, %dma_start3A_68] : memref<6x32x8x128xf32, #tpu.memory_space<hbm>> -> memref<1x1x8x128xf32, #tpu.memory_space<hbm>>
    %dma_start3A_70 = tpu.memref_squeeze %dma_start3A_69 : memref<1x1x8x128xf32, #tpu.memory_space<hbm>> -> memref<8x128xf32, #tpu.memory_space<hbm>>
    %dma_start3A_71 = arith.constant 0 : i32
    %dma_start3A_72 = arith.constant 0 : i32
    %dma_start3A_73 = tpu.memref_slice %arg6[%dma_start3A_66, %add3A, %dma_start3A_71, %dma_start3A_72] : memref<6x32x8x128xf32, #tpu.memory_space<hbm>> -> memref<1x1x8x128xf32, #tpu.memory_space<hbm>>
    %dma_start3A_74 = tpu.memref_squeeze %dma_start3A_73 : memref<1x1x8x128xf32, #tpu.memory_space<hbm>> -> memref<8x128xf32, #tpu.memory_space<hbm>>
    tpu.enqueue_dma source(%arg14 : memref<8x128xf32, #tpu.memory_space<vmem>>) target(%dma_start3A_74 : memref<8x128xf32, #tpu.memory_space<hbm>>) target_semaphore(%arg21 : memref<!tpu.dma_semaphore, #tpu.memory_space<semaphore_mem>>)
    %dma_start3A_75 = arith.constant 2 : i32
    %dma_start3A_76 = arith.constant 0 : i32
    %dma_start3A_77 = arith.constant 0 : i32
    %dma_start3A_78 = tpu.memref_slice %arg6[%dma_start3A_75, %add3A, %dma_start3A_76, %dma_start3A_77] : memref<6x32x8x128xf32, #tpu.memory_space<hbm>> -> memref<1x1x8x128xf32, #tpu.memory_space<hbm>>
    %dma_start3A_79 = tpu.memref_squeeze %dma_start3A_78 : memref<1x1x8x128xf32, #tpu.memory_space<hbm>> -> memref<8x128xf32, #tpu.memory_space<hbm>>
    %dma_start3A_80 = arith.constant 0 : i32
    %dma_start3A_81 = arith.constant 0 : i32
    %dma_start3A_82 = tpu.memref_slice %arg6[%dma_start3A_75, %add3A, %dma_start3A_80, %dma_start3A_81] : memref<6x32x8x128xf32, #tpu.memory_space<hbm>> -> memref<1x1x8x128xf32, #tpu.memory_space<hbm>>
    %dma_start3A_83 = tpu.memref_squeeze %dma_start3A_82 : memref<1x1x8x128xf32, #tpu.memory_space<hbm>> -> memref<8x128xf32, #tpu.memory_space<hbm>>
    tpu.enqueue_dma source(%arg15 : memref<8x128xf32, #tpu.memory_space<vmem>>) target(%dma_start3A_83 : memref<8x128xf32, #tpu.memory_space<hbm>>) target_semaphore(%arg21 : memref<!tpu.dma_semaphore, #tpu.memory_space<semaphore_mem>>)
    %dma_start3A_84 = arith.constant 3 : i32
    %dma_start3A_85 = arith.constant 0 : i32
    %dma_start3A_86 = arith.constant 0 : i32
    %dma_start3A_87 = tpu.memref_slice %arg6[%dma_start3A_84, %add3A, %dma_start3A_85, %dma_start3A_86] : memref<6x32x8x128xf32, #tpu.memory_space<hbm>> -> memref<1x1x8x128xf32, #tpu.memory_space<hbm>>
    %dma_start3A_88 = tpu.memref_squeeze %dma_start3A_87 : memref<1x1x8x128xf32, #tpu.memory_space<hbm>> -> memref<8x128xf32, #tpu.memory_space<hbm>>
    %dma_start3A_89 = arith.constant 0 : i32
    %dma_start3A_90 = arith.constant 0 : i32
    %dma_start3A_91 = tpu.memref_slice %arg6[%dma_start3A_84, %add3A, %dma_start3A_89, %dma_start3A_90] : memref<6x32x8x128xf32, #tpu.memory_space<hbm>> -> memref<1x1x8x128xf32, #tpu.memory_space<hbm>>
    %dma_start3A_92 = tpu.memref_squeeze %dma_start3A_91 : memref<1x1x8x128xf32, #tpu.memory_space<hbm>> -> memref<8x128xf32, #tpu.memory_space<hbm>>
    tpu.enqueue_dma source(%arg16 : memref<8x128xf32, #tpu.memory_space<vmem>>) target(%dma_start3A_92 : memref<8x128xf32, #tpu.memory_space<hbm>>) target_semaphore(%arg21 : memref<!tpu.dma_semaphore, #tpu.memory_space<semaphore_mem>>)
    %dma_start3A_93 = arith.constant 4 : i32
    %dma_start3A_94 = arith.constant 0 : i32
    %dma_start3A_95 = arith.constant 0 : i32
    %dma_start3A_96 = tpu.memref_slice %arg6[%dma_start3A_93, %add3A, %dma_start3A_94, %dma_start3A_95] : memref<6x32x8x128xf32, #tpu.memory_space<hbm>> -> memref<1x1x8x128xf32, #tpu.memory_space<hbm>>
    %dma_start3A_97 = tpu.memref_squeeze %dma_start3A_96 : memref<1x1x8x128xf32, #tpu.memory_space<hbm>> -> memref<8x128xf32, #tpu.memory_space<hbm>>
    %dma_start3A_98 = arith.constant 0 : i32
    %dma_start3A_99 = arith.constant 0 : i32
    %dma_start3A_100 = tpu.memref_slice %arg6[%dma_start3A_93, %add3A, %dma_start3A_98, %dma_start3A_99] : memref<6x32x8x128xf32, #tpu.memory_space<hbm>> -> memref<1x1x8x128xf32, #tpu.memory_space<hbm>>
    %dma_start3A_101 = tpu.memref_squeeze %dma_start3A_100 : memref<1x1x8x128xf32, #tpu.memory_space<hbm>> -> memref<8x128xf32, #tpu.memory_space<hbm>>
    tpu.enqueue_dma source(%arg17 : memref<8x128xf32, #tpu.memory_space<vmem>>) target(%dma_start3A_101 : memref<8x128xf32, #tpu.memory_space<hbm>>) target_semaphore(%arg21 : memref<!tpu.dma_semaphore, #tpu.memory_space<semaphore_mem>>)
    %dma_start3A_102 = arith.constant 5 : i32
    %dma_start3A_103 = arith.constant 0 : i32
    %dma_start3A_104 = arith.constant 0 : i32
    %dma_start3A_105 = tpu.memref_slice %arg6[%dma_start3A_102, %add3A, %dma_start3A_103, %dma_start3A_104] : memref<6x32x8x128xf32, #tpu.memory_space<hbm>> -> memref<1x1x8x128xf32, #tpu.memory_space<hbm>>
    %dma_start3A_106 = tpu.memref_squeeze %dma_start3A_105 : memref<1x1x8x128xf32, #tpu.memory_space<hbm>> -> memref<8x128xf32, #tpu.memory_space<hbm>>
    %dma_start3A_107 = arith.constant 0 : i32
    %dma_start3A_108 = arith.constant 0 : i32
    %dma_start3A_109 = tpu.memref_slice %arg6[%dma_start3A_102, %add3A, %dma_start3A_107, %dma_start3A_108] : memref<6x32x8x128xf32, #tpu.memory_space<hbm>> -> memref<1x1x8x128xf32, #tpu.memory_space<hbm>>
    %dma_start3A_110 = tpu.memref_squeeze %dma_start3A_109 : memref<1x1x8x128xf32, #tpu.memory_space<hbm>> -> memref<8x128xf32, #tpu.memory_space<hbm>>
    tpu.enqueue_dma source(%arg18 : memref<8x128xf32, #tpu.memory_space<vmem>>) target(%dma_start3A_110 : memref<8x128xf32, #tpu.memory_space<hbm>>) target_semaphore(%arg21 : memref<!tpu.dma_semaphore, #tpu.memory_space<semaphore_mem>>)
    %dma_wait3A = arith.constant 0 : i32
    %dma_wait3A_111 = arith.constant 0 : i32
    %dma_wait3A_112 = arith.constant 0 : i32
    %dma_wait3A_113 = tpu.memref_slice %arg6[%dma_wait3A, %add3A, %dma_wait3A_111, %dma_wait3A_112] : memref<6x32x8x128xf32, #tpu.memory_space<hbm>> -> memref<1x1x8x128xf32, #tpu.memory_space<hbm>>
    %dma_wait3A_114 = tpu.memref_squeeze %dma_wait3A_113 : memref<1x1x8x128xf32, #tpu.memory_space<hbm>> -> memref<8x128xf32, #tpu.memory_space<hbm>>
    %dma_wait3A_115 = arith.constant 0 : i32
    %dma_wait3A_116 = arith.constant 0 : i32
    %dma_wait3A_117 = tpu.memref_slice %arg6[%dma_wait3A, %add3A, %dma_wait3A_115, %dma_wait3A_116] : memref<6x32x8x128xf32, #tpu.memory_space<hbm>> -> memref<1x1x8x128xf32, #tpu.memory_space<hbm>>
    %dma_wait3A_118 = tpu.memref_squeeze %dma_wait3A_117 : memref<1x1x8x128xf32, #tpu.memory_space<hbm>> -> memref<8x128xf32, #tpu.memory_space<hbm>>
    tpu.wait_dma2 semaphore(%arg21 : memref<!tpu.dma_semaphore, #tpu.memory_space<semaphore_mem>>) src(%arg13 : memref<8x128xf32, #tpu.memory_space<vmem>>) dst(%dma_wait3A_118 : memref<8x128xf32, #tpu.memory_space<hbm>>)
    %dma_wait3A_119 = arith.constant 1 : i32
    %dma_wait3A_120 = arith.constant 0 : i32
    %dma_wait3A_121 = arith.constant 0 : i32
    %dma_wait3A_122 = tpu.memref_slice %arg6[%dma_wait3A_119, %add3A, %dma_wait3A_120, %dma_wait3A_121] : memref<6x32x8x128xf32, #tpu.memory_space<hbm>> -> memref<1x1x8x128xf32, #tpu.memory_space<hbm>>
    %dma_wait3A_123 = tpu.memref_squeeze %dma_wait3A_122 : memref<1x1x8x128xf32, #tpu.memory_space<hbm>> -> memref<8x128xf32, #tpu.memory_space<hbm>>
    %dma_wait3A_124 = arith.constant 0 : i32
    %dma_wait3A_125 = arith.constant 0 : i32
    %dma_wait3A_126 = tpu.memref_slice %arg6[%dma_wait3A_119, %add3A, %dma_wait3A_124, %dma_wait3A_125] : memref<6x32x8x128xf32, #tpu.memory_space<hbm>> -> memref<1x1x8x128xf32, #tpu.memory_space<hbm>>
    %dma_wait3A_127 = tpu.memref_squeeze %dma_wait3A_126 : memref<1x1x8x128xf32, #tpu.memory_space<hbm>> -> memref<8x128xf32, #tpu.memory_space<hbm>>
    tpu.wait_dma2 semaphore(%arg21 : memref<!tpu.dma_semaphore, #tpu.memory_space<semaphore_mem>>) src(%arg14 : memref<8x128xf32, #tpu.memory_space<vmem>>) dst(%dma_wait3A_127 : memref<8x128xf32, #tpu.memory_space<hbm>>)
    %dma_wait3A_128 = arith.constant 2 : i32
    %dma_wait3A_129 = arith.constant 0 : i32
    %dma_wait3A_130 = arith.constant 0 : i32
    %dma_wait3A_131 = tpu.memref_slice %arg6[%dma_wait3A_128, %add3A, %dma_wait3A_129, %dma_wait3A_130] : memref<6x32x8x128xf32, #tpu.memory_space<hbm>> -> memref<1x1x8x128xf32, #tpu.memory_space<hbm>>
    %dma_wait3A_132 = tpu.memref_squeeze %dma_wait3A_131 : memref<1x1x8x128xf32, #tpu.memory_space<hbm>> -> memref<8x128xf32, #tpu.memory_space<hbm>>
    %dma_wait3A_133 = arith.constant 0 : i32
    %dma_wait3A_134 = arith.constant 0 : i32
    %dma_wait3A_135 = tpu.memref_slice %arg6[%dma_wait3A_128, %add3A, %dma_wait3A_133, %dma_wait3A_134] : memref<6x32x8x128xf32, #tpu.memory_space<hbm>> -> memref<1x1x8x128xf32, #tpu.memory_space<hbm>>
    %dma_wait3A_136 = tpu.memref_squeeze %dma_wait3A_135 : memref<1x1x8x128xf32, #tpu.memory_space<hbm>> -> memref<8x128xf32, #tpu.memory_space<hbm>>
    tpu.wait_dma2 semaphore(%arg21 : memref<!tpu.dma_semaphore, #tpu.memory_space<semaphore_mem>>) src(%arg15 : memref<8x128xf32, #tpu.memory_space<vmem>>) dst(%dma_wait3A_136 : memref<8x128xf32, #tpu.memory_space<hbm>>)
    %dma_wait3A_137 = arith.constant 3 : i32
    %dma_wait3A_138 = arith.constant 0 : i32
    %dma_wait3A_139 = arith.constant 0 : i32
    %dma_wait3A_140 = tpu.memref_slice %arg6[%dma_wait3A_137, %add3A, %dma_wait3A_138, %dma_wait3A_139] : memref<6x32x8x128xf32, #tpu.memory_space<hbm>> -> memref<1x1x8x128xf32, #tpu.memory_space<hbm>>
    %dma_wait3A_141 = tpu.memref_squeeze %dma_wait3A_140 : memref<1x1x8x128xf32, #tpu.memory_space<hbm>> -> memref<8x128xf32, #tpu.memory_space<hbm>>
    %dma_wait3A_142 = arith.constant 0 : i32
    %dma_wait3A_143 = arith.constant 0 : i32
    %dma_wait3A_144 = tpu.memref_slice %arg6[%dma_wait3A_137, %add3A, %dma_wait3A_142, %dma_wait3A_143] : memref<6x32x8x128xf32, #tpu.memory_space<hbm>> -> memref<1x1x8x128xf32, #tpu.memory_space<hbm>>
    %dma_wait3A_145 = tpu.memref_squeeze %dma_wait3A_144 : memref<1x1x8x128xf32, #tpu.memory_space<hbm>> -> memref<8x128xf32, #tpu.memory_space<hbm>>
    tpu.wait_dma2 semaphore(%arg21 : memref<!tpu.dma_semaphore, #tpu.memory_space<semaphore_mem>>) src(%arg16 : memref<8x128xf32, #tpu.memory_space<vmem>>) dst(%dma_wait3A_145 : memref<8x128xf32, #tpu.memory_space<hbm>>)
    %dma_wait3A_146 = arith.constant 4 : i32
    %dma_wait3A_147 = arith.constant 0 : i32
    %dma_wait3A_148 = arith.constant 0 : i32
    %dma_wait3A_149 = tpu.memref_slice %arg6[%dma_wait3A_146, %add3A, %dma_wait3A_147, %dma_wait3A_148] : memref<6x32x8x128xf32, #tpu.memory_space<hbm>> -> memref<1x1x8x128xf32, #tpu.memory_space<hbm>>
    %dma_wait3A_150 = tpu.memref_squeeze %dma_wait3A_149 : memref<1x1x8x128xf32, #tpu.memory_space<hbm>> -> memref<8x128xf32, #tpu.memory_space<hbm>>
    %dma_wait3A_151 = arith.constant 0 : i32
    %dma_wait3A_152 = arith.constant 0 : i32
    %dma_wait3A_153 = tpu.memref_slice %arg6[%dma_wait3A_146, %add3A, %dma_wait3A_151, %dma_wait3A_152] : memref<6x32x8x128xf32, #tpu.memory_space<hbm>> -> memref<1x1x8x128xf32, #tpu.memory_space<hbm>>
    %dma_wait3A_154 = tpu.memref_squeeze %dma_wait3A_153 : memref<1x1x8x128xf32, #tpu.memory_space<hbm>> -> memref<8x128xf32, #tpu.memory_space<hbm>>
    tpu.wait_dma2 semaphore(%arg21 : memref<!tpu.dma_semaphore, #tpu.memory_space<semaphore_mem>>) src(%arg17 : memref<8x128xf32, #tpu.memory_space<vmem>>) dst(%dma_wait3A_154 : memref<8x128xf32, #tpu.memory_space<hbm>>)
    %dma_wait3A_155 = arith.constant 5 : i32
    %dma_wait3A_156 = arith.constant 0 : i32
    %dma_wait3A_157 = arith.constant 0 : i32
    %dma_wait3A_158 = tpu.memref_slice %arg6[%dma_wait3A_155, %add3A, %dma_wait3A_156, %dma_wait3A_157] : memref<6x32x8x128xf32, #tpu.memory_space<hbm>> -> memref<1x1x8x128xf32, #tpu.memory_space<hbm>>
    %dma_wait3A_159 = tpu.memref_squeeze %dma_wait3A_158 : memref<1x1x8x128xf32, #tpu.memory_space<hbm>> -> memref<8x128xf32, #tpu.memory_space<hbm>>
    %dma_wait3A_160 = arith.constant 0 : i32
    %dma_wait3A_161 = arith.constant 0 : i32
    %dma_wait3A_162 = tpu.memref_slice %arg6[%dma_wait3A_155, %add3A, %dma_wait3A_160, %dma_wait3A_161] : memref<6x32x8x128xf32, #tpu.memory_space<hbm>> -> memref<1x1x8x128xf32, #tpu.memory_space<hbm>>
    %dma_wait3A_163 = tpu.memref_squeeze %dma_wait3A_162 : memref<1x1x8x128xf32, #tpu.memory_space<hbm>> -> memref<8x128xf32, #tpu.memory_space<hbm>>
    tpu.wait_dma2 semaphore(%arg21 : memref<!tpu.dma_semaphore, #tpu.memory_space<semaphore_mem>>) src(%arg18 : memref<8x128xf32, #tpu.memory_space<vmem>>) dst(%dma_wait3A_163 : memref<8x128xf32, #tpu.memory_space<hbm>>)
    return
  }
}

</mosaic_0001>

<sc_bundles>
// kernel: kernel.3.cloned.1.call-start
scs
__scs_entry_jumppad:
0x0: {  	(pc) =	sbr.rel $0x88, $3  }
0x1: {  	(tag) =	ssettag $0x0;
	lr =	simm.s32 $0x1  }
0x2: {  	[smem:$0x3F9E] =	sst lr;
	_ =	strace $0xD0000000  }
0x3: {  	_ = 	snop  }
0x4: {  	_ = 	snop  }
0x5: {  	_ = 	snop  }
0x6: {  	_ = 	snop  }
0x7: {  	_ = 	snop  }
__scs_overlays_trampoline_lowered:
0x8: {  	[smem:$0x3FAD] =	sst s0  }
0x9: {  	[smem:$0x3FAE] =	sst s1  }
0xa: {  	[smem:$0x3FAF] =	sst s2  }
0xb: {  	[smem:$0x3FB0] =	sst s3  }
0xc: {  	[smem:$0x3FB1] =	sst s4  }
0xd: {  	[smem:$0x3FB2] =	sst s5  }
0xe: {  	[smem:$0x3FB3] =	sst s6  }
0xf: {  	[smem:$0x3FB4] =	sst s7  }
0x10: {  	[smem:$0x3FB5] =	sst s8  }
0x11: {  	[smem:$0x3FB6] =	sst s9;
	s0 =	simm.s32 @!p0 $0x0  }
0x12: {  	s1 =	sld [smem:$0x3F9C];
	s0 =	simm.s32 @p0 $0x1  }
0x13: {  	[smem:$0x3FB7] =	sst s0;
	s0 =	simm.s32 @!p1 $0x0  }
0x14: {  	s2 =	sld [smem:$0x3F9B];
	s0 =	simm.s32 @p1 $0x1  }
0x15: {  	[smem:$0x3FB8] =	sst s0;
	s0 =	simm.s32 @!p2 $0x0  }
0x16: {  	s3 =	sld [smem:$0x3FDB];
	s0 =	simm.s32 @p2 $0x1  }
0x17: {  	s4 =	simm.s32 $0x1BF5;
	[smem:$0x3FBA] =	sst s0  }
0x18: {  	s0 =	sld [smem:$0x3F9D];
	_ =	swait.ge [sflag:s4], $0x0  }
0x19: {  	s7 =	sld [smem:$0x3F9E]  }
0x1a: {  	s8 =	sadd.s32 $0xFFFFE003, lr  }
0x1b: {  	s9 =	sadd.s32 $0xFFFFFEF7, lr;
	s5 =	simm.s32 $0xFFFFFFFF;
	p2 =	slt.u32 s8, $0xFFFFF086  }
0x1c: {  	p1 =	slt.u32 s9, $0xF7A;
	s5 =	simm.s32 @!p2 $0x0  }
0x1d: {  	s5 =	simm.s32 @p1 $0x1;
	p0 =	seq.s32 s7, s2  }
0x1e: {  	s7 =	smul.u32 @!p0 $0xF7A, s2;
	p2 =	seq.s32 @!p0 s5, $0x0  }
0x1f: {  	s9 =	smul.u32 $0xF7A, s1;
	s8 =	simm.s32 @!p0 $0x1BF5;
	p2 =	por !p2, p0  }
0x20: {  	[sflag:s8] =	ssyncset.s32 @!p0 $0xFFFFF086;
	s6 =	sadd.s32 @!p0 s3, s7;
	s7 =	simm.s32 @!p0 $0x108  }
0x21: {  	s3 =	sadd.s32 s3, s9;
	s6 =	sadd.s32 @!p0 $0x88, s6;
	s7 =	simm.s32 @p2 $0x1082  }
0x22: {  	[simem:s7], [sflag:s8] =	dma.local @!p0 [hbm:s6], $0xF7A  }
0x23: {  	s9 =	sor.u32 $0xD0000000, s2;
	s6 =	simm.s32 $0x108;
	_ =	swait.ge @!p0 [sflag:s8], $0x0  }
0x24: {  	s3 =	sadd.s32 $0x88, s3;
	s6 =	simm.s32 @!p1 $0x1082;
	[sflag:s4] =	ssyncset.s32 $0xFFFFF086  }
0x25: {  	[simem:s6], [sflag:s4] =	dma.local [hbm:s3], $0xF7A  }
0x26: {  	[smem:$0x3F9E] =	sst s1;
	(tag) =	ssettag s2;
	_ =	strace s9  }
0x27: {  	s1 =	sld [smem:$0x3FAE]  }
0x28: {  	s2 =	sld [smem:$0x3FAF]  }
0x29: {  	s4 =	sld [smem:$0x3FB1]  }
0x2a: {  	p0 =	seq.s32 s5, $0x0;
	s5 =	sld [smem:$0x3FB2]  }
0x2b: {  	s6 =	sld [smem:$0x3FB3]  }
0x2c: {  	s7 =	sld [smem:$0x3FB4]  }
0x2d: {  	s3 =	simm.s32 $0x108;
	s8 =	sld [smem:$0x3FB5]  }
0x2e: {  	s3 =	simm.s32 @!p0 $0x1082;
	s9 =	sld [smem:$0x3FB6]  }
0x2f: {  	lr =	sadd.s32 s0, s3;
	s0 =	sld [smem:$0x3FAD]  }
0x30: {  	s3 =	sld [smem:$0x3FB0]  }
0x31: {  	[smem:$0x3FB9] =	sst s10  }
0x32: {  	s10 =	sld [smem:$0x3FB7];
	_ =	sdelay $0x3  }
0x33: {  	p0 =	seq.s32 s10, $0x1;
	s10 =	sld [smem:$0x3FB9];
	_ =	sdelay $0x3  }
0x34: {  	[smem:$0x3FB9] =	sst s10  }
0x35: {  	s10 =	sld [smem:$0x3FB8];
	_ =	sdelay $0x3  }
0x36: {  	p1 =	seq.s32 s10, $0x1;
	s10 =	sld [smem:$0x3FB9];
	_ =	sdelay $0x3  }
0x37: {  	[smem:$0x3FB9] =	sst s10  }
0x38: {  	s10 =	sld [smem:$0x3FBA]  }
0x39: {  	_ = 	snop;
	(pc) =	sbr.ind lr, $3  }
0x3a: {  	_ = 	snop  }
0x3b: {  	_ = 	snop  }
0x3c: {  	p2 =	seq.s32 s10, $0x1;
	s10 =	sld [smem:$0x3FB9]  }
0x3d: {  	_ =	shalt  }
0x3e: {  	_ =	shalt  }
0x3f: {  	_ =	shalt  }
0x40: {  	_ =	shalt  }
0x41: {  	_ =	shalt  }
0x42: {  	_ =	shalt  }
0x43: {  	_ =	shalt  }
0x44: {  	_ =	shalt  }
0x45: {  	_ =	shalt  }
0x46: {  	_ =	shalt  }
0x47: {  	_ =	shalt  }
0x48: {  	_ =	shalt  }
0x49: {  	_ =	shalt  }
0x4a: {  	_ =	shalt  }
0x4b: {  	_ =	shalt  }
0x4c: {  	_ =	shalt  }
0x4d: {  	_ =	shalt  }
0x4e: {  	_ =	shalt  }
0x4f: {  	_ =	shalt  }
0x50: {  	_ =	shalt  }
0x51: {  	_ =	shalt  }
0x52: {  	_ =	shalt  }
0x53: {  	_ =	shalt  }
0x54: {  	_ =	shalt  }
0x55: {  	_ =	shalt  }
0x56: {  	_ =	shalt  }
0x57: {  	_ =	shalt  }
0x58: {  	_ =	shalt  }
0x59: {  	_ =	shalt  }
0x5a: {  	_ =	shalt  }
0x5b: {  	_ =	shalt  }
0x5c: {  	_ =	shalt  }
0x5d: {  	_ =	shalt  }
0x5e: {  	_ =	shalt  }
0x5f: {  	_ =	shalt  }
0x60: {  	_ =	shalt  }
0x61: {  	_ =	shalt  }
0x62: {  	_ =	shalt  }
0x63: {  	_ =	shalt  }
0x64: {  	_ =	shalt  }
0x65: {  	_ =	shalt  }
0x66: {  	_ =	shalt  }
0x67: {  	_ =	shalt  }
0x68: {  	_ =	shalt  }
0x69: {  	_ =	shalt  }
0x6a: {  	_ =	shalt  }
0x6b: {  	_ =	shalt  }
0x6c: {  	_ =	shalt  }
0x6d: {  	_ =	shalt  }
0x6e: {  	_ =	shalt  }
0x6f: {  	_ =	shalt  }
0x70: {  	_ =	shalt  }
0x71: {  	_ =	shalt  }
0x72: {  	_ =	shalt  }
0x73: {  	_ =	shalt  }
0x74: {  	_ =	shalt  }
0x75: {  	_ =	shalt  }
0x76: {  	_ =	shalt  }
0x77: {  	_ =	shalt  }
0x78: {  	_ =	shalt  }
0x79: {  	_ =	shalt  }
0x7a: {  	_ =	shalt  }
0x7b: {  	_ =	shalt  }
0x7c: {  	_ =	shalt  }
0x7d: {  	_ =	shalt  }
0x7e: {  	_ =	shalt  }
0x7f: {  	_ =	shalt  }
0x80: {  	_ =	shalt  }
0x81: {  	_ =	shalt  }
0x82: {  	_ =	shalt  }
0x83: {  	_ =	shalt  }
0x84: {  	_ =	shalt  }
0x85: {  	_ =	shalt  }
0x86: {  	_ =	shalt  }
0x87: {  	_ =	shalt  }
.Lfunc_end0:
.L_simem_size_0:
called_computation_lowered:
.L_overlay_start_0:
0x88: {  	s2 =	sld [smem:$0x3FD9]  }
0x89: {  	s3 =	sld [smem:$0x3FFE];
	_ =	sdelay $0x1  }
0x8a: {  	s1 =	srdreg.scid  }
0x8b: {  	s0 =	sand.u32 $0x1, s1  }
0x8c: {  	s14 =	sshll.u32 s0, $0xA;
	s2 =	sadd.s32 s3, s2  }
0x8d: {  	s2 =	sadd.s32 s2, s14  }
0x8e: {  	[smem:$0x3FC5] =	sst s2  }
0x8f: {  	_ = 	snop  }
0x90: {  	s2 =	sld [smem:$0x3FD0]  }
0x91: {  	s15 =	sld [smem:$0x3FC9]  }
0x92: {  	s4 =	sld [smem:$0x3FC8]  }
0x93: {  	s6 =	simm.s32 $0xA;
	s7 =	simm.s32 $0x10;
	s5 =	sld [smem:$0x3FC7]  }
0x94: {  	[smem:s7], [sflag:s6] =	dma.local [hbm:s2], $0x1  }
0x95: {  	_ =	swait.eq [sflag:s6], $0x1  }
0x96: {  	[sflag:s6] =	ssyncset.done $0x0  }
0x97: {  	[sflag:s6] =	ssyncadd.s32 $0xFFFFFFFF  }
0x98: {  	s16 =	sld [smem:$0x12];
	(tm) =	ssettm $0x1  }
0x99: {  	s17 =	sld [smem:$0x3FFB];
	_ =	sdelay $0x3  }
0x9a: {  	_ =	strace s17  }
0x9b: {  	s6 =	sld [smem:$0x3FFC];
	_ =	sdelay $0x3  }
0x9c: {  	_ =	strace s6  }
0x9d: {  	s6 =	sld [smem:$0x3FFD];
	_ =	sdelay $0x3  }
0x9e: {  	_ =	strace s6  }
0x9f: {  	_ =	strace $0x8FFFFFFF  }
0xa0: {  	s18 =	sld [smem:$0x3FDB];
	_ =	sdelay $0x1  }
0xa1: {  	s19 =	simm.s32 $_scs_section_size  }
0xa2: {  	s8 =	simm.s32 $_size__tile_overlayer_lowered;
	s9 =	simm.s32 $_tile_overlayer_lowered  }
0xa3: {  	s22 =	simm.s32 $0x1BFF;
	s21 =	sshll.u32 s9, $0x1;
	s6 =	sadd.s32 s19, s18  }
0xa4: {  	s10 =	simm.s32 $0x0;
	s20 =	sshll.u32 s8, $0x1;
	s8 =	sadd.s32 s21, s6  }
0xa5: {  	[timem:s10], [sflag:s22] =	dma.local [hbm:s8], s20  }
0xa6: {  	_ =	swait.ge [sflag:s22], s20  }
0xa7: {  	s7 =	ssub.s32 $0x0, s20;
	[sflag:s22] =	ssyncset.done $0x0  }
0xa8: {  	[sflag:s22] =	ssyncadd.s32 s7;
	_ =	sdelay $0x1  }
0xa9: {  	s23 =	simm.s32 $0x1B8B  }
0xaa: {  	_ =	swait.ge [sflag:s23], $0x1  }
0xab: {  	[sflag:s23] =	ssyncset.done $0x0  }
0xac: {  	s25 =	simm.s32 $0x1B8E;
	s24 =	sld [smem:$0x3FFE];
	[sflag:s23] =	ssyncadd.s32 $0xFFFFFFFF  }
0xad: {  	s26 =	simm.s32 $execute0_lowered;
	[smem:$0x3FD2] =	sst s25  }
0xae: {  	s8 =	sshll.u32 s26, $0x1;
	_ =	strace $0x80000046;
	[dreg:$0x1] =	wrdreg $0xFFFFFFFF  }
0xaf: {  	s28 =	simm.s32 $_size_execute0_lowered;
	s6 =	sadd.s32 s6, s8;
	[dreg:$0x0] =	wrdreg $0x0  }
0xb0: {  	s8 =	sshll.u32 s28, $0x1;
	[dreg:$0x2] =	wrdreg s6  }
0xb1: {  	[dreg:$0x3] =	wrdreg s8  }
0xb2: {  	[dreg:$0x4] =	wrdreg $0xC0  }
0xb3: {  	_ =	task [dreg:s10], $0x5FFFF  }
0xb4: {  	[dreg:$0x1] =	wrdreg $0xFFFFFFFF  }
0xb5: {  	[dreg:$0x0] =	wrdreg $0x60  }
0xb6: {  	[dreg:$0x2] =	wrdreg s4  }
0xb7: {  	[dreg:$0x3] =	wrdreg s15  }
0xb8: {  	[dreg:$0x4] =	wrdreg s5  }
0xb9: {  	[dreg:$0x5] =	wrdreg s16  }
0xba: {  	[dreg:$0x6] =	wrdreg s24  }
0xbb: {  	[dreg:$0x7] =	wrdreg $0x9  }
0xbc: {  	_ =	task.clear_ibuf [dreg:s10], $0x8FFFF;
	_ =	strace $0x90000046  }
0xbd: {  	s29 =	simm.s32 $0x9;
	_ =	strace $0x80000048  }
0xbe: {  	_ =	swait.ge [sflag:s29], $0x1  }
0xbf: {  	[sflag:s29] =	ssyncadd.s32 $0xFFFFFFFF  }
0xc0: {  	_ =	strace $0x90000048  }
0xc1: {  	_ =	sfence  }
0xc2: {  	s30 =	sld [smem:$0x0];
	_ =	sdelay $0x2  }
0xc3: {  	s31 =	sshll.u32 s1, $0xD;
	s1 =	sshrl.u32 s1, $0x2  }
0xc4: {  	s3 =	sand.u32 $0x4000, s31;
	s1 =	sadd.s32 s1, s30  }
0xc5: {  	s0 =	sor.u32 s3, s0;
	s1 =	sshll.u32 s1, $0x11  }
0xc6: {  	s0 =	sor.u32 s1, s0  }
0xc7: {  	s0 =	sadd.s32 $0x8F2B, s0  }
0xc8: {  	[sflag:s0] =	ssyncadd.remote.s32 $0x1  }
0xc9: {  	_ =	sfence.sel $0xFFFF  }
0xca: {  	[dreg:$0x0] =	wrdreg $0xFFFFFFFF;
	(pc) =	sbr.abs _section_cstart, $3  }
0xcb: {  	[dreg:$0x1] =	wrdreg $0xFFFFFFFF  }
0xcc: {  	_ =	task.clear_ibuf [dreg:s10], $0x2FFFF;
	_ =	strace $0x9FFFFFFF  }
0xcd: {  	(tm) =	ssettm $0x7FFFFFFF  }
tec
execute0_lowered:
.L_overlay_start_1:
0x0: {  	(tag) =	ssettag $0x1  }
0x1: {  	s0 =	rddreg [dreg:$0x0]  }
0x2: {  	s1 =	rddreg [dreg:$0x1]  }
0x3: {  	s10 =	rddreg [dreg:$0x2]  }
0x4: {  	s3 =	srdreg.scid;
	s2 =	stileid.u32  }
0x5: {  	s4 =	rddreg [dreg:$0x4];
	s20 =	simm.s32 $0x0;
	s29 =	simm.s32 $0xD000  }
0x6: {  	s31 =	simm.s32 $0x1;
	s3 =	sand.u32 $0x1, s3;
	s5 =	sshll.u32 s2, $0x1  }
0x7: {  	[smem:$0x7FF] =	sst s20;
	p1 =	sne.s32 s2, $0xE;
	s5 =	sor.u32 s3, s5  }
0x8: {  	_ =	strace $0x80000047;
	s3 =	ssub.s32 $0x2, s3;
	s8 =	sadd.s32 $0xFFFFFFE4, s5  }
0x9: {  	s6 =	sshll.u32 s5, $0x7;
	s5 =	smul.u32 $0x280, s5;
	s9 =	sshrl.u32 s3, $0x1  }
0xa: {  	p0 =	sgt.s32 s8, $0x0;
	s7 =	smov.u32 s8;
	s8 =	sshll.u32 s8, $0x4  }
0xb: {  	s4 =	sadd.s32 s6, s4;
	s3 =	ssub.s32 s3, s9;
	s21 =	sor.u32 $0x200, s8  }
0xc: {  	s7 =	simm.s32 @!p0 $0x0;
	s22 =	sadd.s32 $0x1200, s4;
	[dreg:$0xd] =	wrdreg s21  }
0xd: {  	p0 =	slt.u32 s2, $0xE;
	s23 =	sadd.s32 $0x2200, s4;
	[dreg:$0xe] =	wrdreg s22  }
0xe: {  	s24 =	sadd.s32 $0x3200, s4;
	s25 =	sadd.s32 $0x4200, s4;
	[dreg:$0xf] =	wrdreg s23  }
0xf: {  	s26 =	sadd.s32 $0x5200, s4;
	s28 =	sadd.s32 $0x6200, s4;
	[dreg:$0x10] =	wrdreg s24  }
0x10: {  	s30 =	smax.u32 s3, $0x1;
	s3 =	simm.s32 $0x2;
	[dreg:$0x11] =	wrdreg s25  }
0x11: {  	s4 =	simm.s32 $0x17400;
	s14 =	sshll.u32 s7, $0x7;
	[dreg:$0x12] =	wrdreg s26  }
0x12: {  	s7 =	simm.s32 $0x5;
	[dreg:$0x13] =	wrdreg s28;
	s6 =	ssub.s32 s5, s14  }
0x13: {  	v0 =	vlaneseq.u32;
	[dreg:$0x14] =	wrdreg s30;
	s26 =	simm.s32 $0x2C00;
	s0 =	sadd.s32 s0, s6  }
0x14: {  	v3 =	vand.u32 $0x7, v0;
	s5 =	sadd.s32 $0x80, s6;
	s15 =	sadd.s32 s10, s6;
	[dreg:$0x6] =	wrdreg s0  }
0x15: {  	v2 =	vmul.u32 $0x200, v0;
	v3 =	vmul.u32 $0x80, v3;
	v1 =	vmov s8;
	s18 =	sshrl.u32 s6, $0x1;
	s0 =	sadd.s32 $0x31100, s0;
	[dreg:$0x7] =	wrdreg s15  }
.Ltmp0:
0x16: {  	v1 =	vshll.u32 v1, $0x9;
	s16 =	sadd.s32 $0xC4400, s15;
	[dreg:$0x8] =	wrdreg s0;
	(pc) =	sbr.rel .LBB2_1-.Ltmp0, $4  }
0x17: {  	v4 =	vor.u32 $0xC16, v3;
	v1 =	vor.u32 v2, v1;
	s5 =	sand.u32 $0x1FFFFF80, s5;
	s19 =	sadd.s32 s1, s18;
	[dreg:$0x9] =	wrdreg s16  }
0x18: {  	v6 =	vor.u32 $0xC17, v3;
	s7 =	simm.s32 @!p0 $0x4;
	v2 =	vor.u32 $0xC15, v3;
	v5 =	vand.u32 $0x7FFFF000, v1;
	s17 =	sadd.s32 s10, s5;
	[dreg:$0xc] =	wrdreg s19  }
0x19: {  	v7 =	vor.u32 $0xC18, v3;
	p0 =	sgt.u32 s2, $0xD;
	v1 =	vor.u32 v3, v5;
	v2 =	vor.u32 v2, v5;
	[dreg:$0xa] =	wrdreg s17;
	s0 =	sadd.s32 $0xC4400, s17  }
0x1a: {  	s1 =	simm.s32 $0x3;
	v3 =	vor.u32 v4, v5;
	v4 =	vor.u32 v6, v5;
	v5 =	vor.u32 v7, v5;
	s5 =	simm.s32 $0x0;
	[dreg:$0xb] =	wrdreg s0  }
.LBB2_28:
0x1b: {  	s0 =	rddreg [dreg:$0xe];
	s2 =	simm.s32 $0x1C000  }
0x1c: {  	[hbm4b:s0+s20] =	stream.linear.scatter [tilespmem:s2], [sflag:$0x4], $0x400, $0x38;
	[tilespmem:$0x1D800] =	vst v63  }
0x1d: {  	s15 =	rddreg [dreg:$0xf];
	s16 =	simm.s32 $0x1C400  }
0x1e: {  	[hbm4b:s15+s20] =	stream.linear.scatter [tilespmem:s16], [sflag:$0x4], $0x400, $0x38;
	[tilespmem:$0x1D800] =	vst v63  }
0x1f: {  	s17 =	rddreg [dreg:$0x10];
	s18 =	simm.s32 $0x1C800  }
0x20: {  	[hbm4b:s17+s20] =	stream.linear.scatter [tilespmem:s18], [sflag:$0x4], $0x400, $0x38;
	[tilespmem:$0x1D800] =	vst v63  }
0x21: {  	s19 =	rddreg [dreg:$0x11];
	s21 =	simm.s32 $0x1CC00  }
0x22: {  	[hbm4b:s19+s20] =	stream.linear.scatter [tilespmem:s21], [sflag:$0x4], $0x400, $0x38;
	[tilespmem:$0x1D800] =	vst v63  }
0x23: {  	s22 =	rddreg [dreg:$0x12];
	s23 =	simm.s32 $0x1D000  }
0x24: {  	[hbm4b:s22+s20] =	stream.linear.scatter [tilespmem:s23], [sflag:$0x4], $0x400, $0x38;
	[tilespmem:$0x1D800] =	vst v63  }
0x25: {  	s24 =	rddreg [dreg:$0x13];
	s25 =	simm.s32 $0x1D400;
	s28 =	simm.s32 $0x4  }
0x26: {  	[hbm4b:s24+s20] =	stream.linear.scatter [tilespmem:s25], [sflag:$0x4], $0x400, $0x38;
	[tilespmem:$0x1D800] =	vst v63  }
0x27: {  	_ =	swait.ge [sflag:s28], $0x400  }
0x28: {  	[sflag:s28] =	ssyncset.done $0x0  }
0x29: {  	[sflag:s28] =	ssyncadd.s32 $0xFFFFFC00  }
0x2a: {  	_ =	swait.ge [sflag:s28], $0x400  }
0x2b: {  	[sflag:s28] =	ssyncset.done $0x0  }
0x2c: {  	[sflag:s28] =	ssyncadd.s32 $0xFFFFFC00  }
0x2d: {  	_ =	swait.ge [sflag:s28], $0x400  }
0x2e: {  	[sflag:s28] =	ssyncset.done $0x0  }
0x2f: {  	[sflag:s28] =	ssyncadd.s32 $0xFFFFFC00  }
0x30: {  	_ =	swait.ge [sflag:s28], $0x400  }
0x31: {  	[sflag:s28] =	ssyncset.done $0x0  }
0x32: {  	[sflag:s28] =	ssyncadd.s32 $0xFFFFFC00  }
0x33: {  	_ =	swait.ge [sflag:s28], $0x400  }
0x34: {  	[sflag:s28] =	ssyncset.done $0x0  }
0x35: {  	[sflag:s28] =	ssyncadd.s32 $0xFFFFFC00  }
0x36: {  	_ =	swait.ge [sflag:s28], $0x400  }
0x37: {  	s5 =	sadd.s32 $0x1, s5;
	s30 =	rddreg [dreg:$0x14]  }
0x38: {  	p2 =	sne.s32 s5, s30  }
.Ltmp1:
0x39: {  	_ = 	snop;
	(pc) =	sbr.rel @!p2 .LBB2_29-.Ltmp1, $3  }
0x3a: {  	_ =	sdelay $0x1  }
0x3b: {  	[sflag:s28] =	ssyncset.done $0x0  }
0x3c: {  	[sflag:s28] =	ssyncadd.s32 $0xFFFFFC00  }
.LBB2_1:
0x3d: {  	[dreg:$0x15] =	wrdreg s5  }
0x3e: {  	s0 =	rddreg [dreg:$0x6]  }
0x3f: {  	s19 =	rddreg [dreg:$0x8]  }
0x40: {  	s21 =	rddreg [dreg:$0x7]  }
0x41: {  	s2 =	simm.s32 $0x400;
	s18 =	simm.s32 $0x27400;
	s22 =	rddreg [dreg:$0x9]  }
0x42: {  	[tilespmem:s20], [sflag:$0x1] =	stream.strided.gather [hbm4b:s0+s2], $0x2800, s18, s2, $0x38;
	[tilespmem:$0x1D800] =	vst v63  }
0x43: {  	s8 =	simm.s32 $0x2800;
	s24 =	rddreg [dreg:$0xa]  }
0x44: {  	[tilespmem:s8], [sflag:$0x1] =	stream.linear.gather [hbm4b:s19+s20], $0x80, $0x38;
	[tilespmem:$0x1D800] =	vst v63  }
0x45: {  	s23 =	simm.s32 $0xCC00;
	s25 =	rddreg [dreg:$0xb]  }
0x46: {  	[tilespmem:s26], [sflag:$0x2] =	stream.strided.gather [hbm4b:s21+s2], $0xA000, s18, s2, $0x38;
	[tilespmem:$0x1D800] =	vst v63  }
0x47: {  	s28 =	simm.s32 $0x17000;
	s5 =	simm.s32 @p0 $0x0;
	s30 =	simm.s32 $0x1B480  }
0x48: {  	[tilespmem:s23], [sflag:$0x2] =	stream.linear.gather [hbm4b:s22+s20], $0x200, $0x38;
	[tilespmem:$0x1D800] =	vst v63  }
0x49: {  	s10 =	simm.s32 $0x1CC80;
	s11 =	simm.s32 $0x1C880;
	s13 =	simm.s32 $0x1C480  }
0x4a: {  	[tilespmem:s29], [sflag:$0x3] =	stream.strided.gather [hbm4b:s24+s2], $0xA000, s18, s2, $0x38;
	[tilespmem:$0x1D800] =	vst v63  }
0x4b: {  	s16 =	simm.s32 $0x1C080;
	s17 =	simm.s32 $0x1B600;
	s0 =	rddreg [dreg:$0xc]  }
0x4c: {  	[tilespmem:s28], [sflag:$0x3] =	stream.linear.gather [hbm4b:s25+s20], $0x200, $0x38;
	[tilespmem:$0x1D800] =	vst v63  }
.Ltmp2:
0x4d: {  	s8 =	simm.s32 @p0 $0x1B400;
	s19 =	simm.s32 $0x1C400;
	(pc) =	sbr.rel .LBB2_2-.Ltmp2, $4  }
0x4e: {  	s21 =	simm.s32 $0x1CC00;
	s22 =	simm.s32 $0x0;
	s18 =	simm.s32 $0x1C000  }
0x4f: {  	[tilespmem:s8], [sflag:$0x4] =	stream.linear.gather @p0 [hbm4b:s0+s5], $0x800, $0x38;
	[tilespmem:$0x1D800] =	vst v63  }
0x50: {  	s20 =	simm.s32 $0x1C800;
	s5 =	simm.s32 @!p0 $0x0;
	s8 =	simm.s32 @!p0 $0x1B400  }
0x51: {  	[tilespmem:s8], [sflag:$0x4] =	stream.linear.gather @!p0 [hbm4b:s0+s5], $0xA00, $0x38;
	[tilespmem:$0x1D800] =	vst v63  }
.LBB2_21:
0x52: {  	s22 =	sadd.s32 $0x1, s22  }
0x53: {  	p2 =	sne.s32 s22, $0x3  }
.Ltmp3:
0x54: {  	_ = 	snop;
	(pc) =	sbr.rel @!p2 .LBB2_22-.Ltmp3, $4  }
0x55: {  	s21 =	sadd.s32 $0x100, s21  }
0x56: {  	s20 =	sadd.s32 $0x100, s20;
	s19 =	sadd.s32 $0x100, s19;
	s18 =	sadd.s32 $0x100, s18  }
0x57: {  	s30 =	sadd.s32 $0x400, s30;
	s10 =	sadd.s32 $0x100, s10;
	s11 =	sadd.s32 $0x100, s11  }
0x58: {  	s13 =	sadd.s32 $0x100, s13;
	s16 =	sadd.s32 $0x100, s16;
	s17 =	sadd.s32 $0x400, s17  }
.LBB2_2:
0x59: {  	s8 =	sshll.u32 s22, $0x1  }
0x5a: {  	p2 =	sge.u32 s8, s7  }
.Ltmp4:
0x5b: {  	_ = 	snop;
	(pc) =	sbr.rel @p2 .LBB2_21-.Ltmp4, $1  }
0x5c: {  	_ =	sdelay $0x3  }
0x5d: {  	_ =	swait.ge [sflag:s31], $0x2880  }
0x5e: {  	[sflag:s31] =	ssyncset.done $0x0  }
0x5f: {  	[sflag:s31] =	ssyncadd.s32 $0xFFFFD780  }
0x60: {  	_ =	swait.ge [sflag:s3], $0xA200  }
0x61: {  	s5 =	sshll.u32 s22, $0x8;
	[sflag:s3] =	ssyncset.done $0x0  }
0x62: {  	s9 =	simm.s32 $0x0;
	s12 =	simm.s32 $0x200;
	v6 =	vmov s5;
	[sflag:s3] =	ssyncadd.s32 $0xFFFF5E00  }
.LBB2_4:
0x63: {  	v9 =	vld [tilespmem:s12+$0x100]  }
0x64: {  	v11 =	vld [tilespmem:s12+$0xFFFFFF80]  }
0x65: {  	v8 =	vld [tilespmem:s12+$0xFFFFFE00]  }
0x66: {  	v10 =	vld [tilespmem:s12+$0xFFFFFE80]  }
0x67: {  	v12 =	vld [tilespmem:s12+$0xFFFFFF00]  }
0x68: {  	v16 =	vld [tilespmem:s12+$0x0]  }
0x69: {  	v17 =	vld [tilespmem:s12+$0x80]  }
0x6a: {  	v18 =	vimm.f32 $-Inf;
	v13 =	vld [tilespmem:s12+$0x180]  }
0x6b: {  	v14 =	vimm.s32 $0x0;
	v15 =	vld [tilespmem:s12+$0x200];
	s14 =	sadd.s32 $0x480, s12;
	vm1 =	vgt.f32 v8, v18;
	vm2 =	vgt.f32 v10, v18  }
0x6c: {  	v7 =	vld [tilespmem:s14+$0x100];
	vm0 =	vgt.f32 v12, v18;
	v19 =	vsel vm1, v8, v18;
	v20 =	vsel vm2, v10, v18  }
0x6d: {  	v10 =	vld [tilespmem:s14+$0xFFFFFF80];
	v12 =	vsel vm0, v12, v18;
	vm4 =	vgt.f32 v11, v19;
	vm5 =	vgt.f32 v16, v20  }
0x6e: {  	v8 =	vld [tilespmem:s14+$0xFFFFFE00];
	vm3 =	vgt.f32 v17, v12;
	v18 =	vsel vm4, v11, v19;
	v19 =	vsel vm5, v16, v20  }
0x6f: {  	s23 =	sshll.u32 s9, $0x4;
	s15 =	simm.s32 $0x8;
	v11 =	vld [tilespmem:s14+$0xFFFFFE80];
	v20 =	vsel vm3, v17, v12;
	v17 =	vimm.s32 $0x0;
	v16 =	vimm.s32 $0x0  }
0x70: {  	s24 =	simm.s32 $0x11;
	s5 =	simm.s32 $0x1A;
	s28 =	simm.s32 $0x0;
	v12 =	vld [tilespmem:s14+$0xFFFFFF00];
	vm6 =	vgt.f32 v9, v18;
	vm7 =	vgt.f32 v13, v19;
	vm8 =	vgt.f32 v15, v20  }
.LBB2_5:
0x71: {  	p2 =	sne.s32 s5, $0x50;
	v21 =	vld [tilespmem:s14+$0x0];
	s25 =	sadd.s32 $0xFFFFFFF9, s15;
	s0 =	sadd.s32 $0xFFFFFFFA, s15;
	v18 =	vsel vm6, v9, v18;
	v19 =	vsel vm7, v13, v19;
	v20 =	vsel vm8, v15, v20;
	v9 =	vmovc v7  }
0x72: {  	v7 =	vsel vm1, s28, v14;
	s28 =	sadd.s32 $0xFFFFFFFD, s15;
	v22 =	vld [tilespmem:s14+$0x80];
	v14 =	vsel vm2, s25, v17;
	v15 =	vsel vm0, s0, v16;
	s0 =	sadd.s32 $0xFFFFFFFB, s15;
	s25 =	sadd.s32 $0xFFFFFFFC, s15;
	v23 =	vmovc v10  }
0x73: {  	v13 =	vld [tilespmem:s14+$0x180];
	v7 =	vsel vm4, s0, v7;
	v10 =	vsel vm5, s25, v14;
	v16 =	vsel vm3, s28, v15;
	s0 =	sadd.s32 $0xFFFFFFFE, s15;
	s25 =	sadd.s32 $0xFFFFFFFF, s15  }
0x74: {  	v15 =	vld [tilespmem:s14+$0x200];
	s14 =	sadd.s32 $0x480, s14;
	v14 =	vsel vm6, s0, v7;
	v17 =	vsel vm7, s25, v10;
	v16 =	vsel vm8, s15, v16;
	s15 =	smov.u32 s24;
	s24 =	smov.u32 s5  }
.Ltmp5:
0x75: {  	vm1 =	vgt.f32 v8, v18;
	vm2 =	vgt.f32 v11, v19;
	v7 =	vld [tilespmem:s14+$0x100];
	vm0 =	vgt.f32 v12, v20;
	(pc) =	sbr.rel @p2 .LBB2_5-.Ltmp5, $4  }
0x76: {  	v18 =	vsel vm1, v8, v18;
	v19 =	vsel vm2, v11, v19;
	v10 =	vld [tilespmem:s14+$0xFFFFFF80];
	v12 =	vsel vm0, v12, v20  }
0x77: {  	vm4 =	vgt.f32 v23, v18;
	vm5 =	vgt.f32 v21, v19;
	v8 =	vld [tilespmem:s14+$0xFFFFFE00];
	vm3 =	vgt.f32 v22, v12  }
0x78: {  	v18 =	vsel vm4, v23, v18;
	v19 =	vsel vm5, v21, v19;
	v11 =	vld [tilespmem:s14+$0xFFFFFE80];
	v20 =	vsel vm3, v22, v12  }
0x79: {  	s5 =	sadd.s32 $0x9, s5;
	s28 =	sadd.s32 $0xFFFFFFF8, s15;
	vm6 =	vgt.f32 v9, v18;
	vm7 =	vgt.f32 v13, v19;
	v12 =	vld [tilespmem:s14+$0xFFFFFF00];
	vm8 =	vgt.f32 v15, v20  }
0x7a: {  	s0 =	sadd.s32 $0xFFFFFFF9, s15;
	v9 =	vsel vm6, v9, v18;
	v13 =	vsel vm7, v13, v19  }
0x7b: {  	v18 =	vld [tilespmem:s14+$0x0];
	s5 =	sadd.s32 $0xFFFFFFFA, s15;
	v15 =	vsel vm8, v15, v20;
	v14 =	vsel vm1, s28, v14;
	s2 =	sadd.s32 $0xFFFFFFFB, s15;
	s25 =	sadd.s32 $0xFFFFFFFC, s15;
	v17 =	vsel vm2, s0, v17  }
0x7c: {  	v19 =	vld [tilespmem:s14+$0x80];
	s28 =	sadd.s32 $0xFFFFFFFE, s15;
	v16 =	vsel vm0, s5, v16;
	s5 =	sadd.s32 $0xFFFFFFFD, s15;
	v14 =	vsel vm4, s2, v14;
	v17 =	vsel vm5, s25, v17  }
0x7d: {  	s2 =	sadd.s32 $0xFFFFFFFF, s15;
	v16 =	vsel vm3, s5, v16;
	v14 =	vsel vm6, s28, v14;
	vm0 =	vgt.f32 v8, v9  }
0x7e: {  	v20 =	vld [tilespmem:s14+$0x180];
	v17 =	vsel vm7, s2, v17;
	v16 =	vsel vm8, s15, v16;
	vm1 =	vgt.f32 v11, v13  }
0x7f: {  	s5 =	sadd.s32 $0xFFFFFFF8, s24;
	v8 =	vsel vm0, v8, v9;
	vm2 =	vgt.f32 v12, v15;
	v9 =	vsel vm1, v11, v13  }
0x80: {  	vm3 =	vgt.f32 v10, v8;
	v13 =	vsel vm0, s5, v14;
	v11 =	vsel vm2, v12, v15  }
0x81: {  	vm12 =	vgt.f32 v18, v9;
	v12 =	vld [tilespmem:s14+$0x200];
	v8 =	vsel vm3, v10, v8;
	s14 =	sadd.s32 $0xFFFFFFF9, s24;
	vm13 =	vgt.f32 v19, v11  }
0x82: {  	v10 =	vsel vm12, v18, v9;
	vm14 =	vgt.f32 v7, v8;
	v14 =	vsel vm1, s14, v17  }
0x83: {  	s25 =	sadd.s32 $0xFFFFFFFC, s24;
	s15 =	sadd.s32 $0xFFFFFFFB, s24;
	v9 =	vmov s12;
	v11 =	vsel vm13, v19, v11;
	vm15 =	vgt.f32 v20, v10  }
0x84: {  	s28 =	sadd.s32 $0xFFFFFFFE, s24;
	s2 =	sadd.s32 $0xFFFFFFFF, s24;
	v8 =	vsel vm14, v7, v8;
	v7 =	vsel vm3, s15, v13;
	v13 =	vsel vm12, s25, v14  }
0x85: {  	s14 =	sadd.s32 $0xFFFFFFFA, s24;
	v10 =	vsel vm15, v20, v10;
	v14 =	vsel vm14, s28, v7;
	v13 =	vsel vm15, s2, v13  }
0x86: {  	v7 =	vsel vm2, s14, v16;
	vm1 =	veq.f32 v10, v8;
	vm3 =	vlt.s32 v13, v14  }
0x87: {  	s15 =	sadd.s32 $0xFFFFFFFD, s24;
	vm2 =	vgt.f32 v10, v8;
	vm0 =	vgt.f32 v12, v11;
	vm1 =	vmand vm1, vm3  }
0x88: {  	s25 =	simm.s32 $0x0;
	v7 =	vsel vm13, s15, v7;
	v11 =	vsel vm0, v12, v11;
	vm1 =	vmor vm2, vm1  }
0x89: {  	v12 =	vld.idx.msk [tilespmem:v9+s25+$0x100 ss:$0x1], $0xffff;
	v7 =	vsel vm0, s24, v7;
	v10 =	vsel vm1, v10, v8;
	v8 =	vsel vm1, v13, v14  }
0x8a: {  	v14 =	vld.idx.msk [tilespmem:v9+s25+$0xFFFFFF80 ss:$0x1], $0xffff;
	vm0 =	veq.f32 v11, v10;
	vm1 =	vlt.s32 v7, v8  }
0x8b: {  	v15 =	vld.idx.msk [tilespmem:v9+s25+$0xFFFFFE00 ss:$0x1], $0xffff;
	vm2 =	vgt.f32 v11, v10;
	vm0 =	vmand vm0, vm1  }
0x8c: {  	v16 =	vld.idx.msk [tilespmem:v9+s25+$0xFFFFFE80 ss:$0x1], $0xffff;
	vm0 =	vmor vm2, vm0  }
0x8d: {  	v10 =	vsel vm0, v11, v10;
	v11 =	vld.idx.msk [tilespmem:v9+s25+$0xFFFFFF00 ss:$0x1], $0xffff  }
0x8e: {  	v17 =	vld.idx.msk [tilespmem:v9+s25+$0x0 ss:$0x1], $0xffff;
	v12 =	vsub.f32 v12, v10  }
0x8f: {  	v18 =	vld.idx.msk [tilespmem:v9+s25+$0x80 ss:$0x1], $0xffff;
	v14 =	vsub.f32 v14, v10  }
0x90: {  	v13 =	vld.idx.msk [tilespmem:v9+s25+$0x180 ss:$0x1], $0xffff;
	v15 =	vsub.f32 v15, v10;
	v12 =	vmul.f32 $1.442695020e+00, v12  }
0x91: {  	s28 =	simm.s32 $0x480;
	v19 =	vld.idx.msk [tilespmem:v9+s25+$0x200 ss:$0x1], $0xffff;
	v16 =	vsub.f32 v16, v10;
	v14 =	vmul.f32 $1.442695020e+00, v14  }
0x92: {  	v20 =	vld.idx.msk [tilespmem:v9+s28+$0x100 ss:$0x1], $0xffff;
	v15 =	vmul.f32 $1.442695020e+00, v15;
	v11 =	vsub.f32 v11, v10;
	(erf) = vpow2.f32 v12  }
0x93: {  	v22 =	vld.idx.msk [tilespmem:v9+s28+$0xFFFFFE80 ss:$0x1], $0xffff;
	v16 =	vmul.f32 $1.442695020e+00, v16;
	(erf) = vpow2.f32 v14  }
0x94: {  	v12 =	vsub.f32 v17, v10;
	v17 =	vld.idx.msk [tilespmem:v9+s28+$0x200 ss:$0x1], $0xffff;
	v11 =	vmul.f32 $1.442695020e+00, v11;
	(erf) = vpow2.f32 v15  }
0x95: {  	v13 =	vsub.f32 v13, v10;
	v14 =	vsub.f32 v18, v10;
	v18 =	vld.idx.msk [tilespmem:v9+s28+$0xFFFFFF80 ss:$0x1], $0xffff;
	(erf) = vpow2.f32 v16  }
0x96: {  	v12 =	vmul.f32 $1.442695020e+00, v12;
	v16 =	vsub.f32 v19, v10;
	v19 =	vld.idx.msk [tilespmem:v9+s28+$0xFFFFFE00 ss:$0x1], $0xffff;
	(erf) = vpow2.f32 v11  }
0x97: {  	v21 =	vld.idx.msk [tilespmem:v9+s28+$0x180 ss:$0x1], $0xffff;
	v14 =	vmul.f32 $1.442695020e+00, v14  }
0x98: {  	v24 =	vld.idx.msk [tilespmem:v9+s28+$0xFFFFFF00 ss:$0x1], $0xffff;
	v11 =	vmul.f32 $1.442695020e+00, v13;
	v13 =	vsub.f32 v20, v10;
	(erf) = vpow2.f32 v12  }
0x99: {  	v15 =	vld.idx.msk [tilespmem:v9+s28+$0x0 ss:$0x1], $0xffff;
	v12 =	vmul.f32 $1.442695020e+00, v16;
	v26 =	vsub.f32 v17, v10;
	(erf) = vpow2.f32 v14  }
0x9a: {  	(erf) = vpow2.f32 v11;
	v11 =	vsub.f32 v18, v10;
	v18 =	vmul.f32 $1.442695020e+00, v13  }
0x9b: {  	v17 =	vsub.f32 v19, v10;
	v19 =	vsub.f32 v22, v10;
	v27 =	vpop (erf)  }
0x9c: {  	v16 =	vld.idx.msk [tilespmem:v9+s28+$0x80 ss:$0x1], $0xffff;
	v14 =	vsub.f32 v21, v10;
	(erf) = vpow2.f32 v12;
	v21 =	vpop (erf)  }
0x9d: {  	v23 =	vimm.f32 $0.0e+00;
	s14 =	simm.s32 $0x900;
	v24 =	vsub.f32 v24, v10;
	v20 =	vmul.f32 $1.442695020e+00, v11;
	v25 =	vpop (erf)  }
0x9e: {  	v15 =	vsub.f32 v15, v10;
	v13 =	vld.idx.msk [tilespmem:v9+s14+$0x100 ss:$0x1], $0xffff;
	(erf) = vpow2.f32 v18;
	v22 =	vmul.f32 $1.442695020e+00, v17;
	v18 =	vpop (erf)  }
0x9f: {  	v12 =	vld.idx.msk [tilespmem:v9+s14+$0x180 ss:$0x1], $0xffff;
	v28 =	vmul.f32 $1.442695020e+00, v19;
	(erf) = vpow2.f32 v20;
	v20 =	vadd.f32 v25, v23;
	v19 =	vpop (erf)  }
0xa0: {  	v11 =	vld.idx.msk [tilespmem:v9+s14+$0x200 ss:$0x1], $0xffff;
	v18 =	vadd.f32 v18, v23;
	v23 =	vadd.f32 v19, v23  }
0xa1: {  	v24 =	vmul.f32 $1.442695020e+00, v24;
	v26 =	vmul.f32 $1.442695020e+00, v26;
	v29 =	vsub.f32 v16, v10;
	v17 =	vld.idx.msk [tilespmem:v9+s14+$0xFFFFFF80 ss:$0x1], $0xffff  }
0xa2: {  	v15 =	vmul.f32 $1.442695020e+00, v15;
	v16 =	vld.idx.msk [tilespmem:v9+s14+$0x0 ss:$0x1], $0xffff;
	(erf) = vpow2.f32 v22;
	v22 =	vpop (erf)  }
0xa3: {  	v25 =	vmul.f32 $1.442695020e+00, v29;
	(erf) = vpow2.f32 v28;
	v19 =	vld.idx.msk [tilespmem:v9+s14+$0xFFFFFE00 ss:$0x1], $0xffff;
	v63 =	vadd.f32 v21, v20;
	v21 =	vpop (erf)  }
0xa4: {  	v20 =	vld.idx.msk [tilespmem:v9+s14+$0xFFFFFE80 ss:$0x1], $0xffff;
	(erf) = vpow2.f32 v24;
	v22 =	vadd.f32 v22, v18;
	v18 =	vadd.f32 v21, v23;
	v23 =	vpop (erf)  }
0xa5: {  	s5 =	simm.s32 $0x3600;
	v14 =	vmul.f32 $1.442695020e+00, v14;
	(erf) = vpow2.f32 v15;
	v21 =	vld.idx.msk [tilespmem:v9+s14+$0xFFFFFF00 ss:$0x1], $0xffff;
	v15 =	vadd.f32 v27, v63;
	v24 =	vpop (erf)  }
.LBB2_7:
0xa6: {  	p2 =	sne.s32 s5, $0x9000;
	v27 =	vld.idx.msk [tilespmem:v9+s14+$0x80 ss:$0x1], $0xffff;
	(erf) = vpow2.f32 v25;
	v22 =	vadd.f32 v23, v22;
	v18 =	vadd.f32 v24, v18  }
0xa7: {  	v13 =	vsub.f32 v13, v10;
	v12 =	vsub.f32 v12, v10;
	(erf) = vpow2.f32 v14  }
0xa8: {  	v24 =	vsub.f32 v11, v10;
	v14 =	vsub.f32 v17, v10;
	(erf) = vpow2.f32 v26  }
0xa9: {  	s14 =	sshra.s32 s5, $0x2;
	v11 =	vsub.f32 v19, v10;
	v26 =	vsub.f32 v16, v10;
	v17 =	vmul.f32 $1.442695020e+00, v13;
	v28 =	vpop (erf)  }
0xaa: {  	v30 =	vsub.f32 v20, v10;
	v31 =	vmul.f32 $1.442695020e+00, v14;
	v14 =	vmul.f32 $1.442695020e+00, v12;
	v13 =	vld.idx.msk [tilespmem:v9+s14+$0x100 ss:$0x1], $0xffff;
	v23 =	vpop (erf)  }
0xab: {  	v25 =	vmul.f32 $1.442695020e+00, v11;
	v21 =	vsub.f32 v21, v10;
	v29 =	vmul.f32 $1.442695020e+00, v26;
	v12 =	vld.idx.msk [tilespmem:v9+s14+$0x180 ss:$0x1], $0xffff;
	v16 =	vpop (erf)  }
0xac: {  	v26 =	vmul.f32 $1.442695020e+00, v30;
	v27 =	vsub.f32 v27, v10;
	v11 =	vld.idx.msk [tilespmem:v9+s14+$0x200 ss:$0x1], $0xffff;
	(erf) = vpow2.f32 v17;
	v19 =	vpop (erf)  }
.Ltmp6:
0xad: {  	v21 =	vmul.f32 $1.442695020e+00, v21;
	v15 =	vadd.f32 v16, v15;
	v17 =	vld.idx.msk [tilespmem:v9+s14+$0xFFFFFF80 ss:$0x1], $0xffff;
	(erf) = vpow2.f32 v31;
	v20 =	vpop (erf);
	(pc) =	sbr.rel @p2 .LBB2_7-.Ltmp6, $4  }
0xae: {  	v22 =	vadd.f32 v19, v22;
	v16 =	vld.idx.msk [tilespmem:v9+s14+$0x0 ss:$0x1], $0xffff;
	(erf) = vpow2.f32 v25;
	v18 =	vadd.f32 v20, v18;
	v30 =	vpop (erf)  }
0xaf: {  	v25 =	vmul.f32 $1.442695020e+00, v27;
	v15 =	vadd.f32 v23, v15;
	v19 =	vld.idx.msk [tilespmem:v9+s14+$0xFFFFFE00 ss:$0x1], $0xffff;
	(erf) = vpow2.f32 v26;
	v23 =	vpop (erf)  }
0xb0: {  	v22 =	vadd.f32 v30, v22;
	v20 =	vld.idx.msk [tilespmem:v9+s14+$0xFFFFFE80 ss:$0x1], $0xffff;
	(erf) = vpow2.f32 v21;
	v18 =	vadd.f32 v23, v18;
	v23 =	vpop (erf)  }
0xb1: {  	s5 =	sadd.s32 $0x1200, s5;
	v26 =	vmul.f32 $1.442695020e+00, v24;
	v15 =	vadd.f32 v28, v15;
	v21 =	vld.idx.msk [tilespmem:v9+s14+$0xFFFFFF00 ss:$0x1], $0xffff;
	(erf) = vpow2.f32 v29;
	v24 =	vpop (erf)  }
0xb2: {  	_ =	sdelay $0x2  }
0xb3: {  	v13 =	vsub.f32 v13, v10  }
0xb4: {  	v9 =	vld.idx.msk [tilespmem:v9+s14+$0x80 ss:$0x1], $0xffff;
	(erf) = vpow2.f32 v25;
	v17 =	vsub.f32 v17, v10  }
0xb5: {  	(erf) = vpow2.f32 v14;
	v33 =	vsub.f32 v19, v10;
	v13 =	vmul.f32 $1.442695020e+00, v13  }
0xb6: {  	(erf) = vpow2.f32 v26;
	v17 =	vmul.f32 $1.442695020e+00, v17;
	v34 =	vsub.f32 v20, v10  }
0xb7: {  	v35 =	vpop (erf);
	v14 =	vmul.f32 $1.442695020e+00, v33;
	v21 =	vsub.f32 v21, v10;
	(erf) = vpow2.f32 v13  }
0xb8: {  	v36 =	vsub.f32 v16, v10;
	v37 =	vpop (erf);
	v19 =	vmul.f32 $1.442695020e+00, v34;
	(erf) = vpow2.f32 v17  }
0xb9: {  	v38 =	vpop (erf);
	v9 =	vsub.f32 v9, v10;
	v21 =	vmul.f32 $1.442695020e+00, v21;
	(erf) = vpow2.f32 v14  }
0xba: {  	v12 =	vsub.f32 v12, v10;
	v13 =	vmul.f32 $1.442695020e+00, v36;
	v39 =	vpop (erf);
	(erf) = vpow2.f32 v19  }
0xbb: {  	v42 =	vsub.f32 v11, v10;
	v41 =	vpop (erf);
	v9 =	vmul.f32 $1.442695020e+00, v9;
	(erf) = vpow2.f32 v21  }
0xbc: {  	v40 =	vadd.f32 v23, v22;
	v43 =	vmul.f32 $1.442695020e+00, v12;
	v44 =	vpop (erf);
	(erf) = vpow2.f32 v13  }
0xbd: {  	v45 =	vadd.f32 v24, v18;
	v10 =	vmul.f32 $1.442695020e+00, v42;
	v46 =	vpop (erf);
	(erf) = vpow2.f32 v9  }
0xbe: {  	v15 =	vadd.f32 v38, v15;
	v47 =	vadd.f32 v39, v40;
	v48 =	vpop (erf);
	(erf) = vpow2.f32 v43  }
0xbf: {  	v49 =	vadd.f32 v41, v45;
	v50 =	vpop (erf)  }
0xc0: {  	v15 =	vadd.f32 v37, v15;
	v9 =	vadd.f32 v44, v47;
	(erf) = vpow2.f32 v10;
	v51 =	vpop (erf)  }
0xc1: {  	v11 =	vadd.f32 v46, v49;
	v52 =	vpop (erf)  }
0xc2: {  	v15 =	vadd.f32 v35, v15;
	v9 =	vadd.f32 v48, v9;
	v53 =	vpop (erf)  }
0xc3: {  	v11 =	vadd.f32 v50, v11;
	v54 =	vpop (erf)  }
0xc4: {  	v14 =	vadd.f32 v53, v15;
	v55 =	vpop (erf);
	v9 =	vadd.f32 v54, v9  }
0xc5: {  	v11 =	vadd.f32 v55, v11;
	v56 =	vpop (erf)  }
0xc6: {  	v12 =	vadd.f32 v52, v14;
	v57 =	vpop (erf);
	v9 =	vadd.f32 v56, v9  }
0xc7: {  	v11 =	vadd.f32 v57, v11;
	v58 =	vpop (erf)  }
0xc8: {  	v10 =	vadd.f32 v51, v12;
	v9 =	vadd.f32 v58, v9  }
0xc9: {  	v59 =	vpop (erf)  }
0xca: {  	v11 =	vadd.f32 v59, v11;
	v9 =	vadd.f32 v9, v10;
	_ =	sdelay $0x1  }
0xcb: {  	v9 =	vadd.f32 v11, v9;
	_ =	sdelay $0x1  }
0xcc: {  	(erf) = vrcp.f32 v9;
	_ =	sdelay $0x4  }
0xcd: {  	v7 =	vsel vm0, v7, v8  }
0xce: {  	v8 =	vor.u32 s23, v0;
	v60 =	vshll.u32 v7, $0x7  }
0xcf: {  	v61 =	vor.u32 v8, v60;
	_ =	sdelay $0x1  }
0xd0: {  	v7 =	vcvt.s32.f32 v7;
	v62 =	vpop (erf)  }
0xd1: {  	[tilespmem:v6+s23+$0x1D000 ss:$0x1] =	vst.idx.msk $0xffff, v62  }
0xd2: {  	[tilespmem:v6+s23+$0x1D400 ss:$0x1] =	vst.idx.msk $0xffff, v7  }
0xd3: {  	v8 =	vadd.s32 v8, v60;
	v7 =	vld.idx.msk [tilespmem:v61+s26+$0x0], $0xffff  }
0xd4: {  	v9 =	vadd.s32 $0x2880, v8;
	_ =	sdelay $0x3  }
0xd5: {  	[tilespmem:s23+$0x1BE00] =	vst v7  }
0xd6: {  	v7 =	vld.idx.msk [tilespmem:v9+s26+$0x0], $0xffff  }
0xd7: {  	v63 =	vadd.s32 $0x5100, v8;
	_ =	sdelay $0x3  }
0xd8: {  	[tilespmem:s23+$0x1BE80] =	vst v7  }
0xd9: {  	v7 =	vld.idx.msk [tilespmem:v63+s26+$0x0], $0xffff  }
0xda: {  	v8 =	vadd.s32 $0x7980, v8;
	_ =	sdelay $0x3  }
0xdb: {  	s9 =	sadd.s32 $0x1, s9;
	[tilespmem:s23+$0x1BF00] =	vst v7  }
0xdc: {  	p2 =	sne.s32 s9, $0x8;
	v7 =	vld.idx.msk [tilespmem:v8+s26+$0x0], $0xffff  }
.Ltmp7:
0xdd: {  	_ = 	snop;
	(pc) =	sbr.rel @p2 .LBB2_4-.Ltmp7, $2  }
0xde: {  	_ =	sdelay $0x2  }
0xdf: {  	s12 =	sadd.s32 $0x10, s12;
	[tilespmem:s23+$0x1BF80] =	vst v7  }
0xe0: {  	s12 =	sor.u32 $0x1, s8  }
0xe1: {  	p3 =	sge.u32 s12, s7  }
0xe2: {  	s0 =	sshll.u32 @!p3 s12, $0x7  }
0xe3: {  	s0 =	sadd.s32 @!p3 s6, s0  }
0xe4: {  	s2 =	rddreg [dreg:$0x0];
	s5 =	simm.s32 @!p3 $0x400;
	s0 =	sand.u32 @!p3 $0x1FFFFF80, s0  }
0xe5: {  	s9 =	simm.s32 @!p3 $0x27400;
	s14 =	simm.s32 @!p3 $0x0;
	s0 =	sadd.s32 @!p3 s2, s0  }
0xe6: {  	[tilespmem:s14], [sflag:$0x1] =	stream.strided.gather @!p3 [hbm4b:s0+s5], $0x2800, s9, s5, $0x38;
	[tilespmem:$0x1D800] =	vst v63  }
0xe7: {  	s0 =	sadd.s32 @!p3 $0x31100, s0;
	s5 =	simm.s32 @!p3 $0x2800  }
0xe8: {  	[tilespmem:s5], [sflag:$0x1] =	stream.linear.gather @!p3 [hbm4b:s0+s14], $0x80, $0x38;
	[tilespmem:$0x1D800] =	vst v63  }
0xe9: {  	s0 =	sadd.s32 $0x2, s8  }
0xea: {  	p2 =	sge.u32 s0, s7  }
0xeb: {  	s0 =	sshll.u32 @!p2 s0, $0x7  }
0xec: {  	s0 =	sadd.s32 @!p2 s6, s0  }
0xed: {  	s5 =	simm.s32 @!p2 $0x400;
	s9 =	sand.u32 @!p2 $0x1FFFFF80, s0;
	s0 =	rddreg [dreg:$0x2]  }
0xee: {  	s14 =	simm.s32 @!p2 $0x27400;
	s15 =	simm.s32 @!p2 $0x2C00;
	s0 =	sadd.s32 @!p2 s0, s9  }
0xef: {  	[tilespmem:s15], [sflag:$0x2] =	stream.strided.gather @!p2 [hbm4b:s0+s5], $0xA000, s14, s5, $0x38;
	[tilespmem:$0x1D800] =	vst v63  }
0xf0: {  	s0 =	sadd.s32 @!p2 $0xC4400, s0;
	s5 =	simm.s32 @!p2 $0x0;
	s14 =	simm.s32 @!p2 $0xCC00  }
0xf1: {  	[tilespmem:s14], [sflag:$0x2] =	stream.linear.gather @!p2 [hbm4b:s0+s5], $0x200, $0x38;
	[tilespmem:$0x1D800] =	vst v63  }
0xf2: {  	s14 =	simm.s32 $0x0  }
0xf3: {  	v6 =	vld [tilespmem:s14+$0x1BF00]  }
0xf4: {  	v8 =	vld [tilespmem:s14+$0x1BF80];
	_ =	sdelay $0x1  }
0xf5: {  	v7 =	vmov s30;
	_ =	sdelay $0x1  }
0xf6: {  	v6 =	vmul.f32 $2.000000030e-01, v6  }
0xf7: {  	v8 =	vmul.f32 $2.000000030e-01, v8  }
0xf8: {  	v6 =	vmul.f32 $1.442695020e+00, v6  }
0xf9: {  	v10 =	vld.idx.msk [tilespmem:v7+s14+$0x80 ss:$0x1], $0xffff;
	v8 =	vmul.f32 $1.442695020e+00, v8  }
0xfa: {  	v11 =	vld.idx.msk [tilespmem:v7+s14+$0xFFFFFF80 ss:$0x1], $0xffff;
	(erf) = vpow2.f32 v6  }
0xfb: {  	v9 =	vld.idx.msk [tilespmem:v7+s14+$0x100 ss:$0x1], $0xffff;
	(erf) = vpow2.f32 v8  }
0xfc: {  	v8 =	vld.idx.msk [tilespmem:v7+s14+$0x0 ss:$0x1], $0xffff  }
0xfd: {  	v6 =	vld [tilespmem:s14+$0x1BE00]  }
0xfe: {  	v12 =	vld [tilespmem:s14+$0x1BE80]  }
0xff: {  	v10 =	vsub.f32 v10, v11;
	_ =	sdelay $0x1  }
0x100: {  	v14 =	vmul.f32 $5.000000000e-01, v10;
	v9 =	vsub.f32 v9, v8  }
0x101: {  	v13 =	vmul.f32 $1.000000010e-01, v6  }
0x102: {  	v12 =	vmul.f32 $1.000000010e-01, v12;
	v11 =	vadd.f32 v14, v11;
	v15 =	vmul.f32 $5.000000000e-01, v9;
	v16 =	vpop (erf)  }
0x103: {  	v6 =	vmov s18;
	v13 =	vmul.f32 v10, v13;
	v10 =	vmul.f32 v10, v16;
	v60 =	vpop (erf)  }
0x104: {  	v12 =	vmul.f32 v9, v12;
	v15 =	vadd.f32 v15, v8;
	v14 =	vmul.f32 v9, v60  }
0x105: {  	v11 =	vadd.f32 v11, v13;
	v8 =	vmov s19;
	v10 =	vmul.f32 $5.000000000e-01, v10  }
0x106: {  	v9 =	vmov s20;
	v12 =	vadd.f32 v15, v12;
	v61 =	vmul.f32 $5.000000000e-01, v14  }
0x107: {  	v62 =	vsub.f32 v11, v10  }
0x108: {  	v63 =	vadd.f32 v11, v10;
	v10 =	vmov s21;
	v15 =	vsub.f32 v12, v61  }
0x109: {  	[tilespmem:v6+s14+$0x0 ss:$0x1] =	vst.idx.msk $0xffff, v62  }
0x10a: {  	[tilespmem:v8+s14+$0x0 ss:$0x1] =	vst.idx.msk $0xffff, v15  }
0x10b: {  	s15 =	simm.s32 $0x80;
	s5 =	simm.s32 $0x40;
	v11 =	vadd.f32 v12, v61;
	[tilespmem:v9+s14+$0x0 ss:$0x1] =	vst.idx.msk $0xffff, v63  }
.LBB2_10:
0x10c: {  	p4 =	sne.s32 s15, $0x1C0  }
0x10d: {  	[tilespmem:v10+s14+$0x0 ss:$0x1] =	vst.idx.msk $0xffff, v11;
	s14 =	sshra.s32 s5, $0x2;
	s5 =	smov.u32 s15;
	s15 =	sadd.s32 $0x40, s15  }
0x10e: {  	v11 =	vld [tilespmem:s14+$0x1BF00]  }
0x10f: {  	v12 =	vld [tilespmem:s14+$0x1BF80];
	_ =	sdelay $0x3  }
0x110: {  	v11 =	vmul.f32 $2.000000030e-01, v11  }
0x111: {  	v12 =	vmul.f32 $2.000000030e-01, v12  }
0x112: {  	v13 =	vld.idx.msk [tilespmem:v7+s14+$0x100 ss:$0x1], $0xffff;
	v11 =	vmul.f32 $1.442695020e+00, v11  }
0x113: {  	v14 =	vld.idx.msk [tilespmem:v7+s14+$0x80 ss:$0x1], $0xffff;
	v12 =	vmul.f32 $1.442695020e+00, v12  }
0x114: {  	v15 =	vld.idx.msk [tilespmem:v7+s14+$0xFFFFFF80 ss:$0x1], $0xffff;
	(erf) = vpow2.f32 v11  }
0x115: {  	v11 =	vld.idx.msk [tilespmem:v7+s14+$0x0 ss:$0x1], $0xffff;
	(erf) = vpow2.f32 v12;
	_ =	sdelay $0x1  }
0x116: {  	v12 =	vld [tilespmem:s14+$0x1BE00]  }
0x117: {  	v16 =	vld [tilespmem:s14+$0x1BE80];
	_ =	sdelay $0x1  }
0x118: {  	v14 =	vsub.f32 v14, v15  }
0x119: {  	v13 =	vsub.f32 v13, v11  }
0x11a: {  	v20 =	vmul.f32 $5.000000000e-01, v14;
	v12 =	vmul.f32 $1.000000010e-01, v12  }
0x11b: {  	v18 =	vmul.f32 $5.000000000e-01, v13;
	v16 =	vmul.f32 $1.000000010e-01, v16;
	v19 =	vpop (erf)  }
0x11c: {  	v15 =	vadd.f32 v20, v15;
	v12 =	vmul.f32 v14, v12;
	v14 =	vmul.f32 v14, v19;
	v17 =	vpop (erf)  }
0x11d: {  	v11 =	vadd.f32 v18, v11;
	v16 =	vmul.f32 v13, v16;
	v13 =	vmul.f32 v13, v17  }
0x11e: {  	v12 =	vadd.f32 v15, v12;
	v14 =	vmul.f32 $5.000000000e-01, v14  }
0x11f: {  	v11 =	vadd.f32 v11, v16;
	v13 =	vmul.f32 $5.000000000e-01, v13  }
.Ltmp8:
0x120: {  	v15 =	vsub.f32 v12, v14;
	(pc) =	sbr.rel @p4 .LBB2_10-.Ltmp8, $4  }
0x121: {  	v16 =	vsub.f32 v11, v13  }
0x122: {  	v12 =	vadd.f32 v12, v14;
	[tilespmem:v6+s14+$0x0 ss:$0x1] =	vst.idx.msk $0xffff, v15  }
0x123: {  	v11 =	vadd.f32 v11, v13;
	[tilespmem:v8+s14+$0x0 ss:$0x1] =	vst.idx.msk $0xffff, v16  }
0x124: {  	[tilespmem:v9+s14+$0x0 ss:$0x1] =	vst.idx.msk $0xffff, v12  }
0x125: {  	_ =	sdelay $0x3  }
0x126: {  	s0 =	sshra.s32 s5, $0x2;
	[tilespmem:v10+s14+$0x0 ss:$0x1] =	vst.idx.msk $0xffff, v11  }
0x127: {  	v11 =	vld [tilespmem:s0+$0x1BF00]  }
0x128: {  	v12 =	vld [tilespmem:s0+$0x1BF80];
	_ =	sdelay $0x3  }
0x129: {  	v11 =	vmul.f32 $2.000000030e-01, v11  }
0x12a: {  	v12 =	vmul.f32 $2.000000030e-01, v12  }
0x12b: {  	v11 =	vmul.f32 $1.442695020e+00, v11  }
0x12c: {  	v13 =	vld.idx.msk [tilespmem:v7+s0+$0x100 ss:$0x1], $0xffff;
	v12 =	vmul.f32 $1.442695020e+00, v12  }
0x12d: {  	v14 =	vld.idx.msk [tilespmem:v7+s0+$0x80 ss:$0x1], $0xffff;
	(erf) = vpow2.f32 v11  }
0x12e: {  	v60 =	vld.idx.msk [tilespmem:v7+s0+$0xFFFFFF80 ss:$0x1], $0xffff;
	(erf) = vpow2.f32 v12  }
0x12f: {  	v7 =	vld.idx.msk [tilespmem:v7+s0+$0x0 ss:$0x1], $0xffff  }
0x130: {  	v61 =	vld [tilespmem:s0+$0x1BE00]  }
0x131: {  	v15 =	vld [tilespmem:s0+$0x1BE80];
	_ =	sdelay $0x1  }
0x132: {  	v14 =	vsub.f32 v14, v60  }
0x133: {  	v13 =	vsub.f32 v13, v7  }
0x134: {  	v16 =	vmul.f32 $5.000000000e-01, v14;
	v12 =	vmul.f32 $1.000000010e-01, v61  }
0x135: {  	v15 =	vmul.f32 $1.000000010e-01, v15;
	v17 =	vmul.f32 $5.000000000e-01, v13;
	v18 =	vpop (erf)  }
0x136: {  	v11 =	vadd.f32 v16, v60;
	v12 =	vmul.f32 v14, v12;
	v14 =	vmul.f32 v14, v18;
	v62 =	vpop (erf)  }
0x137: {  	v15 =	vmul.f32 v13, v15;
	v7 =	vadd.f32 v17, v7;
	v13 =	vmul.f32 v13, v62  }
0x138: {  	v11 =	vadd.f32 v11, v12;
	v63 =	vmul.f32 $5.000000000e-01, v14  }
0x139: {  	v7 =	vadd.f32 v7, v15;
	v13 =	vmul.f32 $5.000000000e-01, v13  }
0x13a: {  	v14 =	vsub.f32 v11, v63  }
.Ltmp9:
0x13b: {  	v15 =	vsub.f32 v7, v13;
	(pc) =	sbr.rel @p3 .LBB2_21-.Ltmp9, $4  }
0x13c: {  	v11 =	vadd.f32 v11, v63;
	[tilespmem:v6+s0+$0x0 ss:$0x1] =	vst.idx.msk $0xffff, v14  }
0x13d: {  	v6 =	vadd.f32 v7, v13;
	[tilespmem:v8+s0+$0x0 ss:$0x1] =	vst.idx.msk $0xffff, v15  }
0x13e: {  	[tilespmem:v9+s0+$0x0 ss:$0x1] =	vst.idx.msk $0xffff, v11  }
0x13f: {  	[tilespmem:v10+s0+$0x0 ss:$0x1] =	vst.idx.msk $0xffff, v6  }
0x140: {  	_ =	swait.ge [sflag:s31], $0x2880  }
0x141: {  	[sflag:s31] =	ssyncset.done $0x0  }
0x142: {  	[sflag:s31] =	ssyncadd.s32 $0xFFFFD780  }
0x143: {  	_ =	swait.ge [sflag:s1], $0xA200  }
0x144: {  	s0 =	sshll.u32 s12, $0x7;
	[sflag:s1] =	ssyncset.done $0x0  }
0x145: {  	s12 =	simm.s32 $0x0;
	s23 =	simm.s32 $0x200;
	v6 =	vmov s0;
	[sflag:s1] =	ssyncadd.s32 $0xFFFF5E00  }
.LBB2_13:
0x146: {  	v9 =	vld [tilespmem:s23+$0x100]  }
0x147: {  	v11 =	vld [tilespmem:s23+$0xFFFFFF80]  }
0x148: {  	v8 =	vld [tilespmem:s23+$0xFFFFFE00]  }
0x149: {  	v10 =	vld [tilespmem:s23+$0xFFFFFE80]  }
0x14a: {  	v12 =	vld [tilespmem:s23+$0xFFFFFF00]  }
0x14b: {  	v16 =	vld [tilespmem:s23+$0x0]  }
0x14c: {  	v17 =	vld [tilespmem:s23+$0x80]  }
0x14d: {  	v18 =	vimm.f32 $-Inf;
	v13 =	vld [tilespmem:s23+$0x180]  }
0x14e: {  	v14 =	vimm.s32 $0x0;
	v15 =	vld [tilespmem:s23+$0x200];
	s15 =	sadd.s32 $0x480, s23;
	vm1 =	vgt.f32 v8, v18;
	vm2 =	vgt.f32 v10, v18  }
0x14f: {  	v7 =	vld [tilespmem:s15+$0x100];
	vm0 =	vgt.f32 v12, v18;
	v19 =	vsel vm1, v8, v18;
	v20 =	vsel vm2, v10, v18  }
0x150: {  	v10 =	vld [tilespmem:s15+$0xFFFFFF80];
	v12 =	vsel vm0, v12, v18;
	vm4 =	vgt.f32 v11, v19;
	vm5 =	vgt.f32 v16, v20  }
0x151: {  	v8 =	vld [tilespmem:s15+$0xFFFFFE00];
	vm3 =	vgt.f32 v17, v12;
	v18 =	vsel vm4, v11, v19;
	v19 =	vsel vm5, v16, v20  }
0x152: {  	s24 =	sshll.u32 s12, $0x4;
	s5 =	simm.s32 $0x8;
	v11 =	vld [tilespmem:s15+$0xFFFFFE80];
	v20 =	vsel vm3, v17, v12;
	v17 =	vimm.s32 $0x0;
	v16 =	vimm.s32 $0x0  }
0x153: {  	s14 =	simm.s32 $0x11;
	s28 =	simm.s32 $0x1A;
	s25 =	simm.s32 $0x0;
	v12 =	vld [tilespmem:s15+$0xFFFFFF00];
	vm6 =	vgt.f32 v9, v18;
	vm7 =	vgt.f32 v13, v19;
	vm8 =	vgt.f32 v15, v20  }
.LBB2_14:
0x154: {  	p3 =	sne.s32 s28, $0x50;
	v21 =	vld [tilespmem:s15+$0x0];
	s0 =	sadd.s32 $0xFFFFFFF9, s5;
	s2 =	sadd.s32 $0xFFFFFFFA, s5;
	v18 =	vsel vm6, v9, v18;
	v19 =	vsel vm7, v13, v19;
	v20 =	vsel vm8, v15, v20;
	v9 =	vmovc v7  }
0x155: {  	v7 =	vsel vm1, s25, v14;
	s25 =	sadd.s32 $0xFFFFFFFD, s5;
	v22 =	vld [tilespmem:s15+$0x80];
	v14 =	vsel vm2, s0, v17;
	v15 =	vsel vm0, s2, v16;
	s0 =	sadd.s32 $0xFFFFFFFB, s5;
	s2 =	sadd.s32 $0xFFFFFFFC, s5;
	v23 =	vmovc v10  }
0x156: {  	v13 =	vld [tilespmem:s15+$0x180];
	v7 =	vsel vm4, s0, v7;
	v10 =	vsel vm5, s2, v14;
	v16 =	vsel vm3, s25, v15;
	s0 =	sadd.s32 $0xFFFFFFFE, s5;
	s2 =	sadd.s32 $0xFFFFFFFF, s5  }
0x157: {  	v15 =	vld [tilespmem:s15+$0x200];
	s15 =	sadd.s32 $0x480, s15;
	v14 =	vsel vm6, s0, v7;
	v17 =	vsel vm7, s2, v10;
	v16 =	vsel vm8, s5, v16;
	s5 =	smov.u32 s14;
	s14 =	smov.u32 s28  }
.Ltmp10:
0x158: {  	vm1 =	vgt.f32 v8, v18;
	vm2 =	vgt.f32 v11, v19;
	v7 =	vld [tilespmem:s15+$0x100];
	vm0 =	vgt.f32 v12, v20;
	(pc) =	sbr.rel @p3 .LBB2_14-.Ltmp10, $4  }
0x159: {  	v18 =	vsel vm1, v8, v18;
	v19 =	vsel vm2, v11, v19;
	v10 =	vld [tilespmem:s15+$0xFFFFFF80];
	v12 =	vsel vm0, v12, v20  }
0x15a: {  	vm4 =	vgt.f32 v23, v18;
	vm5 =	vgt.f32 v21, v19;
	v8 =	vld [tilespmem:s15+$0xFFFFFE00];
	vm3 =	vgt.f32 v22, v12  }
0x15b: {  	v18 =	vsel vm4, v23, v18;
	v19 =	vsel vm5, v21, v19;
	v11 =	vld [tilespmem:s15+$0xFFFFFE80];
	v20 =	vsel vm3, v22, v12  }
0x15c: {  	s28 =	sadd.s32 $0x9, s28;
	s25 =	sadd.s32 $0xFFFFFFF8, s5;
	vm6 =	vgt.f32 v9, v18;
	vm7 =	vgt.f32 v13, v19;
	v12 =	vld [tilespmem:s15+$0xFFFFFF00];
	vm8 =	vgt.f32 v15, v20  }
0x15d: {  	s0 =	sadd.s32 $0xFFFFFFF9, s5;
	v9 =	vsel vm6, v9, v18;
	v13 =	vsel vm7, v13, v19  }
0x15e: {  	s2 =	sadd.s32 $0xFFFFFFFA, s5;
	v15 =	vsel vm8, v15, v20;
	v14 =	vsel vm1, s25, v14;
	s25 =	sadd.s32 $0xFFFFFFFB, s5;
	s28 =	sadd.s32 $0xFFFFFFFC, s5;
	v17 =	vsel vm2, s0, v17  }
0x15f: {  	v18 =	vld [tilespmem:s15+$0x0];
	v16 =	vsel vm0, s2, v16;
	s2 =	sadd.s32 $0xFFFFFFFD, s5;
	v14 =	vsel vm4, s25, v14;
	s25 =	sadd.s32 $0xFFFFFFFE, s5;
	v17 =	vsel vm5, s28, v17  }
0x160: {  	v19 =	vld [tilespmem:s15+$0x80];
	s28 =	sadd.s32 $0xFFFFFFFF, s5;
	v16 =	vsel vm3, s2, v16;
	v14 =	vsel vm6, s25, v14;
	vm0 =	vgt.f32 v8, v9  }
0x161: {  	v20 =	vld [tilespmem:s15+$0x180];
	v17 =	vsel vm7, s28, v17;
	v16 =	vsel vm8, s5, v16;
	vm1 =	vgt.f32 v11, v13  }
0x162: {  	s25 =	sadd.s32 $0xFFFFFFF8, s14;
	v8 =	vsel vm0, v8, v9;
	s28 =	sadd.s32 $0xFFFFFFF9, s14;
	vm2 =	vgt.f32 v12, v15;
	v9 =	vsel vm1, v11, v13  }
0x163: {  	vm3 =	vgt.f32 v10, v8;
	v13 =	vsel vm0, s25, v14;
	v14 =	vsel vm1, s28, v17  }
0x164: {  	v11 =	vsel vm2, v12, v15;
	vm12 =	vgt.f32 v18, v9;
	v8 =	vsel vm3, v10, v8  }
0x165: {  	v12 =	vld [tilespmem:s15+$0x200];
	vm13 =	vgt.f32 v19, v11;
	v10 =	vsel vm12, v18, v9;
	vm14 =	vgt.f32 v7, v8  }
0x166: {  	s5 =	sadd.s32 $0xFFFFFFFB, s14;
	s15 =	sadd.s32 $0xFFFFFFFC, s14;
	v9 =	vmov s23;
	v11 =	vsel vm13, v19, v11;
	vm15 =	vgt.f32 v20, v10  }
0x167: {  	s25 =	sadd.s32 $0xFFFFFFFE, s14;
	s28 =	sadd.s32 $0xFFFFFFFF, s14;
	v8 =	vsel vm14, v7, v8;
	v7 =	vsel vm3, s5, v13;
	v13 =	vsel vm12, s15, v14  }
0x168: {  	s5 =	sadd.s32 $0xFFFFFFFA, s14;
	v10 =	vsel vm15, v20, v10;
	v14 =	vsel vm14, s25, v7;
	v13 =	vsel vm15, s28, v13  }
0x169: {  	v7 =	vsel vm2, s5, v16;
	vm1 =	veq.f32 v10, v8;
	vm3 =	vlt.s32 v13, v14  }
0x16a: {  	s15 =	sadd.s32 $0xFFFFFFFD, s14;
	vm2 =	vgt.f32 v10, v8;
	vm0 =	vgt.f32 v12, v11;
	vm1 =	vmand vm1, vm3  }
0x16b: {  	s25 =	simm.s32 $0x0;
	v7 =	vsel vm13, s15, v7;
	v11 =	vsel vm0, v12, v11;
	vm1 =	vmor vm2, vm1  }
0x16c: {  	v12 =	vld.idx.msk [tilespmem:v9+s25+$0x100 ss:$0x1], $0xffff;
	v7 =	vsel vm0, s14, v7;
	v10 =	vsel vm1, v10, v8;
	v8 =	vsel vm1, v13, v14  }
0x16d: {  	v14 =	vld.idx.msk [tilespmem:v9+s25+$0xFFFFFF80 ss:$0x1], $0xffff;
	vm0 =	veq.f32 v11, v10;
	vm1 =	vlt.s32 v7, v8  }
0x16e: {  	v15 =	vld.idx.msk [tilespmem:v9+s25+$0xFFFFFE00 ss:$0x1], $0xffff;
	vm2 =	vgt.f32 v11, v10;
	vm0 =	vmand vm0, vm1  }
0x16f: {  	v16 =	vld.idx.msk [tilespmem:v9+s25+$0xFFFFFE80 ss:$0x1], $0xffff;
	vm0 =	vmor vm2, vm0  }
0x170: {  	v10 =	vsel vm0, v11, v10;
	v11 =	vld.idx.msk [tilespmem:v9+s25+$0xFFFFFF00 ss:$0x1], $0xffff  }
0x171: {  	v17 =	vld.idx.msk [tilespmem:v9+s25+$0x0 ss:$0x1], $0xffff;
	v12 =	vsub.f32 v12, v10  }
0x172: {  	v18 =	vld.idx.msk [tilespmem:v9+s25+$0x80 ss:$0x1], $0xffff;
	v14 =	vsub.f32 v14, v10  }
0x173: {  	v13 =	vld.idx.msk [tilespmem:v9+s25+$0x180 ss:$0x1], $0xffff;
	v15 =	vsub.f32 v15, v10;
	v12 =	vmul.f32 $1.442695020e+00, v12  }
0x174: {  	s28 =	simm.s32 $0x480;
	v19 =	vld.idx.msk [tilespmem:v9+s25+$0x200 ss:$0x1], $0xffff;
	v16 =	vsub.f32 v16, v10;
	v14 =	vmul.f32 $1.442695020e+00, v14  }
0x175: {  	v20 =	vld.idx.msk [tilespmem:v9+s28+$0x100 ss:$0x1], $0xffff;
	v15 =	vmul.f32 $1.442695020e+00, v15;
	v11 =	vsub.f32 v11, v10;
	(erf) = vpow2.f32 v12  }
0x176: {  	v22 =	vld.idx.msk [tilespmem:v9+s28+$0xFFFFFE80 ss:$0x1], $0xffff;
	v16 =	vmul.f32 $1.442695020e+00, v16;
	(erf) = vpow2.f32 v14  }
0x177: {  	v12 =	vsub.f32 v17, v10;
	v17 =	vld.idx.msk [tilespmem:v9+s28+$0x200 ss:$0x1], $0xffff;
	v11 =	vmul.f32 $1.442695020e+00, v11;
	(erf) = vpow2.f32 v15  }
0x178: {  	v13 =	vsub.f32 v13, v10;
	v14 =	vsub.f32 v18, v10;
	v18 =	vld.idx.msk [tilespmem:v9+s28+$0xFFFFFF80 ss:$0x1], $0xffff;
	(erf) = vpow2.f32 v16  }
0x179: {  	v12 =	vmul.f32 $1.442695020e+00, v12;
	v16 =	vsub.f32 v19, v10;
	v19 =	vld.idx.msk [tilespmem:v9+s28+$0xFFFFFE00 ss:$0x1], $0xffff;
	(erf) = vpow2.f32 v11  }
0x17a: {  	v21 =	vld.idx.msk [tilespmem:v9+s28+$0x180 ss:$0x1], $0xffff;
	v14 =	vmul.f32 $1.442695020e+00, v14  }
0x17b: {  	v24 =	vld.idx.msk [tilespmem:v9+s28+$0xFFFFFF00 ss:$0x1], $0xffff;
	v11 =	vmul.f32 $1.442695020e+00, v13;
	v13 =	vsub.f32 v20, v10;
	(erf) = vpow2.f32 v12  }
0x17c: {  	v15 =	vld.idx.msk [tilespmem:v9+s28+$0x0 ss:$0x1], $0xffff;
	v12 =	vmul.f32 $1.442695020e+00, v16;
	v26 =	vsub.f32 v17, v10;
	(erf) = vpow2.f32 v14  }
0x17d: {  	(erf) = vpow2.f32 v11;
	v11 =	vsub.f32 v18, v10;
	v18 =	vmul.f32 $1.442695020e+00, v13  }
0x17e: {  	v17 =	vsub.f32 v19, v10;
	v19 =	vsub.f32 v22, v10;
	v27 =	vpop (erf)  }
0x17f: {  	v16 =	vld.idx.msk [tilespmem:v9+s28+$0x80 ss:$0x1], $0xffff;
	v14 =	vsub.f32 v21, v10;
	(erf) = vpow2.f32 v12;
	v21 =	vpop (erf)  }
0x180: {  	v23 =	vimm.f32 $0.0e+00;
	s14 =	simm.s32 $0x900;
	v24 =	vsub.f32 v24, v10;
	v20 =	vmul.f32 $1.442695020e+00, v11;
	v25 =	vpop (erf)  }
0x181: {  	v15 =	vsub.f32 v15, v10;
	v13 =	vld.idx.msk [tilespmem:v9+s14+$0x100 ss:$0x1], $0xffff;
	(erf) = vpow2.f32 v18;
	v22 =	vmul.f32 $1.442695020e+00, v17;
	v18 =	vpop (erf)  }
0x182: {  	v12 =	vld.idx.msk [tilespmem:v9+s14+$0x180 ss:$0x1], $0xffff;
	v28 =	vmul.f32 $1.442695020e+00, v19;
	(erf) = vpow2.f32 v20;
	v20 =	vadd.f32 v25, v23;
	v19 =	vpop (erf)  }
0x183: {  	v11 =	vld.idx.msk [tilespmem:v9+s14+$0x200 ss:$0x1], $0xffff;
	v18 =	vadd.f32 v18, v23;
	v23 =	vadd.f32 v19, v23  }
0x184: {  	v24 =	vmul.f32 $1.442695020e+00, v24;
	v26 =	vmul.f32 $1.442695020e+00, v26;
	v29 =	vsub.f32 v16, v10;
	v17 =	vld.idx.msk [tilespmem:v9+s14+$0xFFFFFF80 ss:$0x1], $0xffff  }
0x185: {  	v15 =	vmul.f32 $1.442695020e+00, v15;
	v16 =	vld.idx.msk [tilespmem:v9+s14+$0x0 ss:$0x1], $0xffff;
	(erf) = vpow2.f32 v22;
	v22 =	vpop (erf)  }
0x186: {  	v25 =	vmul.f32 $1.442695020e+00, v29;
	(erf) = vpow2.f32 v28;
	v19 =	vld.idx.msk [tilespmem:v9+s14+$0xFFFFFE00 ss:$0x1], $0xffff;
	v63 =	vadd.f32 v21, v20;
	v21 =	vpop (erf)  }
0x187: {  	v20 =	vld.idx.msk [tilespmem:v9+s14+$0xFFFFFE80 ss:$0x1], $0xffff;
	(erf) = vpow2.f32 v24;
	v22 =	vadd.f32 v22, v18;
	v18 =	vadd.f32 v21, v23;
	v23 =	vpop (erf)  }
0x188: {  	s5 =	simm.s32 $0x3600;
	v14 =	vmul.f32 $1.442695020e+00, v14;
	(erf) = vpow2.f32 v15;
	v21 =	vld.idx.msk [tilespmem:v9+s14+$0xFFFFFF00 ss:$0x1], $0xffff;
	v15 =	vadd.f32 v27, v63;
	v24 =	vpop (erf)  }
.LBB2_16:
0x189: {  	p3 =	sne.s32 s5, $0x9000;
	v27 =	vld.idx.msk [tilespmem:v9+s14+$0x80 ss:$0x1], $0xffff;
	(erf) = vpow2.f32 v25;
	v22 =	vadd.f32 v23, v22;
	v18 =	vadd.f32 v24, v18  }
0x18a: {  	v13 =	vsub.f32 v13, v10;
	v12 =	vsub.f32 v12, v10;
	(erf) = vpow2.f32 v14  }
0x18b: {  	v24 =	vsub.f32 v11, v10;
	v14 =	vsub.f32 v17, v10;
	(erf) = vpow2.f32 v26  }
0x18c: {  	s14 =	sshra.s32 s5, $0x2;
	v11 =	vsub.f32 v19, v10;
	v26 =	vsub.f32 v16, v10;
	v17 =	vmul.f32 $1.442695020e+00, v13;
	v28 =	vpop (erf)  }
0x18d: {  	v30 =	vsub.f32 v20, v10;
	v31 =	vmul.f32 $1.442695020e+00, v14;
	v14 =	vmul.f32 $1.442695020e+00, v12;
	v13 =	vld.idx.msk [tilespmem:v9+s14+$0x100 ss:$0x1], $0xffff;
	v23 =	vpop (erf)  }
0x18e: {  	v25 =	vmul.f32 $1.442695020e+00, v11;
	v21 =	vsub.f32 v21, v10;
	v29 =	vmul.f32 $1.442695020e+00, v26;
	v12 =	vld.idx.msk [tilespmem:v9+s14+$0x180 ss:$0x1], $0xffff;
	v16 =	vpop (erf)  }
0x18f: {  	v26 =	vmul.f32 $1.442695020e+00, v30;
	v27 =	vsub.f32 v27, v10;
	v11 =	vld.idx.msk [tilespmem:v9+s14+$0x200 ss:$0x1], $0xffff;
	(erf) = vpow2.f32 v17;
	v19 =	vpop (erf)  }
.Ltmp11:
0x190: {  	v21 =	vmul.f32 $1.442695020e+00, v21;
	v15 =	vadd.f32 v16, v15;
	v17 =	vld.idx.msk [tilespmem:v9+s14+$0xFFFFFF80 ss:$0x1], $0xffff;
	(erf) = vpow2.f32 v31;
	v20 =	vpop (erf);
	(pc) =	sbr.rel @p3 .LBB2_16-.Ltmp11, $4  }
0x191: {  	v22 =	vadd.f32 v19, v22;
	v16 =	vld.idx.msk [tilespmem:v9+s14+$0x0 ss:$0x1], $0xffff;
	(erf) = vpow2.f32 v25;
	v18 =	vadd.f32 v20, v18;
	v30 =	vpop (erf)  }
0x192: {  	v25 =	vmul.f32 $1.442695020e+00, v27;
	v15 =	vadd.f32 v23, v15;
	v19 =	vld.idx.msk [tilespmem:v9+s14+$0xFFFFFE00 ss:$0x1], $0xffff;
	(erf) = vpow2.f32 v26;
	v23 =	vpop (erf)  }
0x193: {  	v22 =	vadd.f32 v30, v22;
	v20 =	vld.idx.msk [tilespmem:v9+s14+$0xFFFFFE80 ss:$0x1], $0xffff;
	(erf) = vpow2.f32 v21;
	v18 =	vadd.f32 v23, v18;
	v23 =	vpop (erf)  }
0x194: {  	s5 =	sadd.s32 $0x1200, s5;
	v26 =	vmul.f32 $1.442695020e+00, v24;
	v15 =	vadd.f32 v28, v15;
	v21 =	vld.idx.msk [tilespmem:v9+s14+$0xFFFFFF00 ss:$0x1], $0xffff;
	(erf) = vpow2.f32 v29;
	v24 =	vpop (erf)  }
0x195: {  	_ =	sdelay $0x2  }
0x196: {  	v13 =	vsub.f32 v13, v10  }
0x197: {  	v9 =	vld.idx.msk [tilespmem:v9+s14+$0x80 ss:$0x1], $0xffff;
	(erf) = vpow2.f32 v25;
	v17 =	vsub.f32 v17, v10  }
0x198: {  	(erf) = vpow2.f32 v14;
	v33 =	vsub.f32 v19, v10;
	v13 =	vmul.f32 $1.442695020e+00, v13  }
0x199: {  	(erf) = vpow2.f32 v26;
	v17 =	vmul.f32 $1.442695020e+00, v17;
	v34 =	vsub.f32 v20, v10  }
0x19a: {  	v35 =	vpop (erf);
	v14 =	vmul.f32 $1.442695020e+00, v33;
	v21 =	vsub.f32 v21, v10;
	(erf) = vpow2.f32 v13  }
0x19b: {  	v36 =	vsub.f32 v16, v10;
	v37 =	vpop (erf);
	v19 =	vmul.f32 $1.442695020e+00, v34;
	(erf) = vpow2.f32 v17  }
0x19c: {  	v38 =	vpop (erf);
	v9 =	vsub.f32 v9, v10;
	v21 =	vmul.f32 $1.442695020e+00, v21;
	(erf) = vpow2.f32 v14  }
0x19d: {  	v12 =	vsub.f32 v12, v10;
	v13 =	vmul.f32 $1.442695020e+00, v36;
	v39 =	vpop (erf);
	(erf) = vpow2.f32 v19  }
0x19e: {  	v42 =	vsub.f32 v11, v10;
	v41 =	vpop (erf);
	v9 =	vmul.f32 $1.442695020e+00, v9;
	(erf) = vpow2.f32 v21  }
0x19f: {  	v40 =	vadd.f32 v23, v22;
	v43 =	vmul.f32 $1.442695020e+00, v12;
	v44 =	vpop (erf);
	(erf) = vpow2.f32 v13  }
0x1a0: {  	v45 =	vadd.f32 v24, v18;
	v10 =	vmul.f32 $1.442695020e+00, v42;
	v46 =	vpop (erf);
	(erf) = vpow2.f32 v9  }
0x1a1: {  	v15 =	vadd.f32 v38, v15;
	v47 =	vadd.f32 v39, v40;
	v48 =	vpop (erf);
	(erf) = vpow2.f32 v43  }
0x1a2: {  	v49 =	vadd.f32 v41, v45;
	v50 =	vpop (erf)  }
0x1a3: {  	v15 =	vadd.f32 v37, v15;
	v9 =	vadd.f32 v44, v47;
	(erf) = vpow2.f32 v10;
	v51 =	vpop (erf)  }
0x1a4: {  	v11 =	vadd.f32 v46, v49;
	v52 =	vpop (erf)  }
0x1a5: {  	v15 =	vadd.f32 v35, v15;
	v9 =	vadd.f32 v48, v9;
	v53 =	vpop (erf)  }
0x1a6: {  	v11 =	vadd.f32 v50, v11;
	v54 =	vpop (erf)  }
0x1a7: {  	v14 =	vadd.f32 v53, v15;
	v55 =	vpop (erf);
	v9 =	vadd.f32 v54, v9  }
0x1a8: {  	v11 =	vadd.f32 v55, v11;
	v56 =	vpop (erf)  }
0x1a9: {  	v12 =	vadd.f32 v52, v14;
	v57 =	vpop (erf);
	v9 =	vadd.f32 v56, v9  }
0x1aa: {  	v11 =	vadd.f32 v57, v11;
	v58 =	vpop (erf)  }
0x1ab: {  	v10 =	vadd.f32 v51, v12;
	v9 =	vadd.f32 v58, v9  }
0x1ac: {  	v59 =	vpop (erf)  }
0x1ad: {  	v11 =	vadd.f32 v59, v11;
	v9 =	vadd.f32 v9, v10;
	_ =	sdelay $0x1  }
0x1ae: {  	v9 =	vadd.f32 v11, v9;
	_ =	sdelay $0x1  }
0x1af: {  	(erf) = vrcp.f32 v9;
	_ =	sdelay $0x4  }
0x1b0: {  	v7 =	vsel vm0, v7, v8  }
0x1b1: {  	v8 =	vor.u32 s24, v0;
	v60 =	vshll.u32 v7, $0x7  }
0x1b2: {  	v61 =	vor.u32 v8, v60;
	_ =	sdelay $0x1  }
0x1b3: {  	v7 =	vcvt.s32.f32 v7;
	v62 =	vpop (erf)  }
0x1b4: {  	[tilespmem:v6+s24+$0x1D000 ss:$0x1] =	vst.idx.msk $0xffff, v62  }
0x1b5: {  	[tilespmem:v6+s24+$0x1D400 ss:$0x1] =	vst.idx.msk $0xffff, v7  }
0x1b6: {  	v8 =	vadd.s32 v8, v60;
	v7 =	vld.idx.msk [tilespmem:v61+s29+$0x0], $0xffff  }
0x1b7: {  	v9 =	vadd.s32 $0x2880, v8;
	_ =	sdelay $0x3  }
0x1b8: {  	[tilespmem:s24+$0x1BE00] =	vst v7  }
0x1b9: {  	v7 =	vld.idx.msk [tilespmem:v9+s29+$0x0], $0xffff  }
0x1ba: {  	v63 =	vadd.s32 $0x5100, v8;
	_ =	sdelay $0x3  }
0x1bb: {  	[tilespmem:s24+$0x1BE80] =	vst v7  }
0x1bc: {  	v7 =	vld.idx.msk [tilespmem:v63+s29+$0x0], $0xffff  }
0x1bd: {  	v8 =	vadd.s32 $0x7980, v8;
	_ =	sdelay $0x3  }
0x1be: {  	s12 =	sadd.s32 $0x1, s12;
	[tilespmem:s24+$0x1BF00] =	vst v7  }
0x1bf: {  	p3 =	sne.s32 s12, $0x8;
	v7 =	vld.idx.msk [tilespmem:v8+s29+$0x0], $0xffff  }
.Ltmp12:
0x1c0: {  	_ = 	snop;
	(pc) =	sbr.rel @p3 .LBB2_13-.Ltmp12, $2  }
0x1c1: {  	_ =	sdelay $0x2  }
0x1c2: {  	s23 =	sadd.s32 $0x10, s23;
	[tilespmem:s24+$0x1BF80] =	vst v7  }
0x1c3: {  	s0 =	rddreg [dreg:$0x0];
	s2 =	simm.s32 @!p2 $0x400  }
0x1c4: {  	s5 =	simm.s32 @!p2 $0x27400;
	s0 =	sadd.s32 @!p2 s0, s9;
	s9 =	simm.s32 @!p2 $0x0  }
0x1c5: {  	[tilespmem:s9], [sflag:$0x1] =	stream.strided.gather @!p2 [hbm4b:s0+s2], $0x2800, s5, s2, $0x38;
	[tilespmem:$0x1D800] =	vst v63  }
0x1c6: {  	s0 =	sadd.s32 @!p2 $0x31100, s0;
	s2 =	simm.s32 @!p2 $0x2800  }
0x1c7: {  	[tilespmem:s2], [sflag:$0x1] =	stream.linear.gather @!p2 [hbm4b:s0+s9], $0x80, $0x38;
	[tilespmem:$0x1D800] =	vst v63  }
0x1c8: {  	s0 =	sadd.s32 $0x3, s8  }
0x1c9: {  	p2 =	sge.u32 s0, s7  }
0x1ca: {  	s0 =	sshll.u32 @!p2 s0, $0x7  }
0x1cb: {  	s0 =	sadd.s32 @!p2 s6, s0  }
0x1cc: {  	s2 =	rddreg [dreg:$0x2];
	s5 =	simm.s32 @!p2 $0x27400;
	s0 =	sand.u32 @!p2 $0x1FFFFF80, s0  }
0x1cd: {  	s8 =	simm.s32 @!p2 $0xD000;
	s0 =	sadd.s32 @!p2 s2, s0;
	s2 =	simm.s32 @!p2 $0x400  }
0x1ce: {  	[tilespmem:s8], [sflag:$0x3] =	stream.strided.gather @!p2 [hbm4b:s0+s2], $0xA000, s5, s2, $0x38;
	[tilespmem:$0x1D800] =	vst v63  }
0x1cf: {  	s0 =	sadd.s32 @!p2 $0xC4400, s0  }
0x1d0: {  	s2 =	simm.s32 @!p2 $0x0;
	s5 =	simm.s32 @!p2 $0x17000;
	s8 =	simm.s32 $0x0  }
0x1d1: {  	[tilespmem:s5], [sflag:$0x3] =	stream.linear.gather @!p2 [hbm4b:s0+s2], $0x200, $0x38;
	[tilespmem:$0x1D800] =	vst v63  }
0x1d2: {  	v6 =	vld [tilespmem:s8+$0x1BF00]  }
0x1d3: {  	v8 =	vld [tilespmem:s8+$0x1BF80];
	_ =	sdelay $0x1  }
0x1d4: {  	v7 =	vmov s17;
	_ =	sdelay $0x1  }
0x1d5: {  	v6 =	vmul.f32 $2.000000030e-01, v6  }
0x1d6: {  	v8 =	vmul.f32 $2.000000030e-01, v8  }
0x1d7: {  	v6 =	vmul.f32 $1.442695020e+00, v6  }
0x1d8: {  	v10 =	vld.idx.msk [tilespmem:v7+s8+$0x100 ss:$0x1], $0xffff;
	v8 =	vmul.f32 $1.442695020e+00, v8  }
0x1d9: {  	v11 =	vld.idx.msk [tilespmem:v7+s8+$0x0 ss:$0x1], $0xffff;
	(erf) = vpow2.f32 v6  }
0x1da: {  	v9 =	vld.idx.msk [tilespmem:v7+s8+$0x180 ss:$0x1], $0xffff;
	(erf) = vpow2.f32 v8  }
0x1db: {  	v8 =	vld.idx.msk [tilespmem:v7+s8+$0x80 ss:$0x1], $0xffff  }
0x1dc: {  	v6 =	vld [tilespmem:s8+$0x1BE00]  }
0x1dd: {  	v12 =	vld [tilespmem:s8+$0x1BE80]  }
0x1de: {  	v10 =	vsub.f32 v10, v11;
	_ =	sdelay $0x1  }
0x1df: {  	v14 =	vmul.f32 $5.000000000e-01, v10;
	v9 =	vsub.f32 v9, v8  }
0x1e0: {  	v13 =	vmul.f32 $1.000000010e-01, v6  }
0x1e1: {  	v12 =	vmul.f32 $1.000000010e-01, v12;
	v11 =	vadd.f32 v14, v11;
	v15 =	vmul.f32 $5.000000000e-01, v9;
	v16 =	vpop (erf)  }
0x1e2: {  	v6 =	vmov s16;
	v13 =	vmul.f32 v10, v13;
	v10 =	vmul.f32 v10, v16;
	v60 =	vpop (erf)  }
0x1e3: {  	v12 =	vmul.f32 v9, v12;
	v15 =	vadd.f32 v15, v8;
	v14 =	vmul.f32 v9, v60  }
0x1e4: {  	v11 =	vadd.f32 v11, v13;
	v8 =	vmov s13;
	v10 =	vmul.f32 $5.000000000e-01, v10  }
0x1e5: {  	v9 =	vmov s11;
	v12 =	vadd.f32 v15, v12;
	v61 =	vmul.f32 $5.000000000e-01, v14  }
0x1e6: {  	v62 =	vsub.f32 v11, v10  }
0x1e7: {  	v63 =	vadd.f32 v11, v10;
	v10 =	vmov s10;
	v15 =	vsub.f32 v12, v61  }
0x1e8: {  	[tilespmem:v6+s8+$0x0 ss:$0x1] =	vst.idx.msk $0xffff, v62  }
0x1e9: {  	[tilespmem:v8+s8+$0x0 ss:$0x1] =	vst.idx.msk $0xffff, v15  }
0x1ea: {  	s9 =	simm.s32 $0x80;
	s5 =	simm.s32 $0x40;
	v11 =	vadd.f32 v12, v61;
	[tilespmem:v9+s8+$0x0 ss:$0x1] =	vst.idx.msk $0xffff, v63  }
.LBB2_19:
0x1eb: {  	p2 =	sne.s32 s9, $0x1C0  }
0x1ec: {  	[tilespmem:v10+s8+$0x0 ss:$0x1] =	vst.idx.msk $0xffff, v11;
	s8 =	sshra.s32 s5, $0x2;
	s5 =	smov.u32 s9;
	s9 =	sadd.s32 $0x40, s9  }
0x1ed: {  	v11 =	vld [tilespmem:s8+$0x1BF00]  }
0x1ee: {  	v12 =	vld [tilespmem:s8+$0x1BF80];
	_ =	sdelay $0x3  }
0x1ef: {  	v11 =	vmul.f32 $2.000000030e-01, v11  }
0x1f0: {  	v12 =	vmul.f32 $2.000000030e-01, v12  }
0x1f1: {  	v13 =	vld.idx.msk [tilespmem:v7+s8+$0x180 ss:$0x1], $0xffff;
	v11 =	vmul.f32 $1.442695020e+00, v11  }
0x1f2: {  	v14 =	vld.idx.msk [tilespmem:v7+s8+$0x100 ss:$0x1], $0xffff;
	v12 =	vmul.f32 $1.442695020e+00, v12  }
0x1f3: {  	v15 =	vld.idx.msk [tilespmem:v7+s8+$0x0 ss:$0x1], $0xffff;
	(erf) = vpow2.f32 v11  }
0x1f4: {  	v11 =	vld.idx.msk [tilespmem:v7+s8+$0x80 ss:$0x1], $0xffff;
	(erf) = vpow2.f32 v12;
	_ =	sdelay $0x1  }
0x1f5: {  	v12 =	vld [tilespmem:s8+$0x1BE00]  }
0x1f6: {  	v16 =	vld [tilespmem:s8+$0x1BE80];
	_ =	sdelay $0x1  }
0x1f7: {  	v14 =	vsub.f32 v14, v15  }
0x1f8: {  	v13 =	vsub.f32 v13, v11  }
0x1f9: {  	v20 =	vmul.f32 $5.000000000e-01, v14;
	v12 =	vmul.f32 $1.000000010e-01, v12  }
0x1fa: {  	v18 =	vmul.f32 $5.000000000e-01, v13;
	v16 =	vmul.f32 $1.000000010e-01, v16;
	v19 =	vpop (erf)  }
0x1fb: {  	v15 =	vadd.f32 v20, v15;
	v12 =	vmul.f32 v14, v12;
	v14 =	vmul.f32 v14, v19;
	v17 =	vpop (erf)  }
0x1fc: {  	v11 =	vadd.f32 v18, v11;
	v16 =	vmul.f32 v13, v16;
	v13 =	vmul.f32 v13, v17  }
0x1fd: {  	v12 =	vadd.f32 v15, v12;
	v14 =	vmul.f32 $5.000000000e-01, v14  }
0x1fe: {  	v11 =	vadd.f32 v11, v16;
	v13 =	vmul.f32 $5.000000000e-01, v13  }
.Ltmp13:
0x1ff: {  	v15 =	vsub.f32 v12, v14;
	(pc) =	sbr.rel @p2 .LBB2_19-.Ltmp13, $4  }
0x200: {  	v16 =	vsub.f32 v11, v13  }
0x201: {  	v12 =	vadd.f32 v12, v14;
	[tilespmem:v6+s8+$0x0 ss:$0x1] =	vst.idx.msk $0xffff, v15  }
0x202: {  	v11 =	vadd.f32 v11, v13;
	[tilespmem:v8+s8+$0x0 ss:$0x1] =	vst.idx.msk $0xffff, v16  }
0x203: {  	[tilespmem:v9+s8+$0x0 ss:$0x1] =	vst.idx.msk $0xffff, v12  }
0x204: {  	_ =	sdelay $0x3  }
0x205: {  	s0 =	sshra.s32 s5, $0x2;
	[tilespmem:v10+s8+$0x0 ss:$0x1] =	vst.idx.msk $0xffff, v11  }
0x206: {  	v11 =	vld [tilespmem:s0+$0x1BF00]  }
0x207: {  	v12 =	vld [tilespmem:s0+$0x1BF80];
	_ =	sdelay $0x3  }
0x208: {  	v11 =	vmul.f32 $2.000000030e-01, v11  }
0x209: {  	v12 =	vmul.f32 $2.000000030e-01, v12  }
0x20a: {  	v11 =	vmul.f32 $1.442695020e+00, v11  }
0x20b: {  	v13 =	vld.idx.msk [tilespmem:v7+s0+$0x180 ss:$0x1], $0xffff;
	v12 =	vmul.f32 $1.442695020e+00, v12  }
0x20c: {  	v14 =	vld.idx.msk [tilespmem:v7+s0+$0x100 ss:$0x1], $0xffff;
	(erf) = vpow2.f32 v11  }
0x20d: {  	v60 =	vld.idx.msk [tilespmem:v7+s0+$0x0 ss:$0x1], $0xffff;
	(erf) = vpow2.f32 v12  }
0x20e: {  	v7 =	vld.idx.msk [tilespmem:v7+s0+$0x80 ss:$0x1], $0xffff  }
0x20f: {  	v61 =	vld [tilespmem:s0+$0x1BE00]  }
0x210: {  	v15 =	vld [tilespmem:s0+$0x1BE80];
	_ =	sdelay $0x1  }
0x211: {  	v14 =	vsub.f32 v14, v60  }
0x212: {  	v13 =	vsub.f32 v13, v7  }
0x213: {  	v16 =	vmul.f32 $5.000000000e-01, v14;
	v12 =	vmul.f32 $1.000000010e-01, v61  }
0x214: {  	v15 =	vmul.f32 $1.000000010e-01, v15;
	v17 =	vmul.f32 $5.000000000e-01, v13;
	v18 =	vpop (erf)  }
0x215: {  	v11 =	vadd.f32 v16, v60;
	v12 =	vmul.f32 v14, v12;
	v14 =	vmul.f32 v14, v18;
	v62 =	vpop (erf)  }
0x216: {  	v15 =	vmul.f32 v13, v15;
	v7 =	vadd.f32 v17, v7;
	v13 =	vmul.f32 v13, v62  }
0x217: {  	v11 =	vadd.f32 v11, v12;
	v63 =	vmul.f32 $5.000000000e-01, v14  }
0x218: {  	v7 =	vadd.f32 v7, v15;
	v13 =	vmul.f32 $5.000000000e-01, v13  }
0x219: {  	v14 =	vsub.f32 v11, v63  }
.Ltmp14:
0x21a: {  	v15 =	vsub.f32 v7, v13;
	(pc) =	sbr.rel .LBB2_21-.Ltmp14, $4  }
0x21b: {  	v11 =	vadd.f32 v11, v63;
	[tilespmem:v6+s0+$0x0 ss:$0x1] =	vst.idx.msk $0xffff, v14  }
0x21c: {  	v6 =	vadd.f32 v7, v13;
	[tilespmem:v8+s0+$0x0 ss:$0x1] =	vst.idx.msk $0xffff, v15  }
0x21d: {  	[tilespmem:v9+s0+$0x0 ss:$0x1] =	vst.idx.msk $0xffff, v11  }
0x21e: {  	[tilespmem:v10+s0+$0x0 ss:$0x1] =	vst.idx.msk $0xffff, v6  }
.LBB2_22:
.Ltmp15:
0x21f: {  	(pc) =	sbr.rel @p1 .LBB2_28-.Ltmp15, $2  }
0x220: {  	_ =	sdelay $0x2  }
0x221: {  	s20 =	simm.s32 $0x0;
	s5 =	rddreg [dreg:$0x15]  }
0x222: {  	s8 =	simm.s32 $0x8  }
0x223: {  	v7 =	vimm.f32 $-Inf;
	v6 =	vimm.s32 $0x0;
	s10 =	simm.s32 $0x2;
	s9 =	simm.s32 $0x5;
	v8 =	vmov s8  }
0x224: {  	v10 =	vmov s10;
	v11 =	vmov s9;
	v9 =	vand.u32 $0x7F, v8  }
0x225: {  	v8 =	vshll.u32 v8, $0x3;
	v12 =	vshll.u32 v10, $0x3;
	v13 =	vshll.u32 v11, $0x3  }
0x226: {  	v10 =	vand.u32 $0x7F, v10;
	v11 =	vand.u32 $0x7F, v11;
	v12 =	vand.u32 $0xC00, v12  }
0x227: {  	s13 =	simm.s32 $0x1;
	v8 =	vand.u32 $0xC00, v8;
	v13 =	vand.u32 $0xC00, v13;
	v10 =	vor.u32 v12, v10  }
0x228: {  	v11 =	vor.u32 v13, v11;
	v8 =	vor.u32 v8, v9;
	v9 =	vmov s13  }
0x229: {  	s12 =	simm.s32 $0x4;
	s11 =	simm.s32 $0x7;
	v12 =	vor.u32 v1, v10;
	v14 =	vor.u32 v1, v11;
	v13 =	vor.u32 v1, v8  }
0x22a: {  	s0 =	rddreg [dreg:$0x3];
	s30 =	simm.s32 $0x4;
	v8 =	vmov s12;
	v10 =	vmov s11;
	v11 =	vshll.u32 v9, $0x3  }
0x22b: {  	[tilespmem:s4], [sflag:$0x4] =	stream.linear.gather [hbm4b:s0+s20], $0x4000, $0x38;
	v19 =	vand.u32 $0x7F, v9;
	v9 =	vimm.s32 $0x0;
	v16 =	vand.u32 $0x7F, v8;
	[tilespmem:$0x1D800] =	vst v63  }
0x22c: {  	_ =	swait.ge [sflag:s30], $0x4000;
	v15 =	vand.u32 $0x7F, v10;
	v10 =	vshll.u32 v10, $0x3;
	v8 =	vshll.u32 v8, $0x3  }
0x22d: {  	[sflag:s30] =	ssyncset.done $0x0;
	v20 =	vand.u32 $0xC00, v11;
	v11 =	vimm.f32 $-Inf;
	v18 =	vand.u32 $0xC00, v8  }
0x22e: {  	s16 =	simm.s32 $0x0;
	s17 =	simm.s32 $0x11;
	[sflag:s30] =	ssyncadd.s32 $0xFFFFC000;
	v17 =	vand.u32 $0xC00, v10;
	v10 =	vimm.f32 $-Inf;
	v8 =	vimm.s32 $0x0  }
.LBB2_24:
0x22f: {  	p2 =	sne.s32 s17, $0x50;
	v21 =	vmov s16;
	v19 =	vor.u32 v20, v19;
	v15 =	vor.u32 v17, v15  }
0x230: {  	s14 =	sadd.s32 $0xFFFFFFFB, s8;
	v16 =	vor.u32 v18, v16;
	v17 =	vshll.u32 v21, $0x3;
	v19 =	vor.u32 v1, v19  }
0x231: {  	s15 =	sadd.s32 $0xFFFFFFFE, s8;
	v18 =	vand.u32 $0x7F, v21;
	v20 =	vmov s14;
	v17 =	vand.u32 $0x400, v17  }
0x232: {  	v21 =	vmov s15;
	v17 =	vor.u32 v17, v18;
	v18 =	vshll.u32 v20, $0x3  }
0x233: {  	v20 =	vand.u32 $0x7F, v20;
	v17 =	vor.u32 v1, v17;
	v18 =	vand.u32 $0xC00, v18  }
0x234: {  	v16 =	vor.u32 v1, v16;
	v18 =	vor.u32 v18, v20;
	v20 =	vshll.u32 v21, $0x3;
	v22 =	vld.idx.msk [tilespmem:v13+s4+$0x0], $0xffff  }
0x235: {  	v13 =	vor.u32 v1, v18;
	v18 =	vld.idx.msk [tilespmem:v14+s4+$0x0], $0xffff;
	v14 =	vand.u32 $0x7F, v21;
	v20 =	vand.u32 $0xC00, v20  }
0x236: {  	v21 =	vmov s17;
	v23 =	vld.idx.msk [tilespmem:v12+s4+$0x0], $0xffff;
	v12 =	vor.u32 v20, v14;
	v14 =	vor.u32 v1, v15  }
0x237: {  	s18 =	sadd.s32 $0xFFFFFFFA, s17;
	s5 =	sadd.s32 $0xFFFFFFFD, s17;
	v15 =	vand.u32 $0x7F, v21;
	v20 =	vshll.u32 v21, $0x3;
	v19 =	vld.idx.msk [tilespmem:v19+s4+$0x0], $0xffff;
	v21 =	vor.u32 v1, v12  }
0x238: {  	v24 =	vmov s5;
	v12 =	vmov s18;
	v20 =	vand.u32 $0xC00, v20;
	v17 =	vld.idx.msk [tilespmem:v17+s4+$0x0], $0xffff  }
0x239: {  	v26 =	vand.u32 $0x7F, v24;
	v24 =	vshll.u32 v24, $0x3;
	v25 =	vshll.u32 v12, $0x3;
	v16 =	vld.idx.msk [tilespmem:v16+s4+$0x0], $0xffff  }
0x23a: {  	v24 =	vand.u32 $0xC00, v24;
	v12 =	vand.u32 $0x7F, v12;
	v25 =	vand.u32 $0xC00, v25;
	v27 =	vld.idx.msk [tilespmem:v13+s4+$0x0], $0xffff  }
0x23b: {  	v15 =	vor.u32 v20, v15;
	v12 =	vor.u32 v25, v12;
	v13 =	vor.u32 v24, v26;
	v20 =	vld.idx.msk [tilespmem:v14+s4+$0x0], $0xffff  }
0x23c: {  	s0 =	sadd.s32 $0xFFFFFFF9, s17;
	s2 =	sadd.s32 $0xFFFFFFFC, s17;
	s19 =	sadd.s32 $0xFFFFFFFF, s17;
	v12 =	vor.u32 v1, v12;
	v14 =	vor.u32 v1, v13;
	v13 =	vor.u32 v1, v15;
	v15 =	vld.idx.msk [tilespmem:v21+s4+$0x0], $0xffff  }
0x23d: {  	v24 =	vmov s2;
	v25 =	vmov s19;
	v21 =	vmov s0  }
0x23e: {  	vm2 =	vgt.f32 v23, v11;
	vm1 =	vgt.f32 v19, v10;
	vm0 =	vgt.f32 v17, v7  }
0x23f: {  	v11 =	vsel vm2, v23, v11;
	v10 =	vsel vm1, v19, v10;
	v7 =	vsel vm0, v17, v7  }
0x240: {  	vm5 =	vgt.f32 v18, v11;
	vm4 =	vgt.f32 v16, v10;
	vm3 =	vgt.f32 v27, v7  }
0x241: {  	v11 =	vsel vm5, v18, v11;
	v10 =	vsel vm4, v16, v10;
	v7 =	vsel vm3, v27, v7  }
0x242: {  	vm8 =	vgt.f32 v22, v11;
	vm7 =	vgt.f32 v20, v10;
	vm6 =	vgt.f32 v15, v7  }
0x243: {  	v11 =	vsel vm8, v22, v11;
	v10 =	vsel vm7, v20, v10;
	v7 =	vsel vm6, v15, v7  }
0x244: {  	v8 =	vsel vm2, s10, v8;
	s10 =	smov.u32 s18;
	v9 =	vsel vm1, s13, v9;
	s13 =	smov.u32 s0;
	v6 =	vsel vm0, s16, v6  }
.Ltmp16:
0x245: {  	v8 =	vsel vm5, s9, v8;
	s9 =	smov.u32 s5;
	v9 =	vsel vm4, s12, v9;
	s12 =	smov.u32 s2;
	v6 =	vsel vm3, s14, v6;
	(pc) =	sbr.rel @p2 .LBB2_24-.Ltmp16, $4  }
0x246: {  	v8 =	vsel vm8, s8, v8;
	s8 =	smov.u32 s17;
	v9 =	vsel vm7, s11, v9;
	s11 =	smov.u32 s19;
	v6 =	vsel vm6, s15, v6  }
0x247: {  	v17 =	vshll.u32 v25, $0x3;
	v16 =	vand.u32 $0x7F, v24;
	v15 =	vand.u32 $0x7F, v25  }
0x248: {  	v19 =	vand.u32 $0x7F, v21;
	v18 =	vshll.u32 v21, $0x3;
	v21 =	vshll.u32 v24, $0x3  }
0x249: {  	v17 =	vand.u32 $0xC00, v17;
	s17 =	sadd.s32 $0x9, s17;
	s16 =	sadd.s32 $0xFFFFFFF8, s8;
	v20 =	vand.u32 $0xC00, v18;
	v18 =	vand.u32 $0xC00, v21  }
0x24a: {  	v21 =	vmov s16  }
0x24b: {  	v19 =	vor.u32 v20, v19;
	v16 =	vor.u32 v18, v16;
	v15 =	vor.u32 v17, v15  }
0x24c: {  	s0 =	sadd.s32 $0xFFFFFFFB, s8;
	s2 =	sadd.s32 $0xFFFFFFFE, s8;
	v20 =	vshll.u32 v21, $0x3;
	v19 =	vor.u32 v1, v19;
	v21 =	vand.u32 $0x7F, v21  }
0x24d: {  	v22 =	vmov s0;
	v23 =	vmov s2;
	v20 =	vand.u32 $0x400, v20  }
0x24e: {  	v16 =	vor.u32 v1, v16;
	v20 =	vor.u32 v20, v21;
	v21 =	vshll.u32 v22, $0x3  }
0x24f: {  	v22 =	vand.u32 $0x7F, v22;
	v20 =	vor.u32 v1, v20;
	v21 =	vand.u32 $0xC00, v21  }
0x250: {  	v12 =	vld.idx.msk [tilespmem:v12+s4+$0x0], $0xffff;
	v15 =	vor.u32 v1, v15;
	v18 =	vor.u32 v21, v22;
	v21 =	vshll.u32 v23, $0x3  }
0x251: {  	v14 =	vld.idx.msk [tilespmem:v14+s4+$0x0], $0xffff;
	v22 =	vand.u32 $0x7F, v23;
	v18 =	vor.u32 v1, v18;
	v21 =	vand.u32 $0xC00, v21  }
0x252: {  	v19 =	vld.idx.msk [tilespmem:v19+s4+$0x0], $0xffff;
	v21 =	vor.u32 v21, v22  }
0x253: {  	v16 =	vld.idx.msk [tilespmem:v16+s4+$0x0], $0xffff;
	v17 =	vor.u32 v1, v21  }
0x254: {  	v20 =	vld.idx.msk [tilespmem:v20+s4+$0x0], $0xffff  }
0x255: {  	vm2 =	vgt.f32 v12, v11;
	v15 =	vld.idx.msk [tilespmem:v15+s4+$0x0], $0xffff  }
0x256: {  	s21 =	simm.s32 $0xE;
	v11 =	vsel vm2, v12, v11;
	v18 =	vld.idx.msk [tilespmem:v18+s4+$0x0], $0xffff  }
0x257: {  	v12 =	vld.idx.msk [tilespmem:v13+s4+$0x0], $0xffff;
	vm5 =	vgt.f32 v14, v11;
	v22 =	vmov s21  }
0x258: {  	v11 =	vsel vm5, v14, v11;
	v24 =	vand.u32 $0x7F, v22;
	vm1 =	vgt.f32 v19, v10;
	v17 =	vld.idx.msk [tilespmem:v17+s4+$0x0], $0xffff  }
0x259: {  	v22 =	vshll.u32 v22, $0x3;
	v10 =	vsel vm1, v19, v10;
	vm0 =	vgt.f32 v20, v7  }
0x25a: {  	s15 =	simm.s32 $0x0;
	v9 =	vsel vm1, s13, v9;
	vm4 =	vgt.f32 v16, v10;
	v7 =	vsel vm0, v20, v7  }
0x25b: {  	v19 =	vmov s15;
	v10 =	vsel vm4, v16, v10;
	vm3 =	vgt.f32 v18, v7  }
0x25c: {  	s17 =	simm.s32 $0x6;
	vm7 =	vgt.f32 v15, v10;
	v6 =	vsel vm0, s16, v6;
	v7 =	vsel vm3, v18, v7  }
0x25d: {  	vm0 =	vgt.f32 v12, v11;
	v20 =	vmov s17;
	vm6 =	vgt.f32 v17, v7  }
0x25e: {  	v11 =	vsel vm0, v12, v11;
	v6 =	vsel vm3, s0, v6;
	v13 =	vsel vm6, v17, v7  }
0x25f: {  	v7 =	vsel vm4, s12, v9;
	v9 =	vsel vm7, v15, v10;
	v6 =	vsel vm6, s2, v6  }
0x260: {  	v10 =	vsel vm7, s11, v7;
	vm1 =	veq.f32 v9, v13;
	v7 =	vsel vm2, s10, v8  }
0x261: {  	vm2 =	vgt.f32 v9, v13;
	s11 =	simm.s32 $0x2;
	vm3 =	vlt.s32 v10, v6;
	v7 =	vsel vm5, s9, v7  }
0x262: {  	v12 =	vmov s11;
	vm1 =	vmand vm1, vm3;
	v7 =	vsel vm0, s8, v7  }
0x263: {  	v14 =	vand.u32 $0x7F, v12;
	v12 =	vshll.u32 v12, $0x3;
	vm1 =	vmor vm2, vm1  }
0x264: {  	s14 =	simm.s32 $0x1;
	s12 =	simm.s32 $0x5;
	v12 =	vand.u32 $0xC00, v12;
	v9 =	vsel vm1, v9, v13;
	v8 =	vsel vm1, v10, v6  }
0x265: {  	v13 =	vmov s12;
	v12 =	vor.u32 v12, v14;
	v14 =	vmov s14  }
0x266: {  	vm0 =	veq.f32 v11, v9;
	vm1 =	vlt.s32 v7, v8;
	vm2 =	vgt.f32 v11, v9  }
0x267: {  	v15 =	vshll.u32 v13, $0x3;
	v13 =	vand.u32 $0x7F, v13;
	vm0 =	vmand vm0, vm1  }
0x268: {  	s10 =	simm.s32 $0x8;
	v18 =	vshll.u32 v14, $0x3;
	v14 =	vand.u32 $0x7F, v14;
	vm0 =	vmor vm2, vm0  }
0x269: {  	v15 =	vand.u32 $0xC00, v15;
	v6 =	vsel vm0, v11, v9;
	v9 =	vmov s10  }
0x26a: {  	s16 =	simm.s32 $0x3;
	v18 =	vand.u32 $0xC00, v18;
	v10 =	vand.u32 $0x7F, v9;
	v9 =	vshll.u32 v9, $0x3  }
0x26b: {  	s5 =	simm.s32 $0x4;
	v14 =	vor.u32 v18, v14;
	v18 =	vmov s16;
	v9 =	vand.u32 $0xC00, v9  }
0x26c: {  	v9 =	vor.u32 v9, v10;
	v10 =	vor.u32 v15, v13;
	v15 =	vmov s5  }
0x26d: {  	v12 =	vor.u32 v1, v12;
	v21 =	vshll.u32 v18, $0x3;
	v16 =	vshll.u32 v15, $0x3  }
0x26e: {  	v18 =	vand.u32 $0x7F, v18;
	v15 =	vand.u32 $0x7F, v15;
	v16 =	vand.u32 $0xC00, v16  }
0x26f: {  	v9 =	vor.u32 v1, v9;
	v15 =	vor.u32 v16, v15;
	v16 =	vshll.u32 v19, $0x3  }
0x270: {  	s13 =	simm.s32 $0x7;
	v10 =	vor.u32 v1, v10;
	v19 =	vand.u32 $0x7F, v19;
	v16 =	vand.u32 $0x400, v16  }
0x271: {  	v14 =	vor.u32 v1, v14;
	v13 =	vmov s13;
	v16 =	vor.u32 v16, v19  }
0x272: {  	v17 =	vand.u32 $0x7F, v13;
	v19 =	vand.u32 $0xC00, v21;
	v16 =	vor.u32 v1, v16  }
0x273: {  	v12 =	vld.idx.msk [tilespmem:v12+s4+$0x0], $0xffff;
	v13 =	vshll.u32 v13, $0x3;
	v18 =	vor.u32 v19, v18;
	v19 =	vshll.u32 v20, $0x3  }
0x274: {  	v20 =	vand.u32 $0x7F, v20;
	v9 =	vld.idx.msk [tilespmem:v9+s4+$0x0], $0xffff;
	v18 =	vor.u32 v1, v18;
	v19 =	vand.u32 $0xC00, v19  }
0x275: {  	s18 =	simm.s32 $0x11;
	v13 =	vand.u32 $0xC00, v13;
	v15 =	vor.u32 v1, v15;
	v10 =	vld.idx.msk [tilespmem:v10+s4+$0x0], $0xffff;
	v19 =	vor.u32 v19, v20  }
0x276: {  	v13 =	vor.u32 v13, v17;
	v20 =	vmov s18;
	v19 =	vor.u32 v1, v19  }
0x277: {  	v13 =	vor.u32 v1, v13;
	v17 =	vand.u32 $0x7F, v20;
	v20 =	vshll.u32 v20, $0x3;
	v16 =	vld.idx.msk [tilespmem:v16+s4+$0x0], $0xffff  }
0x278: {  	s19 =	simm.s32 $0xB;
	v22 =	vand.u32 $0xC00, v22;
	v14 =	vld.idx.msk [tilespmem:v14+s4+$0x0], $0xffff;
	v12 =	vsub.f32 v12, v6;
	v20 =	vand.u32 $0xC00, v20  }
0x279: {  	v21 =	vmov s19;
	v17 =	vor.u32 v20, v17;
	v20 =	vsub.f32 v9, v6;
	v18 =	vld.idx.msk [tilespmem:v18+s4+$0x0], $0xffff  }
0x27a: {  	v23 =	vand.u32 $0x7F, v21;
	v21 =	vshll.u32 v21, $0x3;
	v15 =	vld.idx.msk [tilespmem:v15+s4+$0x0], $0xffff;
	v10 =	vsub.f32 v10, v6  }
0x27b: {  	v12 =	vmul.f32 $1.442695020e+00, v12;
	v9 =	vor.u32 v1, v17;
	v17 =	vmul.f32 $1.442695020e+00, v20;
	v19 =	vld.idx.msk [tilespmem:v19+s4+$0x0], $0xffff  }
0x27c: {  	v21 =	vand.u32 $0xC00, v21;
	v13 =	vld.idx.msk [tilespmem:v13+s4+$0x0], $0xffff;
	v10 =	vmul.f32 $1.442695020e+00, v10;
	v16 =	vsub.f32 v16, v6  }
0x27d: {  	v14 =	vsub.f32 v14, v6;
	v20 =	vor.u32 v22, v24;
	(erf) = vpow2.f32 v17  }
0x27e: {  	(erf) = vpow2.f32 v10;
	v17 =	vsub.f32 v18, v6;
	v16 =	vmul.f32 $1.442695020e+00, v16  }
0x27f: {  	v10 =	vmul.f32 $1.442695020e+00, v14;
	v14 =	vsub.f32 v15, v6;
	(erf) = vpow2.f32 v12  }
0x280: {  	v12 =	vmul.f32 $1.442695020e+00, v17;
	v15 =	vsub.f32 v19, v6;
	(erf) = vpow2.f32 v16  }
0x281: {  	s24 =	simm.s32 $0xD;
	v14 =	vmul.f32 $1.442695020e+00, v14;
	v16 =	vsub.f32 v13, v6;
	(erf) = vpow2.f32 v10  }
0x282: {  	v18 =	vmov s24;
	v15 =	vmul.f32 $1.442695020e+00, v15;
	(erf) = vpow2.f32 v12  }
0x283: {  	s22 =	simm.s32 $0x10;
	v10 =	vor.u32 v21, v23;
	v12 =	vmul.f32 $1.442695020e+00, v16;
	(erf) = vpow2.f32 v14  }
0x284: {  	s23 =	simm.s32 $0xA;
	v14 =	vor.u32 v1, v10;
	v10 =	vmov s22;
	(erf) = vpow2.f32 v15  }
0x285: {  	v17 =	vmov s23;
	(erf) = vpow2.f32 v12;
	v12 =	vshll.u32 v18, $0x3  }
0x286: {  	v13 =	vor.u32 v1, v20;
	v19 =	vshll.u32 v17, $0x3;
	v20 =	vand.u32 $0xC00, v12  }
0x287: {  	v17 =	vand.u32 $0x7F, v17;
	v15 =	vand.u32 $0x7F, v10;
	v16 =	vshll.u32 v10, $0x3;
	v10 =	vpop (erf)  }
0x288: {  	s30 =	simm.s32 $0x9;
	v18 =	vand.u32 $0x7F, v18;
	v12 =	vpop (erf)  }
0x289: {  	s25 =	simm.s32 $0xC;
	v25 =	vmov s30;
	v21 =	vand.u32 $0xC00, v19;
	v19 =	vor.u32 v20, v18;
	v20 =	vpop (erf)  }
0x28a: {  	s28 =	simm.s32 $0xF;
	v11 =	vimm.f32 $0.0e+00;
	v22 =	vor.u32 v21, v17;
	v18 =	vmov s25;
	v17 =	vpop (erf)  }
0x28b: {  	v21 =	vmov s28;
	v23 =	vand.u32 $0x7F, v18;
	v17 =	vadd.f32 v17, v11;
	v26 =	vpop (erf)  }
0x28c: {  	s8 =	simm.s32 $0x1A;
	v24 =	vshll.u32 v18, $0x3;
	v18 =	vadd.f32 v26, v11;
	v11 =	vadd.f32 v20, v11;
	v20 =	vpop (erf)  }
.LBB2_26:
0x28d: {  	p2 =	sne.s32 s8, $0x50;
	v26 =	vand.u32 $0x7F, v25;
	v25 =	vshll.u32 v25, $0x3;
	v17 =	vadd.f32 v20, v17;
	v20 =	vpop (erf)  }
0x28e: {  	v25 =	vand.u32 $0x400, v25;
	v18 =	vadd.f32 v20, v18;
	v11 =	vadd.f32 v12, v11;
	v12 =	vpop (erf)  }
0x28f: {  	v24 =	vand.u32 $0xC00, v24;
	v20 =	vor.u32 v25, v26;
	v17 =	vadd.f32 v12, v17;
	v12 =	vpop (erf)  }
0x290: {  	v20 =	vor.u32 v1, v20;
	v18 =	vadd.f32 v12, v18;
	v11 =	vadd.f32 v10, v11  }
0x291: {  	v10 =	vor.u32 v1, v22;
	v12 =	vor.u32 v24, v23;
	v22 =	vshll.u32 v21, $0x3  }
0x292: {  	v21 =	vand.u32 $0x7F, v21;
	v12 =	vor.u32 v1, v12;
	v22 =	vand.u32 $0xC00, v22;
	v9 =	vld.idx.msk [tilespmem:v9+s4+$0x0], $0xffff  }
0x293: {  	v19 =	vor.u32 v1, v19;
	v16 =	vand.u32 $0xC00, v16;
	v21 =	vor.u32 v22, v21;
	v13 =	vld.idx.msk [tilespmem:v13+s4+$0x0], $0xffff  }
0x294: {  	v15 =	vor.u32 v16, v15;
	v22 =	vmov s8;
	v21 =	vor.u32 v1, v21;
	v14 =	vld.idx.msk [tilespmem:v14+s4+$0x0], $0xffff  }
0x295: {  	s0 =	sadd.s32 $0xFFFFFFFA, s8;
	s2 =	sadd.s32 $0xFFFFFFFD, s8;
	v15 =	vor.u32 v1, v15;
	v16 =	vand.u32 $0x7F, v22;
	v22 =	vshll.u32 v22, $0x3;
	v20 =	vld.idx.msk [tilespmem:v20+s4+$0x0], $0xffff  }
0x296: {  	v23 =	vmov s0;
	v24 =	vmov s2;
	v22 =	vand.u32 $0xC00, v22;
	v10 =	vld.idx.msk [tilespmem:v10+s4+$0x0], $0xffff  }
0x297: {  	v25 =	vand.u32 $0x7F, v23;
	v26 =	vand.u32 $0x7F, v24;
	v24 =	vshll.u32 v24, $0x3;
	v12 =	vld.idx.msk [tilespmem:v12+s4+$0x0], $0xffff  }
0x298: {  	v23 =	vshll.u32 v23, $0x3;
	v16 =	vor.u32 v22, v16;
	v22 =	vsub.f32 v9, v6;
	v19 =	vld.idx.msk [tilespmem:v19+s4+$0x0], $0xffff  }
0x299: {  	v23 =	vand.u32 $0xC00, v23;
	v24 =	vand.u32 $0xC00, v24;
	v13 =	vsub.f32 v13, v6;
	v21 =	vld.idx.msk [tilespmem:v21+s4+$0x0], $0xffff  }
0x29a: {  	v9 =	vor.u32 v1, v16;
	v14 =	vsub.f32 v14, v6;
	v16 =	vmul.f32 $1.442695020e+00, v22;
	v15 =	vld.idx.msk [tilespmem:v15+s4+$0x0], $0xffff  }
0x29b: {  	v22 =	vor.u32 v24, v26;
	v20 =	vsub.f32 v20, v6;
	v13 =	vmul.f32 $1.442695020e+00, v13  }
0x29c: {  	v10 =	vsub.f32 v10, v6;
	v14 =	vmul.f32 $1.442695020e+00, v14;
	(erf) = vpow2.f32 v16  }
0x29d: {  	v16 =	vmul.f32 $1.442695020e+00, v20;
	v12 =	vsub.f32 v12, v6;
	(erf) = vpow2.f32 v13  }
0x29e: {  	v10 =	vmul.f32 $1.442695020e+00, v10;
	v13 =	vsub.f32 v19, v6;
	(erf) = vpow2.f32 v14  }
0x29f: {  	v12 =	vmul.f32 $1.442695020e+00, v12;
	v14 =	vsub.f32 v21, v6;
	(erf) = vpow2.f32 v16  }
0x2a0: {  	v16 =	vmul.f32 $1.442695020e+00, v13;
	v15 =	vsub.f32 v15, v6;
	(erf) = vpow2.f32 v10  }
0x2a1: {  	v10 =	vor.u32 v23, v25;
	v19 =	vmul.f32 $1.442695020e+00, v14;
	(erf) = vpow2.f32 v12  }
0x2a2: {  	s0 =	sadd.s32 $0xFFFFFFFF, s8;
	v13 =	vor.u32 v1, v22;
	v12 =	vmul.f32 $1.442695020e+00, v15;
	(erf) = vpow2.f32 v16  }
0x2a3: {  	s5 =	sadd.s32 $0xFFFFFFFC, s8;
	s2 =	sadd.s32 $0xFFFFFFF9, s8;
	v21 =	vmov s0;
	v14 =	vor.u32 v1, v10;
	(erf) = vpow2.f32 v19  }
0x2a4: {  	v20 =	vmov s5;
	v19 =	vmov s2;
	(erf) = vpow2.f32 v12  }
0x2a5: {  	v23 =	vshll.u32 v20, $0x3;
	v15 =	vand.u32 $0x7F, v21;
	v16 =	vshll.u32 v21, $0x3;
	v10 =	vpop (erf)  }
.Ltmp17:
0x2a6: {  	v24 =	vand.u32 $0x7F, v20;
	v22 =	vand.u32 $0xC00, v23;
	v21 =	vshll.u32 v19, $0x3;
	v12 =	vpop (erf);
	(pc) =	sbr.rel @p2 .LBB2_26-.Ltmp17, $4  }
0x2a7: {  	s0 =	sadd.s32 $0xFFFFFFFB, s8;
	s2 =	sadd.s32 $0xFFFFFFFE, s8;
	v23 =	vand.u32 $0x7F, v19;
	v19 =	vor.u32 v22, v24;
	v21 =	vand.u32 $0xC00, v21;
	v20 =	vpop (erf)  }
0x2a8: {  	s5 =	sadd.s32 $0xFFFFFFF8, s8;
	v24 =	vmov s0;
	v22 =	vor.u32 v21, v23;
	v21 =	vmov s2;
	v26 =	vpop (erf)  }
0x2a9: {  	v25 =	vmov s5;
	v23 =	vand.u32 $0x7F, v24;
	v17 =	vadd.f32 v26, v17;
	v26 =	vpop (erf)  }
0x2aa: {  	s8 =	sadd.s32 $0x9, s8;
	v24 =	vshll.u32 v24, $0x3;
	v11 =	vadd.f32 v20, v11;
	v18 =	vadd.f32 v26, v18;
	v20 =	vpop (erf)  }
0x2ab: {  	v26 =	vshll.u32 v25, $0x3  }
0x2ac: {  	v52 =	vand.u32 $0x7F, v25;
	v26 =	vand.u32 $0x400, v26  }
0x2ad: {  	v25 =	vor.u32 v26, v52  }
0x2ae: {  	v25 =	vor.u32 v1, v25;
	_ =	sdelay $0x1  }
0x2af: {  	v9 =	vld.idx.msk [tilespmem:v9+s4+$0x0], $0xffff  }
0x2b0: {  	v24 =	vand.u32 $0xC00, v24;
	v22 =	vor.u32 v1, v22;
	v13 =	vld.idx.msk [tilespmem:v13+s4+$0x0], $0xffff;
	v54 =	vshll.u32 v21, $0x3  }
0x2b1: {  	v55 =	vand.u32 $0x7F, v21;
	v19 =	vor.u32 v1, v19;
	v23 =	vor.u32 v24, v23  }
0x2b2: {  	v16 =	vand.u32 $0xC00, v16;
	v23 =	vor.u32 v1, v23;
	v53 =	vld.idx.msk [tilespmem:v25+s4+$0x0], $0xffff;
	v25 =	vand.u32 $0xC00, v54  }
0x2b3: {  	v14 =	vld.idx.msk [tilespmem:v14+s4+$0x0], $0xffff;
	v7 =	vsel vm0, v7, v8;
	v15 =	vor.u32 v16, v15;
	v21 =	vor.u32 v25, v55  }
0x2b4: {  	v60 =	vadd.s32 $0xF3, v7;
	v9 =	vsub.f32 v9, v6;
	v21 =	vor.u32 v1, v21  }
0x2b5: {  	v62 =	vadd.s32 $0x144, v7;
	v15 =	vor.u32 v1, v15;
	v13 =	vsub.f32 v13, v6  }
0x2b6: {  	v61 =	vshll.u32 v60, $0x3;
	v63 =	vshll.u32 v62, $0x3;
	v22 =	vld.idx.msk [tilespmem:v22+s4+$0x0], $0xffff;
	v9 =	vmul.f32 $1.442695020e+00, v9  }
0x2b7: {  	v26 =	vand.u32 $0x7F, v62;
	v24 =	vand.u32 $0xFFFFFC00, v63;
	v23 =	vld.idx.msk [tilespmem:v23+s4+$0x0], $0xffff;
	v13 =	vmul.f32 $1.442695020e+00, v13  }
0x2b8: {  	v27 =	vadd.s32 v1, v24;
	v14 =	vsub.f32 v14, v6;
	v57 =	vld.idx.msk [tilespmem:v19+s4+$0x0], $0xffff;
	(erf) = vpow2.f32 v9  }
0x2b9: {  	v19 =	vand.u32 $0x7F, v60;
	(erf) = vpow2.f32 v13;
	v13 =	vand.u32 $0xFFFFFC00, v61;
	v21 =	vld.idx.msk [tilespmem:v21+s4+$0x0], $0xffff  }
0x2ba: {  	v28 =	vor.u32 v26, v27;
	v15 =	vld.idx.msk [tilespmem:v15+s4+$0x0], $0xffff;
	v13 =	vadd.s32 v1, v13;
	v56 =	vsub.f32 v53, v6  }
0x2bb: {  	v14 =	vmul.f32 $1.442695020e+00, v14;
	v22 =	vsub.f32 v22, v6;
	v13 =	vor.u32 v19, v13  }
0x2bc: {  	v38 =	vadd.f32 v20, v17;
	v59 =	vsub.f32 v23, v6;
	v58 =	vmul.f32 $1.442695020e+00, v56  }
0x2bd: {  	v8 =	vsub.f32 v57, v6;
	(erf) = vpow2.f32 v14;
	v22 =	vmul.f32 $1.442695020e+00, v22  }
0x2be: {  	v16 =	vmul.f32 $1.442695020e+00, v59;
	(erf) = vpow2.f32 v58;
	v29 =	vsub.f32 v21, v6  }
0x2bf: {  	v14 =	vld.idx.msk [tilespmem:v28+s4+$0x0], $0xffff;
	v8 =	vmul.f32 $1.442695020e+00, v8;
	(erf) = vpow2.f32 v22;
	v6 =	vsub.f32 v15, v6  }
0x2c0: {  	v34 =	vpop (erf);
	v30 =	vadd.s32 $0x51, v7;
	v13 =	vld.idx.msk [tilespmem:v13+s4+$0x0], $0xffff;
	(erf) = vpow2.f32 v16;
	v31 =	vmul.f32 $1.442695020e+00, v29  }
0x2c1: {  	v40 =	vadd.f32 v34, v18;
	(erf) = vpow2.f32 v8;
	v6 =	vmul.f32 $1.442695020e+00, v6  }
0x2c2: {  	v37 =	vpop (erf);
	v11 =	vadd.f32 v12, v11;
	v32 =	vshll.u32 v30, $0x3;
	(erf) = vpow2.f32 v31  }
0x2c3: {  	v35 =	vand.u32 $0x7F, v30;
	v39 =	vpop (erf);
	v33 =	vand.u32 $0xFFFFFC00, v32;
	(erf) = vpow2.f32 v6  }
0x2c4: {  	v36 =	vadd.s32 v1, v33;
	v9 =	vadd.f32 v37, v38;
	v41 =	vpop (erf);
	v6 =	vadd.s32 $0xA2, v7  }
0x2c5: {  	v14 =	vmul.f32 $2.000000030e-01, v14;
	v43 =	vpop (erf);
	v13 =	vmul.f32 $2.000000030e-01, v13;
	v42 =	vshll.u32 v6, $0x3  }
0x2c6: {  	v47 =	vld.idx.msk [tilespmem:v2+s4+$0x0], $0xffff;
	v8 =	vor.u32 v35, v36;
	v44 =	vpop (erf);
	v15 =	vadd.f32 v39, v40;
	v18 =	vand.u32 $0xFFFFFC00, v42  }
0x2c7: {  	v49 =	vld.idx.msk [tilespmem:v3+s4+$0x0], $0xffff;
	v13 =	vmul.f32 $1.442695020e+00, v13;
	v6 =	vand.u32 $0x7F, v6;
	v45 =	vpop (erf);
	v18 =	vadd.s32 v1, v18  }
0x2c8: {  	v51 =	vld.idx.msk [tilespmem:v4+s4+$0x0], $0xffff;
	v10 =	vadd.f32 v10, v11;
	v14 =	vmul.f32 $1.442695020e+00, v14;
	v46 =	vpop (erf);
	v6 =	vor.u32 v6, v18  }
0x2c9: {  	v53 =	vld.idx.msk [tilespmem:v5+s4+$0x0], $0xffff;
	(erf) = vpow2.f32 v13;
	v9 =	vadd.f32 v45, v9;
	v11 =	vadd.f32 v46, v15;
	v48 =	vpop (erf)  }
0x2ca: {  	v10 =	vadd.f32 v44, v10;
	v50 =	vpop (erf);
	(erf) = vpow2.f32 v14  }
0x2cb: {  	v8 =	vld.idx.msk [tilespmem:v8+s4+$0x0], $0xffff;
	v9 =	vadd.f32 v48, v9;
	v11 =	vadd.f32 v50, v11;
	v52 =	vpop (erf)  }
0x2cc: {  	v10 =	vadd.f32 v43, v10;
	v54 =	vpop (erf)  }
0x2cd: {  	v6 =	vld.idx.msk [tilespmem:v6+s4+$0x0], $0xffff;
	v9 =	vadd.f32 v52, v9;
	v11 =	vadd.f32 v54, v11  }
0x2ce: {  	v55 =	vsub.f32 v51, v47;
	v56 =	vsub.f32 v53, v49  }
0x2cf: {  	v10 =	vadd.f32 v41, v10;
	v9 =	vadd.f32 v11, v9  }
0x2d0: {  	v8 =	vmul.f32 $1.000000010e-01, v8  }
0x2d1: {  	v57 =	vmul.f32 $5.000000000e-01, v55;
	v58 =	vmul.f32 $5.000000000e-01, v56;
	v9 =	vadd.f32 v10, v9  }
0x2d2: {  	v8 =	vmul.f32 v55, v8;
	v59 =	vpop (erf);
	v6 =	vmul.f32 $1.000000010e-01, v6  }
0x2d3: {  	v11 =	vmul.f32 v55, v59;
	v60 =	vpop (erf);
	v10 =	vadd.f32 v57, v47;
	(erf) = vrcp.f32 v9  }
0x2d4: {  	v61 =	vadd.f32 v58, v49;
	v12 =	vmul.f32 v56, v60;
	v6 =	vmul.f32 v56, v6  }
0x2d5: {  	v62 =	vmul.f32 $5.000000000e-01, v11;
	v8 =	vadd.f32 v10, v8  }
0x2d6: {  	v7 =	vcvt.s32.f32 v7;
	v63 =	vmul.f32 $5.000000000e-01, v12;
	v6 =	vadd.f32 v61, v6  }
0x2d7: {  	s0 =	rddreg [dreg:$0xd];
	v11 =	vsub.f32 v8, v62;
	v8 =	vadd.f32 v8, v62  }
0x2d8: {  	[tilespmem:s0+$0x1D400] =	vst v7;
	v12 =	vsub.f32 v6, v63;
	v6 =	vadd.f32 v6, v63  }
.Ltmp18:
0x2d9: {  	[tilespmem:s0+$0x1C000] =	vst v11;
	(pc) =	sbr.rel .LBB2_28-.Ltmp18, $4  }
0x2da: {  	[tilespmem:s0+$0x1C800] =	vst v8  }
0x2db: {  	[tilespmem:s0+$0x1C400] =	vst v12  }
0x2dc: {  	[tilespmem:s0+$0x1CC00] =	vst v6;
	v6 =	vpop (erf)  }
0x2dd: {  	s5 =	rddreg [dreg:$0x15];
	[tilespmem:s0+$0x1D000] =	vst v6  }
.LBB2_29:
0x2de: {  	_ =	sfence.sel $0x180000  }
0x2df: {  	[bflag:$0x0] =	sbarrier.arrive $0xFFFF  }
0x2e0: {  	_ =	strace $0x90000047  }
0x2e1: {  	s0 =	stileid.u32;
	[bflag:$0x2] =	sbarrier.arrive $0xFFFF  }
0x2e2: {  	p0 =	sne.s32 s0, $0x0;
	s0 =	rddreg [dreg:$0x5]  }
0x2e3: {  	s0 =	sadd.s32 @!p0 $0x100000, s0  }
0x2e4: {  	[sflag:s0] =	ssyncadd.tile.s32 @!p0 $0x1;
	_ =	shalt  }
.Lfunc_end2:
_tile_overlayer_lowered:
.L_overlay_start_2:
0x2e5: {  	(tag) =	ssettag $0x2  }
0x2e6: {  	s0 =	rddreg [dreg:$0x0];
	s2 =	stileid.u32  }
0x2e7: {  	s1 =	rddreg [dreg:$0x1];
	p0 =	sne.s32 s2, $0x0  }
0x2e8: {  	s3 =	rddreg [dreg:$0x2];
	[bflag:$0x3] =	sbarrier.arrive $0xFFFF;
	s2 =	simm.s32 @!p0 $0x1C05  }
0x2e9: {  	[timem:s3], [sflag:s2] =	dma.local @!p0 [hbm:s0], s1  }
0x2ea: {  	s0 =	simm.s32 @!p0 $0x5  }
0x2eb: {  	_ =	swait.ge @!p0 [sflag:s0], s1  }
0x2ec: {  	s1 =	ssub.s32 @!p0 $0x0, s1;
	[sflag:s0] =	ssyncset.done @!p0 $0x0  }
0x2ed: {  	[sflag:s0] =	ssyncadd.s32 @!p0 s1  }
0x2ee: {  	[bflag:$0x3] =	sbarrier.arrive $0xFFFF  }
0x2ef: {  	_ =	shalt  }

</sc_bundles>
